<compile_context>
chip_gen: v7x
topology: tpu7x:2x2x1
jax: 0.10.2.dev20260603
libtpu: 0.0.44.dev20260713+nightly
codegen_flags: <defaults>
</compile_context>

<pallas_src>
import functools

import jax
import jax.numpy as jnp
from jax import lax
from jax.experimental import pallas as pl
from jax.experimental.pallas import tpu as pltpu
from jax.experimental.pallas import tpu_sc as plsc

BS = 256
L = 68
S = 224
IMG = S * S
RR = 49
Q = 56
PERB = L * Q
NW = 32
IPW = BS // NW
NV = PERB // 16

BB_IDX = 32
BB_LOSS = 8


def _idx_body(lmx, lmy, bx, by, sf, xi, xj, loc_o, mult_o):
    flmx = (lmx[...] - bx[...]) * sf[...] / 224.0 * 2.0 - 1.0
    flmy = (lmy[...] - by[...]) * sf[...] / 224.0 * 2.0 - 1.0
    gx = flmx + xj[...]
    gy = flmy + xi[...]
    ixf = (gx + 1.0) * 224.0 / 2.0 - 0.5
    iyf = (gy + 1.0) * 224.0 / 2.0 - 0.5
    ixn = jnp.round(ixf).astype(jnp.int32)
    iyn = jnp.round(iyf).astype(jnp.int32)
    valid = (ixn >= 0) & (ixn < S) & (iyn >= 0) & (iyn < S)
    qio = lax.broadcasted_iota(jnp.int32, (BB_IDX, Q, L), 1)
    loc_o[...] = jnp.clip(iyn, 0, S - 1) * 256 + jnp.clip(ixn, 0, S - 1)
    mult_o[...] = (valid & (qio < RR)).astype(jnp.float32)


def _compute_indices(lmx, lmy, bx, by, sf, xi, xj):
    return pl.pallas_call(
        _idx_body,
        grid=(BS // BB_IDX,),
        in_specs=[
            pl.BlockSpec((BB_IDX, 1, L), lambda i: (i, 0, 0)),
            pl.BlockSpec((BB_IDX, 1, L), lambda i: (i, 0, 0)),
            pl.BlockSpec((BB_IDX, 1, 1), lambda i: (i, 0, 0)),
            pl.BlockSpec((BB_IDX, 1, 1), lambda i: (i, 0, 0)),
            pl.BlockSpec((BB_IDX, 1, 1), lambda i: (i, 0, 0)),
            pl.BlockSpec((1, Q, 1), lambda i: (0, 0, 0)),
            pl.BlockSpec((1, Q, 1), lambda i: (0, 0, 0)),
        ],
        out_specs=[
            pl.BlockSpec((BB_IDX, Q, L), lambda i: (i, 0, 0)),
            pl.BlockSpec((BB_IDX, Q, L), lambda i: (i, 0, 0)),
        ],
        out_shape=[
            jax.ShapeDtypeStruct((BS, Q, L), jnp.int32),
            jax.ShapeDtypeStruct((BS, Q, L), jnp.float32),
        ],
    )(lmx, lmy, bx, by, sf, xi, xj)


def _sc_select(depth, loc):
    mesh = plsc.VectorSubcoreMesh(core_axis_name="c", subcore_axis_name="s")
    col_starts = (0, 16, 32, 48, L - 16)

    @functools.partial(
        pl.kernel,
        mesh=mesh,
        out_type=jax.ShapeDtypeStruct((BS, Q, L), jnp.float32),
        scratch_types=[
            pltpu.VMEM((S, S), jnp.float32),
            pltpu.VMEM((S, S), jnp.float32),
            pltpu.VMEM((Q, L), jnp.int32),
            pltpu.VMEM((Q, L), jnp.float32),
            pltpu.SemaphoreType.DMA,
            pltpu.SemaphoreType.DMA,
        ],
        compiler_params=pltpu.CompilerParams(needs_layout_passes=False),
    )
    def k(depth_hbm, loc_hbm, out_hbm, img0_v, img1_v, loc_v, out_v, sem0,
          sem1):
        wid = lax.axis_index("s") * 2 + lax.axis_index("c")
        base = wid * IPW
        bufs = (img0_v, img1_v)
        sems = (sem0, sem1)

        def start(n):
            return pltpu.async_copy(
                depth_hbm.at[base + n, 0], bufs[n % 2], sems[n % 2])

        pending = start(0)
        for n in range(IPW):
            img_v = bufs[n % 2]
            cur = pending
            if n + 1 < IPW:
                pending = start(n + 1)
            pltpu.sync_copy(loc_hbm.at[base + n], loc_v)
            cur.wait()

            def body_r(r, c):
                for cs in col_starts:
                    idx = loc_v[r, pl.ds(cs, 16)]
                    iy = lax.shift_right_logical(idx, 8)
                    ix = lax.bitwise_and(idx, 255)
                    out_v[r, pl.ds(cs, 16)] = plsc.load_gather(
                        img_v, [iy, ix])
                return c

            lax.fori_loop(0, Q, body_r, 0)
            pltpu.sync_copy(out_v, out_hbm.at[base + n])

    return k(depth, loc)


def _loss_body(reg, mult, pred, mdiff_o, maskf_o, loss_o, accn, accd):
    B = BB_LOSS
    pid = pl.program_id(0)

    @pl.when(pid == 0)
    def _():
        accn[...] = jnp.zeros((1, 1), jnp.float32)
        accd[...] = jnp.zeros((1, 1), jnp.float32)

    x = reg[...] * mult[...]
    qm = lax.broadcasted_iota(jnp.int32, (B, Q, L), 1) < RR
    one = jnp.float32(1.0)
    zero = jnp.float32(0.0)
    x49 = x[:, 0:RR, :, ]
    tiny = jnp.where(x49 <= 1e-4, one, zero)
    pos = jnp.sum(tiny, axis=1, keepdims=True)
    k = jnp.floor((jnp.clip(pos, 1.0, RR - 1.0) + (RR - 1.0)) * 0.5)

    xv = x[:, None, :, :]
    xw = x49[:, :, None, :]
    lt = jnp.sum(jnp.where(xw < xv, one, zero), axis=1)
    sel = (lt <= k) & qm
    neg = jnp.float32(-jnp.inf)
    meds_l = jnp.max(jnp.where(sel, x, neg), axis=1, keepdims=True)
    meds_s = jnp.swapaxes(meds_l, 1, 2)

    k2 = jnp.float32((L - 1) // 2)
    c2 = meds_s < meds_l
    lt2 = jnp.sum(jnp.where(c2, one, zero), axis=1, keepdims=True)
    lower = jnp.max(jnp.where(lt2 <= k2, meds_l, neg), axis=(1, 2),
                    keepdims=True)

    thr = jnp.float32(90.0) / jnp.float32(500.0)
    mask_l = jnp.abs(meds_l - lower) < thr
    mask_s = jnp.abs(meds_s - lower) < thr
    mdiff = meds_s * 500.0 - meds_l * 500.0
    pm = jnp.where(mask_s & mask_l, one, zero)

    d = pred[...] - mdiff
    ad = jnp.abs(d)
    lel = jnp.where(ad < 1.0, 0.5 * d * d, ad - 0.5)
    nump = jnp.sum(lel * pm, axis=(0, 1, 2), keepdims=True)[0]
    denp = jnp.sum(pm, axis=(0, 1, 2), keepdims=True)[0]

    mdiff_o[...] = mdiff
    maskf_o[...] = pm
    accn[...] = accn[...] + nump
    accd[...] = accd[...] + denp

    @pl.when(pid == (BS // BB_LOSS) - 1)
    def _():
        loss_o[...] = accn[...] / (accd[...] + 0.0001)


def _compute_loss(regions, mult, rel_depth_pred):
    return pl.pallas_call(
        _loss_body,
        grid=(BS // BB_LOSS,),
        in_specs=[
            pl.BlockSpec((BB_LOSS, Q, L), lambda b: (b, 0, 0)),
            pl.BlockSpec((BB_LOSS, Q, L), lambda b: (b, 0, 0)),
            pl.BlockSpec((BB_LOSS, L, L), lambda b: (b, 0, 0)),
        ],
        out_specs=[
            pl.BlockSpec((BB_LOSS, L, L), lambda b: (b, 0, 0)),
            pl.BlockSpec((BB_LOSS, L, L), lambda b: (b, 0, 0)),
            pl.BlockSpec((1, 1), lambda b: (0, 0)),
        ],
        out_shape=[
            jax.ShapeDtypeStruct((BS, L, L), jnp.float32),
            jax.ShapeDtypeStruct((BS, L, L), jnp.float32),
            jax.ShapeDtypeStruct((1, 1), jnp.float32),
        ],
        scratch_shapes=[
            pltpu.VMEM((1, 1), jnp.float32),
            pltpu.VMEM((1, 1), jnp.float32),
        ],
    )(regions, mult, rel_depth_pred)


def kernel(rel_depth_pred, depth, landmarks, scale_factor, bbox):
    lmx = landmarks[:, :, 0][:, None, :]
    lmy = landmarks[:, :, 1][:, None, :]
    bx = bbox[:, 0:1, None]
    by = bbox[:, 1:2, None]
    sf = scale_factor[:, 0:1, None]

    xs = jnp.linspace(-3.5, 3.5, 7) / 224.0 * 2.0
    zeros7 = jnp.zeros((7,), xs.dtype)
    xj = jnp.concatenate([jnp.tile(xs, 7), zeros7]).reshape(1, Q, 1)
    xi = jnp.concatenate([jnp.repeat(xs, 7), zeros7]).reshape(1, Q, 1)

    loc, mult = _compute_indices(lmx, lmy, bx, by, sf, xi, xj)

    regions = _sc_select(depth, loc)

    mdiff, maskf, loss2d = _compute_loss(regions, mult, rel_depth_pred)
    return (loss2d[0, 0], mdiff, maskf)

# --- scband reference (transcript-rebuilt; emitter-appended) ---
"""Pipeline reference for scband-loss-rel-depth-58514634440839 (READ-ONLY COPY).

The authoritative reference and input builder live on the scoring server;
editing this copy changes nothing except your own understanding.
"""

import jax, jax.numpy as jnp
import numpy as np

REGION_SIZE = 7
DEPTH_SCALE = 500.0
VALID_DEPTH_RANGE = 90.0


def grid_sample_nearest_zeros(img, grid):
    # img: [bs, C, H, W]; grid: [bs, Ho, Wo, 2] normalized to [-1, 1], align_corners=False
    bs, C, H, W = img.shape
    gx = grid[..., 0]
    gy = grid[..., 1]
    ix = (gx + 1.0) * W / 2.0 - 0.5
    iy = (gy + 1.0) * H / 2.0 - 0.5
    ixn = jnp.round(ix).astype(jnp.int32)
    iyn = jnp.round(iy).astype(jnp.int32)
    valid = (ixn >= 0) & (ixn < W) & (iyn >= 0) & (iyn < H)
    ixc = jnp.clip(ixn, 0, W - 1)
    iyc = jnp.clip(iyn, 0, H - 1)
    b = jnp.arange(bs).reshape(bs, 1, 1)
    out = img[b, :, iyc, ixc]  # [bs, Ho, Wo, C]
    out = jnp.moveaxis(out, -1, 1)  # [bs, C, Ho, Wo]
    out = out * valid[:, None, :, :].astype(img.dtype)
    return out


def extract_landmark_depth(depth, landmark, scale_factor, bbox,
                           region_size=REGION_SIZE, depth_scale=DEPTH_SCALE,
                           valid_depth_range=VALID_DEPTH_RANGE):
    bs = depth.shape[0]
    img_size = depth.shape[3]
    L = landmark.shape[1]
    face_lm = (landmark - bbox[:, None, :2]) * scale_factor[:, None, :] / img_size * 2.0 - 1.0
    x = jnp.linspace(-region_size / 2, region_size / 2, region_size) / img_size * 2.0
    gi, gj = jnp.meshgrid(x, x, indexing='ij')
    base = jnp.stack([gj, gi], axis=2)  # matches torch meshgrid([x,x])[::-1] stacked on dim 2
    grid = face_lm.reshape(bs, L, 1, 1, 2) + base  # [bs, L, r, r, 2]
    regions = grid_sample_nearest_zeros(depth, grid.reshape(bs, L, region_size * region_size, 2))
    regions = regions[:, 0]  # [bs, L, r*r]
    srt = jnp.sort(regions, axis=2)
    rr = region_size * region_size
    # torch mask logic reduces to: st = index of first element > 1e-4, clamped to [1, rr-1]
    pos_count = jnp.sum((srt <= 0.0001).astype(jnp.int32), axis=2)  # [bs, L]
    st = jnp.clip(pos_count, 1, rr - 1)
    median_ind = (st + rr - 1) // 2
    median = jnp.take_along_axis(srt, median_ind[..., None], axis=2)[..., 0]  # [bs, L]
    # torch.median returns lower median for even counts
    med_sorted = jnp.sort(median, axis=1)
    lower_median = med_sorted[:, (L - 1) // 2]
    median_mask = jnp.abs(median - lower_median[:, None]) < (valid_depth_range / depth_scale)
    return median, median_mask


def setup_inputs(seed: int = 0) -> dict:
    key = jax.random.key(seed)
    k1, k2, k3 = jax.random.split(key, 3)
    bs, L, S = 256, 68, 224
    rel_depth_pred = jax.random.normal(k1, (bs, L, L), dtype=jnp.float32)
    depth = jax.random.uniform(k2, (bs, 1, S, S), dtype=jnp.float32)
    landmarks = jax.random.uniform(k3, (bs, L, 2), dtype=jnp.float32)
    scale_factor = jnp.ones((bs, 1), dtype=jnp.float32)
    bbox = jnp.zeros((bs, 4), dtype=jnp.float32)
    return {"rel_depth_pred": rel_depth_pred, "depth": depth, "landmarks": landmarks,
            "scale_factor": scale_factor, "bbox": bbox}


def reference(rel_depth_pred, depth, landmarks, scale_factor, bbox):
    median, median_mask = extract_landmark_depth(depth, landmarks, scale_factor, bbox)
    median = median * DEPTH_SCALE
    median_diff = median[:, :, None] - median[:, None, :]  # repeat_as_col - repeat_as_row
    median_rel_mask = (median_mask[:, :, None] & median_mask[:, None, :]).astype(rel_depth_pred.dtype)
    # crit = smooth_l1_loss (beta=1), reduction='none'
    d = rel_depth_pred - median_diff
    ad = jnp.abs(d)
    loss_ele = jnp.where(ad < 1.0, 0.5 * d * d, ad - 0.5)
    loss = jnp.sum(loss_ele * median_rel_mask) / (jnp.sum(median_rel_mask) + 0.0001)
    return (loss, median_diff, median_rel_mask)

if __name__ == "__main__":
    import jax
    _d = setup_inputs()
    print(jax.jit(kernel)(*tuple(_d.values())))

</pallas_src>

<mosaic_0001>
#map = affine_map<(d0, d1) -> (0, 0, 0, 0)>
#map1 = affine_map<(d0, d1) -> (0, 0, 0)>
module attributes {stable_mosaic.version = 14 : i64} {
  func.func @k(%arg0: i32, %arg1: i32, %arg2: memref<256x1x224x224xf32, #tpu.memory_space<hbm>>, %arg3: memref<256x56x68xi32, #tpu.memory_space<hbm>>, %arg4: memref<256x56x68xf32, #tpu.memory_space<hbm>>, %arg5: memref<224x224xf32, #tpu.memory_space<vmem>>, %arg6: memref<224x224xf32, #tpu.memory_space<vmem>>, %arg7: memref<56x68xi32, #tpu.memory_space<vmem>>, %arg8: memref<56x68xf32, #tpu.memory_space<vmem>>, %arg9: memref<!tpu.dma_semaphore, #tpu.memory_space<semaphore_mem>>, %arg10: memref<!tpu.dma_semaphore, #tpu.memory_space<semaphore_mem>>) attributes {dimension_semantics = [#tpu.dimension_semantics<core_parallel>, #tpu.dimension_semantics<subcore_parallel>], iteration_bounds = array<i64: 2, 16>, scalar_prefetch = 0 : i64, scratch_operands = 6 : i64, tpu.core_type = #tpu.core_type<sc_vector_subcore>, window_params = [{transform_indices = #map}, {transform_indices = #map1}, {transform_indices = #map1}]} {
    %mul3A = arith.constant 2 : i32
    %mul3A_0 = arith.muli %arg1, %mul3A : i32
    %add3A = arith.addi %mul3A_0, %arg0 : i32
    %mul3A_1 = arith.constant 8 : i32
    %mul3A_2 = arith.muli %add3A, %mul3A_1 : i32
    %add3A_3 = arith.constant 0 : i32
    %add3A_4 = arith.addi %mul3A_2, %add3A_3 : i32
    %dma_start3A = arith.constant 0 : i32
    %dma_start3A_5 = arith.constant 0 : i32
    %dma_start3A_6 = arith.constant 0 : i32
    %dma_start3A_7 = tpu.memref_slice %arg2[%add3A_4, %dma_start3A, %dma_start3A_5, %dma_start3A_6] : memref<256x1x224x224xf32, #tpu.memory_space<hbm>> -> memref<1x1x224x224xf32, #tpu.memory_space<hbm>>
    %dma_start3A_8 = tpu.memref_squeeze %dma_start3A_7 : memref<1x1x224x224xf32, #tpu.memory_space<hbm>> -> memref<224x224xf32, #tpu.memory_space<hbm>>
    %dma_start3A_9 = arith.constant 0 : i32
    %dma_start3A_10 = arith.constant 0 : i32
    %dma_start3A_11 = tpu.memref_slice %arg2[%add3A_4, %dma_start3A, %dma_start3A_9, %dma_start3A_10] : memref<256x1x224x224xf32, #tpu.memory_space<hbm>> -> memref<1x1x224x224xf32, #tpu.memory_space<hbm>>
    %dma_start3A_12 = tpu.memref_squeeze %dma_start3A_11 : memref<1x1x224x224xf32, #tpu.memory_space<hbm>> -> memref<224x224xf32, #tpu.memory_space<hbm>>
    tpu.enqueue_dma source(%dma_start3A_12 : memref<224x224xf32, #tpu.memory_space<hbm>>) target(%arg5 : memref<224x224xf32, #tpu.memory_space<vmem>>) target_semaphore(%arg9 : memref<!tpu.dma_semaphore, #tpu.memory_space<semaphore_mem>>)
    %add3A_13 = arith.constant 1 : i32
    %add3A_14 = arith.addi %mul3A_2, %add3A_13 : i32
    %dma_start3A_15 = arith.constant 0 : i32
    %dma_start3A_16 = arith.constant 0 : i32
    %dma_start3A_17 = arith.constant 0 : i32
    %dma_start3A_18 = tpu.memref_slice %arg2[%add3A_14, %dma_start3A_15, %dma_start3A_16, %dma_start3A_17] : memref<256x1x224x224xf32, #tpu.memory_space<hbm>> -> memref<1x1x224x224xf32, #tpu.memory_space<hbm>>
    %dma_start3A_19 = tpu.memref_squeeze %dma_start3A_18 : memref<1x1x224x224xf32, #tpu.memory_space<hbm>> -> memref<224x224xf32, #tpu.memory_space<hbm>>
    %dma_start3A_20 = arith.constant 0 : i32
    %dma_start3A_21 = arith.constant 0 : i32
    %dma_start3A_22 = tpu.memref_slice %arg2[%add3A_14, %dma_start3A_15, %dma_start3A_20, %dma_start3A_21] : memref<256x1x224x224xf32, #tpu.memory_space<hbm>> -> memref<1x1x224x224xf32, #tpu.memory_space<hbm>>
    %dma_start3A_23 = tpu.memref_squeeze %dma_start3A_22 : memref<1x1x224x224xf32, #tpu.memory_space<hbm>> -> memref<224x224xf32, #tpu.memory_space<hbm>>
    tpu.enqueue_dma source(%dma_start3A_23 : memref<224x224xf32, #tpu.memory_space<hbm>>) target(%arg6 : memref<224x224xf32, #tpu.memory_space<vmem>>) target_semaphore(%arg10 : memref<!tpu.dma_semaphore, #tpu.memory_space<semaphore_mem>>)
    %add3A_24 = arith.constant 0 : i32
    %add3A_25 = arith.addi %mul3A_2, %add3A_24 : i32
    "tpu.region"() ({
      %run_scoped3A = tpu.sem_alloc : memref<!tpu.dma_semaphore, #tpu.memory_space<semaphore_mem>>
      %dma_start3A_240 = arith.constant 0 : i32
      %dma_start3A_241 = arith.constant 0 : i32
      %dma_start3A_242 = tpu.memref_slice %arg3[%add3A_25, %dma_start3A_240, %dma_start3A_241] : memref<256x56x68xi32, #tpu.memory_space<hbm>> -> memref<1x56x68xi32, #tpu.memory_space<hbm>>
      %dma_start3A_243 = tpu.memref_squeeze %dma_start3A_242 : memref<1x56x68xi32, #tpu.memory_space<hbm>> -> memref<56x68xi32, #tpu.memory_space<hbm>>
      %dma_start3A_244 = arith.constant 0 : i32
      %dma_start3A_245 = arith.constant 0 : i32
      %dma_start3A_246 = tpu.memref_slice %arg3[%add3A_25, %dma_start3A_244, %dma_start3A_245] : memref<256x56x68xi32, #tpu.memory_space<hbm>> -> memref<1x56x68xi32, #tpu.memory_space<hbm>>
      %dma_start3A_247 = tpu.memref_squeeze %dma_start3A_246 : memref<1x56x68xi32, #tpu.memory_space<hbm>> -> memref<56x68xi32, #tpu.memory_space<hbm>>
      tpu.enqueue_dma source(%dma_start3A_247 : memref<56x68xi32, #tpu.memory_space<hbm>>) target(%arg7 : memref<56x68xi32, #tpu.memory_space<vmem>>) target_semaphore(%run_scoped3A : memref<!tpu.dma_semaphore, #tpu.memory_space<semaphore_mem>>)
      %dma_wait3A_248 = arith.constant 0 : i32
      %dma_wait3A_249 = arith.constant 0 : i32
      %dma_wait3A_250 = tpu.memref_slice %arg3[%add3A_25, %dma_wait3A_248, %dma_wait3A_249] : memref<256x56x68xi32, #tpu.memory_space<hbm>> -> memref<1x56x68xi32, #tpu.memory_space<hbm>>
      %dma_wait3A_251 = tpu.memref_squeeze %dma_wait3A_250 : memref<1x56x68xi32, #tpu.memory_space<hbm>> -> memref<56x68xi32, #tpu.memory_space<hbm>>
      %dma_wait3A_252 = arith.constant 0 : i32
      %dma_wait3A_253 = arith.constant 0 : i32
      %dma_wait3A_254 = tpu.memref_slice %arg3[%add3A_25, %dma_wait3A_252, %dma_wait3A_253] : memref<256x56x68xi32, #tpu.memory_space<hbm>> -> memref<1x56x68xi32, #tpu.memory_space<hbm>>
      %dma_wait3A_255 = tpu.memref_squeeze %dma_wait3A_254 : memref<1x56x68xi32, #tpu.memory_space<hbm>> -> memref<56x68xi32, #tpu.memory_space<hbm>>
      tpu.wait_dma2 semaphore(%run_scoped3A : memref<!tpu.dma_semaphore, #tpu.memory_space<semaphore_mem>>) src(%dma_wait3A_255 : memref<56x68xi32, #tpu.memory_space<hbm>>) dst(%arg7 : memref<56x68xi32, #tpu.memory_space<vmem>>)
      tpu.yield
    }) : () -> ()
    %dma_wait3A = arith.constant 0 : i32
    %dma_wait3A_26 = arith.constant 0 : i32
    %dma_wait3A_27 = arith.constant 0 : i32
    %dma_wait3A_28 = tpu.memref_slice %arg2[%add3A_4, %dma_wait3A, %dma_wait3A_26, %dma_wait3A_27] : memref<256x1x224x224xf32, #tpu.memory_space<hbm>> -> memref<1x1x224x224xf32, #tpu.memory_space<hbm>>
    %dma_wait3A_29 = tpu.memref_squeeze %dma_wait3A_28 : memref<1x1x224x224xf32, #tpu.memory_space<hbm>> -> memref<224x224xf32, #tpu.memory_space<hbm>>
    %dma_wait3A_30 = arith.constant 0 : i32
    %dma_wait3A_31 = arith.constant 0 : i32
    %dma_wait3A_32 = tpu.memref_slice %arg2[%add3A_4, %dma_wait3A, %dma_wait3A_30, %dma_wait3A_31] : memref<256x1x224x224xf32, #tpu.memory_space<hbm>> -> memref<1x1x224x224xf32, #tpu.memory_space<hbm>>
    %dma_wait3A_33 = tpu.memref_squeeze %dma_wait3A_32 : memref<1x1x224x224xf32, #tpu.memory_space<hbm>> -> memref<224x224xf32, #tpu.memory_space<hbm>>
    tpu.wait_dma2 semaphore(%arg9 : memref<!tpu.dma_semaphore, #tpu.memory_space<semaphore_mem>>) src(%dma_wait3A_33 : memref<224x224xf32, #tpu.memory_space<hbm>>) dst(%arg5 : memref<224x224xf32, #tpu.memory_space<vmem>>)
    %scan3A = arith.constant 0 : i32
    %scan3A_34 = arith.constant 0 : i32
    %scan3A_35 = arith.constant 56 : i32
    %scan3A_36 = arith.addi %scan3A_34, %scan3A_35 : i32
    %scan3A_37 = arith.constant 1 : i32
    scf.for %scan3A_240 = %scan3A_34 to %scan3A_36 step %scan3A_37  : i32 {
      %get3A = arith.index_cast %scan3A_240 : i32 to index
      %get3A_241 = arith.constant 0 : index
      %get3A_242 = tpu.vector_load %arg7[%get3A, %get3A_241] {strides = array<i32>} : memref<56x68xi32, #tpu.memory_space<vmem>>, vector<16xi32>,
      %shift_right_logical3A = arith.constant 8 : i32
      %shift_right_logical3A_243 = vector.broadcast %shift_right_logical3A : i32 to vector<16xi32>
      %shift_right_logical3A_244 = arith.shrui %get3A_242, %shift_right_logical3A_243 : vector<16xi32>
      %and3A = arith.constant 255 : i32
      %and3A_245 = vector.broadcast %and3A : i32 to vector<16xi32>
      %and3A_246 = arith.andi %get3A_242, %and3A_245 : vector<16xi32>
      %gather3A = tpu.vector_load_idx %arg5[%shift_right_logical3A_244, %and3A_246] : memref<224x224xf32, #tpu.memory_space<vmem>>[vector<16xi32>, vector<16xi32>], vector<16xf32>,
      %swap3A = arith.index_cast %scan3A_240 : i32 to index
      %swap3A_247 = arith.constant 0 : index
      %swap3A_248 = tpu.vector_load %arg8[%swap3A, %swap3A_247] {strides = array<i32>} : memref<56x68xf32, #tpu.memory_space<vmem>>, vector<16xf32>,
      tpu.vector_store %arg8[%swap3A, %swap3A_247], %gather3A {strides = array<i32>} : memref<56x68xf32, #tpu.memory_space<vmem>>, vector<16xf32>,
      %get3A_249 = arith.index_cast %scan3A_240 : i32 to index
      %get3A_250 = arith.constant 16 : index
      %get3A_251 = tpu.vector_load %arg7[%get3A_249, %get3A_250] {strides = array<i32>} : memref<56x68xi32, #tpu.memory_space<vmem>>, vector<16xi32>,
      %shift_right_logical3A_252 = arith.constant 8 : i32
      %shift_right_logical3A_253 = vector.broadcast %shift_right_logical3A_252 : i32 to vector<16xi32>
      %shift_right_logical3A_254 = arith.shrui %get3A_251, %shift_right_logical3A_253 : vector<16xi32>
      %and3A_255 = arith.constant 255 : i32
      %and3A_256 = vector.broadcast %and3A_255 : i32 to vector<16xi32>
      %and3A_257 = arith.andi %get3A_251, %and3A_256 : vector<16xi32>
      %gather3A_258 = tpu.vector_load_idx %arg5[%shift_right_logical3A_254, %and3A_257] : memref<224x224xf32, #tpu.memory_space<vmem>>[vector<16xi32>, vector<16xi32>], vector<16xf32>,
      %swap3A_259 = arith.index_cast %scan3A_240 : i32 to index
      %swap3A_260 = arith.constant 16 : index
      %swap3A_261 = tpu.vector_load %arg8[%swap3A_259, %swap3A_260] {strides = array<i32>} : memref<56x68xf32, #tpu.memory_space<vmem>>, vector<16xf32>,
      tpu.vector_store %arg8[%swap3A_259, %swap3A_260], %gather3A_258 {strides = array<i32>} : memref<56x68xf32, #tpu.memory_space<vmem>>, vector<16xf32>,
      %get3A_262 = arith.index_cast %scan3A_240 : i32 to index
      %get3A_263 = arith.constant 32 : index
      %get3A_264 = tpu.vector_load %arg7[%get3A_262, %get3A_263] {strides = array<i32>} : memref<56x68xi32, #tpu.memory_space<vmem>>, vector<16xi32>,
      %shift_right_logical3A_265 = arith.constant 8 : i32
      %shift_right_logical3A_266 = vector.broadcast %shift_right_logical3A_265 : i32 to vector<16xi32>
      %shift_right_logical3A_267 = arith.shrui %get3A_264, %shift_right_logical3A_266 : vector<16xi32>
      %and3A_268 = arith.constant 255 : i32
      %and3A_269 = vector.broadcast %and3A_268 : i32 to vector<16xi32>
      %and3A_270 = arith.andi %get3A_264, %and3A_269 : vector<16xi32>
      %gather3A_271 = tpu.vector_load_idx %arg5[%shift_right_logical3A_267, %and3A_270] : memref<224x224xf32, #tpu.memory_space<vmem>>[vector<16xi32>, vector<16xi32>], vector<16xf32>,
      %swap3A_272 = arith.index_cast %scan3A_240 : i32 to index
      %swap3A_273 = arith.constant 32 : index
      %swap3A_274 = tpu.vector_load %arg8[%swap3A_272, %swap3A_273] {strides = array<i32>} : memref<56x68xf32, #tpu.memory_space<vmem>>, vector<16xf32>,
      tpu.vector_store %arg8[%swap3A_272, %swap3A_273], %gather3A_271 {strides = array<i32>} : memref<56x68xf32, #tpu.memory_space<vmem>>, vector<16xf32>,
      %get3A_275 = arith.index_cast %scan3A_240 : i32 to index
      %get3A_276 = arith.constant 48 : index
      %get3A_277 = tpu.vector_load %arg7[%get3A_275, %get3A_276] {strides = array<i32>} : memref<56x68xi32, #tpu.memory_space<vmem>>, vector<16xi32>,
      %shift_right_logical3A_278 = arith.constant 8 : i32
      %shift_right_logical3A_279 = vector.broadcast %shift_right_logical3A_278 : i32 to vector<16xi32>
      %shift_right_logical3A_280 = arith.shrui %get3A_277, %shift_right_logical3A_279 : vector<16xi32>
      %and3A_281 = arith.constant 255 : i32
      %and3A_282 = vector.broadcast %and3A_281 : i32 to vector<16xi32>
      %and3A_283 = arith.andi %get3A_277, %and3A_282 : vector<16xi32>
      %gather3A_284 = tpu.vector_load_idx %arg5[%shift_right_logical3A_280, %and3A_283] : memref<224x224xf32, #tpu.memory_space<vmem>>[vector<16xi32>, vector<16xi32>], vector<16xf32>,
      %swap3A_285 = arith.index_cast %scan3A_240 : i32 to index
      %swap3A_286 = arith.constant 48 : index
      %swap3A_287 = tpu.vector_load %arg8[%swap3A_285, %swap3A_286] {strides = array<i32>} : memref<56x68xf32, #tpu.memory_space<vmem>>, vector<16xf32>,
      tpu.vector_store %arg8[%swap3A_285, %swap3A_286], %gather3A_284 {strides = array<i32>} : memref<56x68xf32, #tpu.memory_space<vmem>>, vector<16xf32>,
      %get3A_288 = arith.index_cast %scan3A_240 : i32 to index
      %get3A_289 = arith.constant 52 : index
      %get3A_290 = tpu.vector_load %arg7[%get3A_288, %get3A_289] {strides = array<i32>} : memref<56x68xi32, #tpu.memory_space<vmem>>, vector<16xi32>,
      %shift_right_logical3A_291 = arith.constant 8 : i32
      %shift_right_logical3A_292 = vector.broadcast %shift_right_logical3A_291 : i32 to vector<16xi32>
      %shift_right_logical3A_293 = arith.shrui %get3A_290, %shift_right_logical3A_292 : vector<16xi32>
      %and3A_294 = arith.constant 255 : i32
      %and3A_295 = vector.broadcast %and3A_294 : i32 to vector<16xi32>
      %and3A_296 = arith.andi %get3A_290, %and3A_295 : vector<16xi32>
      %gather3A_297 = tpu.vector_load_idx %arg5[%shift_right_logical3A_293, %and3A_296] : memref<224x224xf32, #tpu.memory_space<vmem>>[vector<16xi32>, vector<16xi32>], vector<16xf32>,
      %swap3A_298 = arith.index_cast %scan3A_240 : i32 to index
      %swap3A_299 = arith.constant 52 : index
      %swap3A_300 = tpu.vector_load %arg8[%swap3A_298, %swap3A_299] {strides = array<i32>} : memref<56x68xf32, #tpu.memory_space<vmem>>, vector<16xf32>,
      tpu.vector_store %arg8[%swap3A_298, %swap3A_299], %gather3A_297 {strides = array<i32>} : memref<56x68xf32, #tpu.memory_space<vmem>>, vector<16xf32>,
    }
    %scan3A_38 = arith.constant 56 : i32
    %add3A_39 = arith.constant 0 : i32
    %add3A_40 = arith.addi %mul3A_2, %add3A_39 : i32
    "tpu.region"() ({
      %run_scoped3A = tpu.sem_alloc : memref<!tpu.dma_semaphore, #tpu.memory_space<semaphore_mem>>
      %dma_start3A_240 = arith.constant 0 : i32
      %dma_start3A_241 = arith.constant 0 : i32
      %dma_start3A_242 = tpu.memref_slice %arg4[%add3A_40, %dma_start3A_240, %dma_start3A_241] : memref<256x56x68xf32, #tpu.memory_space<hbm>> -> memref<1x56x68xf32, #tpu.memory_space<hbm>>
      %dma_start3A_243 = tpu.memref_squeeze %dma_start3A_242 : memref<1x56x68xf32, #tpu.memory_space<hbm>> -> memref<56x68xf32, #tpu.memory_space<hbm>>
      %dma_start3A_244 = arith.constant 0 : i32
      %dma_start3A_245 = arith.constant 0 : i32
      %dma_start3A_246 = tpu.memref_slice %arg4[%add3A_40, %dma_start3A_244, %dma_start3A_245] : memref<256x56x68xf32, #tpu.memory_space<hbm>> -> memref<1x56x68xf32, #tpu.memory_space<hbm>>
      %dma_start3A_247 = tpu.memref_squeeze %dma_start3A_246 : memref<1x56x68xf32, #tpu.memory_space<hbm>> -> memref<56x68xf32, #tpu.memory_space<hbm>>
      tpu.enqueue_dma source(%arg8 : memref<56x68xf32, #tpu.memory_space<vmem>>) target(%dma_start3A_247 : memref<56x68xf32, #tpu.memory_space<hbm>>) target_semaphore(%run_scoped3A : memref<!tpu.dma_semaphore, #tpu.memory_space<semaphore_mem>>)
      %dma_wait3A_248 = arith.constant 0 : i32
      %dma_wait3A_249 = arith.constant 0 : i32
      %dma_wait3A_250 = tpu.memref_slice %arg4[%add3A_40, %dma_wait3A_248, %dma_wait3A_249] : memref<256x56x68xf32, #tpu.memory_space<hbm>> -> memref<1x56x68xf32, #tpu.memory_space<hbm>>
      %dma_wait3A_251 = tpu.memref_squeeze %dma_wait3A_250 : memref<1x56x68xf32, #tpu.memory_space<hbm>> -> memref<56x68xf32, #tpu.memory_space<hbm>>
      %dma_wait3A_252 = arith.constant 0 : i32
      %dma_wait3A_253 = arith.constant 0 : i32
      %dma_wait3A_254 = tpu.memref_slice %arg4[%add3A_40, %dma_wait3A_252, %dma_wait3A_253] : memref<256x56x68xf32, #tpu.memory_space<hbm>> -> memref<1x56x68xf32, #tpu.memory_space<hbm>>
      %dma_wait3A_255 = tpu.memref_squeeze %dma_wait3A_254 : memref<1x56x68xf32, #tpu.memory_space<hbm>> -> memref<56x68xf32, #tpu.memory_space<hbm>>
      tpu.wait_dma2 semaphore(%run_scoped3A : memref<!tpu.dma_semaphore, #tpu.memory_space<semaphore_mem>>) src(%arg8 : memref<56x68xf32, #tpu.memory_space<vmem>>) dst(%dma_wait3A_255 : memref<56x68xf32, #tpu.memory_space<hbm>>)
      tpu.yield
    }) : () -> ()
    %add3A_41 = arith.constant 2 : i32
    %add3A_42 = arith.addi %mul3A_2, %add3A_41 : i32
    %dma_start3A_43 = arith.constant 0 : i32
    %dma_start3A_44 = arith.constant 0 : i32
    %dma_start3A_45 = arith.constant 0 : i32
    %dma_start3A_46 = tpu.memref_slice %arg2[%add3A_42, %dma_start3A_43, %dma_start3A_44, %dma_start3A_45] : memref<256x1x224x224xf32, #tpu.memory_space<hbm>> -> memref<1x1x224x224xf32, #tpu.memory_space<hbm>>
    %dma_start3A_47 = tpu.memref_squeeze %dma_start3A_46 : memref<1x1x224x224xf32, #tpu.memory_space<hbm>> -> memref<224x224xf32, #tpu.memory_space<hbm>>
    %dma_start3A_48 = arith.constant 0 : i32
    %dma_start3A_49 = arith.constant 0 : i32
    %dma_start3A_50 = tpu.memref_slice %arg2[%add3A_42, %dma_start3A_43, %dma_start3A_48, %dma_start3A_49] : memref<256x1x224x224xf32, #tpu.memory_space<hbm>> -> memref<1x1x224x224xf32, #tpu.memory_space<hbm>>
    %dma_start3A_51 = tpu.memref_squeeze %dma_start3A_50 : memref<1x1x224x224xf32, #tpu.memory_space<hbm>> -> memref<224x224xf32, #tpu.memory_space<hbm>>
    tpu.enqueue_dma source(%dma_start3A_51 : memref<224x224xf32, #tpu.memory_space<hbm>>) target(%arg5 : memref<224x224xf32, #tpu.memory_space<vmem>>) target_semaphore(%arg9 : memref<!tpu.dma_semaphore, #tpu.memory_space<semaphore_mem>>)
    %add3A_52 = arith.constant 1 : i32
    %add3A_53 = arith.addi %mul3A_2, %add3A_52 : i32
    "tpu.region"() ({
      %run_scoped3A = tpu.sem_alloc : memref<!tpu.dma_semaphore, #tpu.memory_space<semaphore_mem>>
      %dma_start3A_240 = arith.constant 0 : i32
      %dma_start3A_241 = arith.constant 0 : i32
      %dma_start3A_242 = tpu.memref_slice %arg3[%add3A_53, %dma_start3A_240, %dma_start3A_241] : memref<256x56x68xi32, #tpu.memory_space<hbm>> -> memref<1x56x68xi32, #tpu.memory_space<hbm>>
      %dma_start3A_243 = tpu.memref_squeeze %dma_start3A_242 : memref<1x56x68xi32, #tpu.memory_space<hbm>> -> memref<56x68xi32, #tpu.memory_space<hbm>>
      %dma_start3A_244 = arith.constant 0 : i32
      %dma_start3A_245 = arith.constant 0 : i32
      %dma_start3A_246 = tpu.memref_slice %arg3[%add3A_53, %dma_start3A_244, %dma_start3A_245] : memref<256x56x68xi32, #tpu.memory_space<hbm>> -> memref<1x56x68xi32, #tpu.memory_space<hbm>>
      %dma_start3A_247 = tpu.memref_squeeze %dma_start3A_246 : memref<1x56x68xi32, #tpu.memory_space<hbm>> -> memref<56x68xi32, #tpu.memory_space<hbm>>
      tpu.enqueue_dma source(%dma_start3A_247 : memref<56x68xi32, #tpu.memory_space<hbm>>) target(%arg7 : memref<56x68xi32, #tpu.memory_space<vmem>>) target_semaphore(%run_scoped3A : memref<!tpu.dma_semaphore, #tpu.memory_space<semaphore_mem>>)
      %dma_wait3A_248 = arith.constant 0 : i32
      %dma_wait3A_249 = arith.constant 0 : i32
      %dma_wait3A_250 = tpu.memref_slice %arg3[%add3A_53, %dma_wait3A_248, %dma_wait3A_249] : memref<256x56x68xi32, #tpu.memory_space<hbm>> -> memref<1x56x68xi32, #tpu.memory_space<hbm>>
      %dma_wait3A_251 = tpu.memref_squeeze %dma_wait3A_250 : memref<1x56x68xi32, #tpu.memory_space<hbm>> -> memref<56x68xi32, #tpu.memory_space<hbm>>
      %dma_wait3A_252 = arith.constant 0 : i32
      %dma_wait3A_253 = arith.constant 0 : i32
      %dma_wait3A_254 = tpu.memref_slice %arg3[%add3A_53, %dma_wait3A_252, %dma_wait3A_253] : memref<256x56x68xi32, #tpu.memory_space<hbm>> -> memref<1x56x68xi32, #tpu.memory_space<hbm>>
      %dma_wait3A_255 = tpu.memref_squeeze %dma_wait3A_254 : memref<1x56x68xi32, #tpu.memory_space<hbm>> -> memref<56x68xi32, #tpu.memory_space<hbm>>
      tpu.wait_dma2 semaphore(%run_scoped3A : memref<!tpu.dma_semaphore, #tpu.memory_space<semaphore_mem>>) src(%dma_wait3A_255 : memref<56x68xi32, #tpu.memory_space<hbm>>) dst(%arg7 : memref<56x68xi32, #tpu.memory_space<vmem>>)
      tpu.yield
    }) : () -> ()
    %dma_wait3A_54 = arith.constant 0 : i32
    %dma_wait3A_55 = arith.constant 0 : i32
    %dma_wait3A_56 = arith.constant 0 : i32
    %dma_wait3A_57 = tpu.memref_slice %arg2[%add3A_14, %dma_wait3A_54, %dma_wait3A_55, %dma_wait3A_56] : memref<256x1x224x224xf32, #tpu.memory_space<hbm>> -> memref<1x1x224x224xf32, #tpu.memory_space<hbm>>
    %dma_wait3A_58 = tpu.memref_squeeze %dma_wait3A_57 : memref<1x1x224x224xf32, #tpu.memory_space<hbm>> -> memref<224x224xf32, #tpu.memory_space<hbm>>
    %dma_wait3A_59 = arith.constant 0 : i32
    %dma_wait3A_60 = arith.constant 0 : i32
    %dma_wait3A_61 = tpu.memref_slice %arg2[%add3A_14, %dma_wait3A_54, %dma_wait3A_59, %dma_wait3A_60] : memref<256x1x224x224xf32, #tpu.memory_space<hbm>> -> memref<1x1x224x224xf32, #tpu.memory_space<hbm>>
    %dma_wait3A_62 = tpu.memref_squeeze %dma_wait3A_61 : memref<1x1x224x224xf32, #tpu.memory_space<hbm>> -> memref<224x224xf32, #tpu.memory_space<hbm>>
    tpu.wait_dma2 semaphore(%arg10 : memref<!tpu.dma_semaphore, #tpu.memory_space<semaphore_mem>>) src(%dma_wait3A_62 : memref<224x224xf32, #tpu.memory_space<hbm>>) dst(%arg6 : memref<224x224xf32, #tpu.memory_space<vmem>>)
    %scan3A_63 = arith.constant 0 : i32
    %scan3A_64 = arith.constant 0 : i32
    %scan3A_65 = arith.constant 56 : i32
    %scan3A_66 = arith.addi %scan3A_64, %scan3A_65 : i32
    %scan3A_67 = arith.constant 1 : i32
    scf.for %scan3A_240 = %scan3A_64 to %scan3A_66 step %scan3A_67  : i32 {
      %get3A = arith.index_cast %scan3A_240 : i32 to index
      %get3A_241 = arith.constant 0 : index
      %get3A_242 = tpu.vector_load %arg7[%get3A, %get3A_241] {strides = array<i32>} : memref<56x68xi32, #tpu.memory_space<vmem>>, vector<16xi32>,
      %shift_right_logical3A = arith.constant 8 : i32
      %shift_right_logical3A_243 = vector.broadcast %shift_right_logical3A : i32 to vector<16xi32>
      %shift_right_logical3A_244 = arith.shrui %get3A_242, %shift_right_logical3A_243 : vector<16xi32>
      %and3A = arith.constant 255 : i32
      %and3A_245 = vector.broadcast %and3A : i32 to vector<16xi32>
      %and3A_246 = arith.andi %get3A_242, %and3A_245 : vector<16xi32>
      %gather3A = tpu.vector_load_idx %arg6[%shift_right_logical3A_244, %and3A_246] : memref<224x224xf32, #tpu.memory_space<vmem>>[vector<16xi32>, vector<16xi32>], vector<16xf32>,
      %swap3A = arith.index_cast %scan3A_240 : i32 to index
      %swap3A_247 = arith.constant 0 : index
      %swap3A_248 = tpu.vector_load %arg8[%swap3A, %swap3A_247] {strides = array<i32>} : memref<56x68xf32, #tpu.memory_space<vmem>>, vector<16xf32>,
      tpu.vector_store %arg8[%swap3A, %swap3A_247], %gather3A {strides = array<i32>} : memref<56x68xf32, #tpu.memory_space<vmem>>, vector<16xf32>,
      %get3A_249 = arith.index_cast %scan3A_240 : i32 to index
      %get3A_250 = arith.constant 16 : index
      %get3A_251 = tpu.vector_load %arg7[%get3A_249, %get3A_250] {strides = array<i32>} : memref<56x68xi32, #tpu.memory_space<vmem>>, vector<16xi32>,
      %shift_right_logical3A_252 = arith.constant 8 : i32
      %shift_right_logical3A_253 = vector.broadcast %shift_right_logical3A_252 : i32 to vector<16xi32>
      %shift_right_logical3A_254 = arith.shrui %get3A_251, %shift_right_logical3A_253 : vector<16xi32>
      %and3A_255 = arith.constant 255 : i32
      %and3A_256 = vector.broadcast %and3A_255 : i32 to vector<16xi32>
      %and3A_257 = arith.andi %get3A_251, %and3A_256 : vector<16xi32>
      %gather3A_258 = tpu.vector_load_idx %arg6[%shift_right_logical3A_254, %and3A_257] : memref<224x224xf32, #tpu.memory_space<vmem>>[vector<16xi32>, vector<16xi32>], vector<16xf32>,
      %swap3A_259 = arith.index_cast %scan3A_240 : i32 to index
      %swap3A_260 = arith.constant 16 : index
      %swap3A_261 = tpu.vector_load %arg8[%swap3A_259, %swap3A_260] {strides = array<i32>} : memref<56x68xf32, #tpu.memory_space<vmem>>, vector<16xf32>,
      tpu.vector_store %arg8[%swap3A_259, %swap3A_260], %gather3A_258 {strides = array<i32>} : memref<56x68xf32, #tpu.memory_space<vmem>>, vector<16xf32>,
      %get3A_262 = arith.index_cast %scan3A_240 : i32 to index
      %get3A_263 = arith.constant 32 : index
      %get3A_264 = tpu.vector_load %arg7[%get3A_262, %get3A_263] {strides = array<i32>} : memref<56x68xi32, #tpu.memory_space<vmem>>, vector<16xi32>,
      %shift_right_logical3A_265 = arith.constant 8 : i32
      %shift_right_logical3A_266 = vector.broadcast %shift_right_logical3A_265 : i32 to vector<16xi32>
      %shift_right_logical3A_267 = arith.shrui %get3A_264, %shift_right_logical3A_266 : vector<16xi32>
      %and3A_268 = arith.constant 255 : i32
      %and3A_269 = vector.broadcast %and3A_268 : i32 to vector<16xi32>
      %and3A_270 = arith.andi %get3A_264, %and3A_269 : vector<16xi32>
      %gather3A_271 = tpu.vector_load_idx %arg6[%shift_right_logical3A_267, %and3A_270] : memref<224x224xf32, #tpu.memory_space<vmem>>[vector<16xi32>, vector<16xi32>], vector<16xf32>,
      %swap3A_272 = arith.index_cast %scan3A_240 : i32 to index
      %swap3A_273 = arith.constant 32 : index
      %swap3A_274 = tpu.vector_load %arg8[%swap3A_272, %swap3A_273] {strides = array<i32>} : memref<56x68xf32, #tpu.memory_space<vmem>>, vector<16xf32>,
      tpu.vector_store %arg8[%swap3A_272, %swap3A_273], %gather3A_271 {strides = array<i32>} : memref<56x68xf32, #tpu.memory_space<vmem>>, vector<16xf32>,
      %get3A_275 = arith.index_cast %scan3A_240 : i32 to index
      %get3A_276 = arith.constant 48 : index
      %get3A_277 = tpu.vector_load %arg7[%get3A_275, %get3A_276] {strides = array<i32>} : memref<56x68xi32, #tpu.memory_space<vmem>>, vector<16xi32>,
      %shift_right_logical3A_278 = arith.constant 8 : i32
      %shift_right_logical3A_279 = vector.broadcast %shift_right_logical3A_278 : i32 to vector<16xi32>
      %shift_right_logical3A_280 = arith.shrui %get3A_277, %shift_right_logical3A_279 : vector<16xi32>
      %and3A_281 = arith.constant 255 : i32
      %and3A_282 = vector.broadcast %and3A_281 : i32 to vector<16xi32>
      %and3A_283 = arith.andi %get3A_277, %and3A_282 : vector<16xi32>
      %gather3A_284 = tpu.vector_load_idx %arg6[%shift_right_logical3A_280, %and3A_283] : memref<224x224xf32, #tpu.memory_space<vmem>>[vector<16xi32>, vector<16xi32>], vector<16xf32>,
      %swap3A_285 = arith.index_cast %scan3A_240 : i32 to index
      %swap3A_286 = arith.constant 48 : index
      %swap3A_287 = tpu.vector_load %arg8[%swap3A_285, %swap3A_286] {strides = array<i32>} : memref<56x68xf32, #tpu.memory_space<vmem>>, vector<16xf32>,
      tpu.vector_store %arg8[%swap3A_285, %swap3A_286], %gather3A_284 {strides = array<i32>} : memref<56x68xf32, #tpu.memory_space<vmem>>, vector<16xf32>,
      %get3A_288 = arith.index_cast %scan3A_240 : i32 to index
      %get3A_289 = arith.constant 52 : index
      %get3A_290 = tpu.vector_load %arg7[%get3A_288, %get3A_289] {strides = array<i32>} : memref<56x68xi32, #tpu.memory_space<vmem>>, vector<16xi32>,
      %shift_right_logical3A_291 = arith.constant 8 : i32
      %shift_right_logical3A_292 = vector.broadcast %shift_right_logical3A_291 : i32 to vector<16xi32>
      %shift_right_logical3A_293 = arith.shrui %get3A_290, %shift_right_logical3A_292 : vector<16xi32>
      %and3A_294 = arith.constant 255 : i32
      %and3A_295 = vector.broadcast %and3A_294 : i32 to vector<16xi32>
      %and3A_296 = arith.andi %get3A_290, %and3A_295 : vector<16xi32>
      %gather3A_297 = tpu.vector_load_idx %arg6[%shift_right_logical3A_293, %and3A_296] : memref<224x224xf32, #tpu.memory_space<vmem>>[vector<16xi32>, vector<16xi32>], vector<16xf32>,
      %swap3A_298 = arith.index_cast %scan3A_240 : i32 to index
      %swap3A_299 = arith.constant 52 : index
      %swap3A_300 = tpu.vector_load %arg8[%swap3A_298, %swap3A_299] {strides = array<i32>} : memref<56x68xf32, #tpu.memory_space<vmem>>, vector<16xf32>,
      tpu.vector_store %arg8[%swap3A_298, %swap3A_299], %gather3A_297 {strides = array<i32>} : memref<56x68xf32, #tpu.memory_space<vmem>>, vector<16xf32>,
    }
    %scan3A_68 = arith.constant 56 : i32
    %add3A_69 = arith.constant 1 : i32
    %add3A_70 = arith.addi %mul3A_2, %add3A_69 : i32
    "tpu.region"() ({
      %run_scoped3A = tpu.sem_alloc : memref<!tpu.dma_semaphore, #tpu.memory_space<semaphore_mem>>
      %dma_start3A_240 = arith.constant 0 : i32
      %dma_start3A_241 = arith.constant 0 : i32
      %dma_start3A_242 = tpu.memref_slice %arg4[%add3A_70, %dma_start3A_240, %dma_start3A_241] : memref<256x56x68xf32, #tpu.memory_space<hbm>> -> memref<1x56x68xf32, #tpu.memory_space<hbm>>
      %dma_start3A_243 = tpu.memref_squeeze %dma_start3A_242 : memref<1x56x68xf32, #tpu.memory_space<hbm>> -> memref<56x68xf32, #tpu.memory_space<hbm>>
      %dma_start3A_244 = arith.constant 0 : i32
      %dma_start3A_245 = arith.constant 0 : i32
      %dma_start3A_246 = tpu.memref_slice %arg4[%add3A_70, %dma_start3A_244, %dma_start3A_245] : memref<256x56x68xf32, #tpu.memory_space<hbm>> -> memref<1x56x68xf32, #tpu.memory_space<hbm>>
      %dma_start3A_247 = tpu.memref_squeeze %dma_start3A_246 : memref<1x56x68xf32, #tpu.memory_space<hbm>> -> memref<56x68xf32, #tpu.memory_space<hbm>>
      tpu.enqueue_dma source(%arg8 : memref<56x68xf32, #tpu.memory_space<vmem>>) target(%dma_start3A_247 : memref<56x68xf32, #tpu.memory_space<hbm>>) target_semaphore(%run_scoped3A : memref<!tpu.dma_semaphore, #tpu.memory_space<semaphore_mem>>)
      %dma_wait3A_248 = arith.constant 0 : i32
      %dma_wait3A_249 = arith.constant 0 : i32
      %dma_wait3A_250 = tpu.memref_slice %arg4[%add3A_70, %dma_wait3A_248, %dma_wait3A_249] : memref<256x56x68xf32, #tpu.memory_space<hbm>> -> memref<1x56x68xf32, #tpu.memory_space<hbm>>
      %dma_wait3A_251 = tpu.memref_squeeze %dma_wait3A_250 : memref<1x56x68xf32, #tpu.memory_space<hbm>> -> memref<56x68xf32, #tpu.memory_space<hbm>>
      %dma_wait3A_252 = arith.constant 0 : i32
      %dma_wait3A_253 = arith.constant 0 : i32
      %dma_wait3A_254 = tpu.memref_slice %arg4[%add3A_70, %dma_wait3A_252, %dma_wait3A_253] : memref<256x56x68xf32, #tpu.memory_space<hbm>> -> memref<1x56x68xf32, #tpu.memory_space<hbm>>
      %dma_wait3A_255 = tpu.memref_squeeze %dma_wait3A_254 : memref<1x56x68xf32, #tpu.memory_space<hbm>> -> memref<56x68xf32, #tpu.memory_space<hbm>>
      tpu.wait_dma2 semaphore(%run_scoped3A : memref<!tpu.dma_semaphore, #tpu.memory_space<semaphore_mem>>) src(%arg8 : memref<56x68xf32, #tpu.memory_space<vmem>>) dst(%dma_wait3A_255 : memref<56x68xf32, #tpu.memory_space<hbm>>)
      tpu.yield
    }) : () -> ()
    %add3A_71 = arith.constant 3 : i32
    %add3A_72 = arith.addi %mul3A_2, %add3A_71 : i32
    %dma_start3A_73 = arith.constant 0 : i32
    %dma_start3A_74 = arith.constant 0 : i32
    %dma_start3A_75 = arith.constant 0 : i32
    %dma_start3A_76 = tpu.memref_slice %arg2[%add3A_72, %dma_start3A_73, %dma_start3A_74, %dma_start3A_75] : memref<256x1x224x224xf32, #tpu.memory_space<hbm>> -> memref<1x1x224x224xf32, #tpu.memory_space<hbm>>
    %dma_start3A_77 = tpu.memref_squeeze %dma_start3A_76 : memref<1x1x224x224xf32, #tpu.memory_space<hbm>> -> memref<224x224xf32, #tpu.memory_space<hbm>>
    %dma_start3A_78 = arith.constant 0 : i32
    %dma_start3A_79 = arith.constant 0 : i32
    %dma_start3A_80 = tpu.memref_slice %arg2[%add3A_72, %dma_start3A_73, %dma_start3A_78, %dma_start3A_79] : memref<256x1x224x224xf32, #tpu.memory_space<hbm>> -> memref<1x1x224x224xf32, #tpu.memory_space<hbm>>
    %dma_start3A_81 = tpu.memref_squeeze %dma_start3A_80 : memref<1x1x224x224xf32, #tpu.memory_space<hbm>> -> memref<224x224xf32, #tpu.memory_space<hbm>>
    tpu.enqueue_dma source(%dma_start3A_81 : memref<224x224xf32, #tpu.memory_space<hbm>>) target(%arg6 : memref<224x224xf32, #tpu.memory_space<vmem>>) target_semaphore(%arg10 : memref<!tpu.dma_semaphore, #tpu.memory_space<semaphore_mem>>)
    %add3A_82 = arith.constant 2 : i32
    %add3A_83 = arith.addi %mul3A_2, %add3A_82 : i32
    "tpu.region"() ({
      %run_scoped3A = tpu.sem_alloc : memref<!tpu.dma_semaphore, #tpu.memory_space<semaphore_mem>>
      %dma_start3A_240 = arith.constant 0 : i32
      %dma_start3A_241 = arith.constant 0 : i32
      %dma_start3A_242 = tpu.memref_slice %arg3[%add3A_83, %dma_start3A_240, %dma_start3A_241] : memref<256x56x68xi32, #tpu.memory_space<hbm>> -> memref<1x56x68xi32, #tpu.memory_space<hbm>>
      %dma_start3A_243 = tpu.memref_squeeze %dma_start3A_242 : memref<1x56x68xi32, #tpu.memory_space<hbm>> -> memref<56x68xi32, #tpu.memory_space<hbm>>
      %dma_start3A_244 = arith.constant 0 : i32
      %dma_start3A_245 = arith.constant 0 : i32
      %dma_start3A_246 = tpu.memref_slice %arg3[%add3A_83, %dma_start3A_244, %dma_start3A_245] : memref<256x56x68xi32, #tpu.memory_space<hbm>> -> memref<1x56x68xi32, #tpu.memory_space<hbm>>
      %dma_start3A_247 = tpu.memref_squeeze %dma_start3A_246 : memref<1x56x68xi32, #tpu.memory_space<hbm>> -> memref<56x68xi32, #tpu.memory_space<hbm>>
      tpu.enqueue_dma source(%dma_start3A_247 : memref<56x68xi32, #tpu.memory_space<hbm>>) target(%arg7 : memref<56x68xi32, #tpu.memory_space<vmem>>) target_semaphore(%run_scoped3A : memref<!tpu.dma_semaphore, #tpu.memory_space<semaphore_mem>>)
      %dma_wait3A_248 = arith.constant 0 : i32
      %dma_wait3A_249 = arith.constant 0 : i32
      %dma_wait3A_250 = tpu.memref_slice %arg3[%add3A_83, %dma_wait3A_248, %dma_wait3A_249] : memref<256x56x68xi32, #tpu.memory_space<hbm>> -> memref<1x56x68xi32, #tpu.memory_space<hbm>>
      %dma_wait3A_251 = tpu.memref_squeeze %dma_wait3A_250 : memref<1x56x68xi32, #tpu.memory_space<hbm>> -> memref<56x68xi32, #tpu.memory_space<hbm>>
      %dma_wait3A_252 = arith.constant 0 : i32
      %dma_wait3A_253 = arith.constant 0 : i32
      %dma_wait3A_254 = tpu.memref_slice %arg3[%add3A_83, %dma_wait3A_252, %dma_wait3A_253] : memref<256x56x68xi32, #tpu.memory_space<hbm>> -> memref<1x56x68xi32, #tpu.memory_space<hbm>>
      %dma_wait3A_255 = tpu.memref_squeeze %dma_wait3A_254 : memref<1x56x68xi32, #tpu.memory_space<hbm>> -> memref<56x68xi32, #tpu.memory_space<hbm>>
      tpu.wait_dma2 semaphore(%run_scoped3A : memref<!tpu.dma_semaphore, #tpu.memory_space<semaphore_mem>>) src(%dma_wait3A_255 : memref<56x68xi32, #tpu.memory_space<hbm>>) dst(%arg7 : memref<56x68xi32, #tpu.memory_space<vmem>>)
      tpu.yield
    }) : () -> ()
    %dma_wait3A_84 = arith.constant 0 : i32
    %dma_wait3A_85 = arith.constant 0 : i32
    %dma_wait3A_86 = arith.constant 0 : i32
    %dma_wait3A_87 = tpu.memref_slice %arg2[%add3A_42, %dma_wait3A_84, %dma_wait3A_85, %dma_wait3A_86] : memref<256x1x224x224xf32, #tpu.memory_space<hbm>> -> memref<1x1x224x224xf32, #tpu.memory_space<hbm>>
    %dma_wait3A_88 = tpu.memref_squeeze %dma_wait3A_87 : memref<1x1x224x224xf32, #tpu.memory_space<hbm>> -> memref<224x224xf32, #tpu.memory_space<hbm>>
    %dma_wait3A_89 = arith.constant 0 : i32
    %dma_wait3A_90 = arith.constant 0 : i32
    %dma_wait3A_91 = tpu.memref_slice %arg2[%add3A_42, %dma_wait3A_84, %dma_wait3A_89, %dma_wait3A_90] : memref<256x1x224x224xf32, #tpu.memory_space<hbm>> -> memref<1x1x224x224xf32, #tpu.memory_space<hbm>>
    %dma_wait3A_92 = tpu.memref_squeeze %dma_wait3A_91 : memref<1x1x224x224xf32, #tpu.memory_space<hbm>> -> memref<224x224xf32, #tpu.memory_space<hbm>>
    tpu.wait_dma2 semaphore(%arg9 : memref<!tpu.dma_semaphore, #tpu.memory_space<semaphore_mem>>) src(%dma_wait3A_92 : memref<224x224xf32, #tpu.memory_space<hbm>>) dst(%arg5 : memref<224x224xf32, #tpu.memory_space<vmem>>)
    %scan3A_93 = arith.constant 0 : i32
    %scan3A_94 = arith.constant 0 : i32
    %scan3A_95 = arith.constant 56 : i32
    %scan3A_96 = arith.addi %scan3A_94, %scan3A_95 : i32
    %scan3A_97 = arith.constant 1 : i32
    scf.for %scan3A_240 = %scan3A_94 to %scan3A_96 step %scan3A_97  : i32 {
      %get3A = arith.index_cast %scan3A_240 : i32 to index
      %get3A_241 = arith.constant 0 : index
      %get3A_242 = tpu.vector_load %arg7[%get3A, %get3A_241] {strides = array<i32>} : memref<56x68xi32, #tpu.memory_space<vmem>>, vector<16xi32>,
      %shift_right_logical3A = arith.constant 8 : i32
      %shift_right_logical3A_243 = vector.broadcast %shift_right_logical3A : i32 to vector<16xi32>
      %shift_right_logical3A_244 = arith.shrui %get3A_242, %shift_right_logical3A_243 : vector<16xi32>
      %and3A = arith.constant 255 : i32
      %and3A_245 = vector.broadcast %and3A : i32 to vector<16xi32>
      %and3A_246 = arith.andi %get3A_242, %and3A_245 : vector<16xi32>
      %gather3A = tpu.vector_load_idx %arg5[%shift_right_logical3A_244, %and3A_246] : memref<224x224xf32, #tpu.memory_space<vmem>>[vector<16xi32>, vector<16xi32>], vector<16xf32>,
      %swap3A = arith.index_cast %scan3A_240 : i32 to index
      %swap3A_247 = arith.constant 0 : index
      %swap3A_248 = tpu.vector_load %arg8[%swap3A, %swap3A_247] {strides = array<i32>} : memref<56x68xf32, #tpu.memory_space<vmem>>, vector<16xf32>,
      tpu.vector_store %arg8[%swap3A, %swap3A_247], %gather3A {strides = array<i32>} : memref<56x68xf32, #tpu.memory_space<vmem>>, vector<16xf32>,
      %get3A_249 = arith.index_cast %scan3A_240 : i32 to index
      %get3A_250 = arith.constant 16 : index
      %get3A_251 = tpu.vector_load %arg7[%get3A_249, %get3A_250] {strides = array<i32>} : memref<56x68xi32, #tpu.memory_space<vmem>>, vector<16xi32>,
      %shift_right_logical3A_252 = arith.constant 8 : i32
      %shift_right_logical3A_253 = vector.broadcast %shift_right_logical3A_252 : i32 to vector<16xi32>
      %shift_right_logical3A_254 = arith.shrui %get3A_251, %shift_right_logical3A_253 : vector<16xi32>
      %and3A_255 = arith.constant 255 : i32
      %and3A_256 = vector.broadcast %and3A_255 : i32 to vector<16xi32>
      %and3A_257 = arith.andi %get3A_251, %and3A_256 : vector<16xi32>
      %gather3A_258 = tpu.vector_load_idx %arg5[%shift_right_logical3A_254, %and3A_257] : memref<224x224xf32, #tpu.memory_space<vmem>>[vector<16xi32>, vector<16xi32>], vector<16xf32>,
      %swap3A_259 = arith.index_cast %scan3A_240 : i32 to index
      %swap3A_260 = arith.constant 16 : index
      %swap3A_261 = tpu.vector_load %arg8[%swap3A_259, %swap3A_260] {strides = array<i32>} : memref<56x68xf32, #tpu.memory_space<vmem>>, vector<16xf32>,
      tpu.vector_store %arg8[%swap3A_259, %swap3A_260], %gather3A_258 {strides = array<i32>} : memref<56x68xf32, #tpu.memory_space<vmem>>, vector<16xf32>,
      %get3A_262 = arith.index_cast %scan3A_240 : i32 to index
      %get3A_263 = arith.constant 32 : index
      %get3A_264 = tpu.vector_load %arg7[%get3A_262, %get3A_263] {strides = array<i32>} : memref<56x68xi32, #tpu.memory_space<vmem>>, vector<16xi32>,
      %shift_right_logical3A_265 = arith.constant 8 : i32
      %shift_right_logical3A_266 = vector.broadcast %shift_right_logical3A_265 : i32 to vector<16xi32>
      %shift_right_logical3A_267 = arith.shrui %get3A_264, %shift_right_logical3A_266 : vector<16xi32>
      %and3A_268 = arith.constant 255 : i32
      %and3A_269 = vector.broadcast %and3A_268 : i32 to vector<16xi32>
      %and3A_270 = arith.andi %get3A_264, %and3A_269 : vector<16xi32>
      %gather3A_271 = tpu.vector_load_idx %arg5[%shift_right_logical3A_267, %and3A_270] : memref<224x224xf32, #tpu.memory_space<vmem>>[vector<16xi32>, vector<16xi32>], vector<16xf32>,
      %swap3A_272 = arith.index_cast %scan3A_240 : i32 to index
      %swap3A_273 = arith.constant 32 : index
      %swap3A_274 = tpu.vector_load %arg8[%swap3A_272, %swap3A_273] {strides = array<i32>} : memref<56x68xf32, #tpu.memory_space<vmem>>, vector<16xf32>,
      tpu.vector_store %arg8[%swap3A_272, %swap3A_273], %gather3A_271 {strides = array<i32>} : memref<56x68xf32, #tpu.memory_space<vmem>>, vector<16xf32>,
      %get3A_275 = arith.index_cast %scan3A_240 : i32 to index
      %get3A_276 = arith.constant 48 : index
      %get3A_277 = tpu.vector_load %arg7[%get3A_275, %get3A_276] {strides = array<i32>} : memref<56x68xi32, #tpu.memory_space<vmem>>, vector<16xi32>,
      %shift_right_logical3A_278 = arith.constant 8 : i32
      %shift_right_logical3A_279 = vector.broadcast %shift_right_logical3A_278 : i32 to vector<16xi32>
      %shift_right_logical3A_280 = arith.shrui %get3A_277, %shift_right_logical3A_279 : vector<16xi32>
      %and3A_281 = arith.constant 255 : i32
      %and3A_282 = vector.broadcast %and3A_281 : i32 to vector<16xi32>
      %and3A_283 = arith.andi %get3A_277, %and3A_282 : vector<16xi32>
      %gather3A_284 = tpu.vector_load_idx %arg5[%shift_right_logical3A_280, %and3A_283] : memref<224x224xf32, #tpu.memory_space<vmem>>[vector<16xi32>, vector<16xi32>], vector<16xf32>,
      %swap3A_285 = arith.index_cast %scan3A_240 : i32 to index
      %swap3A_286 = arith.constant 48 : index
      %swap3A_287 = tpu.vector_load %arg8[%swap3A_285, %swap3A_286] {strides = array<i32>} : memref<56x68xf32, #tpu.memory_space<vmem>>, vector<16xf32>,
      tpu.vector_store %arg8[%swap3A_285, %swap3A_286], %gather3A_284 {strides = array<i32>} : memref<56x68xf32, #tpu.memory_space<vmem>>, vector<16xf32>,
      %get3A_288 = arith.index_cast %scan3A_240 : i32 to index
      %get3A_289 = arith.constant 52 : index
      %get3A_290 = tpu.vector_load %arg7[%get3A_288, %get3A_289] {strides = array<i32>} : memref<56x68xi32, #tpu.memory_space<vmem>>, vector<16xi32>,
      %shift_right_logical3A_291 = arith.constant 8 : i32
      %shift_right_logical3A_292 = vector.broadcast %shift_right_logical3A_291 : i32 to vector<16xi32>
      %shift_right_logical3A_293 = arith.shrui %get3A_290, %shift_right_logical3A_292 : vector<16xi32>
      %and3A_294 = arith.constant 255 : i32
      %and3A_295 = vector.broadcast %and3A_294 : i32 to vector<16xi32>
      %and3A_296 = arith.andi %get3A_290, %and3A_295 : vector<16xi32>
      %gather3A_297 = tpu.vector_load_idx %arg5[%shift_right_logical3A_293, %and3A_296] : memref<224x224xf32, #tpu.memory_space<vmem>>[vector<16xi32>, vector<16xi32>], vector<16xf32>,
      %swap3A_298 = arith.index_cast %scan3A_240 : i32 to index
      %swap3A_299 = arith.constant 52 : index
      %swap3A_300 = tpu.vector_load %arg8[%swap3A_298, %swap3A_299] {strides = array<i32>} : memref<56x68xf32, #tpu.memory_space<vmem>>, vector<16xf32>,
      tpu.vector_store %arg8[%swap3A_298, %swap3A_299], %gather3A_297 {strides = array<i32>} : memref<56x68xf32, #tpu.memory_space<vmem>>, vector<16xf32>,
    }
    %scan3A_98 = arith.constant 56 : i32
    %add3A_99 = arith.constant 2 : i32
    %add3A_100 = arith.addi %mul3A_2, %add3A_99 : i32
    "tpu.region"() ({
      %run_scoped3A = tpu.sem_alloc : memref<!tpu.dma_semaphore, #tpu.memory_space<semaphore_mem>>
      %dma_start3A_240 = arith.constant 0 : i32
      %dma_start3A_241 = arith.constant 0 : i32
      %dma_start3A_242 = tpu.memref_slice %arg4[%add3A_100, %dma_start3A_240, %dma_start3A_241] : memref<256x56x68xf32, #tpu.memory_space<hbm>> -> memref<1x56x68xf32, #tpu.memory_space<hbm>>
      %dma_start3A_243 = tpu.memref_squeeze %dma_start3A_242 : memref<1x56x68xf32, #tpu.memory_space<hbm>> -> memref<56x68xf32, #tpu.memory_space<hbm>>
      %dma_start3A_244 = arith.constant 0 : i32
      %dma_start3A_245 = arith.constant 0 : i32
      %dma_start3A_246 = tpu.memref_slice %arg4[%add3A_100, %dma_start3A_244, %dma_start3A_245] : memref<256x56x68xf32, #tpu.memory_space<hbm>> -> memref<1x56x68xf32, #tpu.memory_space<hbm>>
      %dma_start3A_247 = tpu.memref_squeeze %dma_start3A_246 : memref<1x56x68xf32, #tpu.memory_space<hbm>> -> memref<56x68xf32, #tpu.memory_space<hbm>>
      tpu.enqueue_dma source(%arg8 : memref<56x68xf32, #tpu.memory_space<vmem>>) target(%dma_start3A_247 : memref<56x68xf32, #tpu.memory_space<hbm>>) target_semaphore(%run_scoped3A : memref<!tpu.dma_semaphore, #tpu.memory_space<semaphore_mem>>)
      %dma_wait3A_248 = arith.constant 0 : i32
      %dma_wait3A_249 = arith.constant 0 : i32
      %dma_wait3A_250 = tpu.memref_slice %arg4[%add3A_100, %dma_wait3A_248, %dma_wait3A_249] : memref<256x56x68xf32, #tpu.memory_space<hbm>> -> memref<1x56x68xf32, #tpu.memory_space<hbm>>
      %dma_wait3A_251 = tpu.memref_squeeze %dma_wait3A_250 : memref<1x56x68xf32, #tpu.memory_space<hbm>> -> memref<56x68xf32, #tpu.memory_space<hbm>>
      %dma_wait3A_252 = arith.constant 0 : i32
      %dma_wait3A_253 = arith.constant 0 : i32
      %dma_wait3A_254 = tpu.memref_slice %arg4[%add3A_100, %dma_wait3A_252, %dma_wait3A_253] : memref<256x56x68xf32, #tpu.memory_space<hbm>> -> memref<1x56x68xf32, #tpu.memory_space<hbm>>
      %dma_wait3A_255 = tpu.memref_squeeze %dma_wait3A_254 : memref<1x56x68xf32, #tpu.memory_space<hbm>> -> memref<56x68xf32, #tpu.memory_space<hbm>>
      tpu.wait_dma2 semaphore(%run_scoped3A : memref<!tpu.dma_semaphore, #tpu.memory_space<semaphore_mem>>) src(%arg8 : memref<56x68xf32, #tpu.memory_space<vmem>>) dst(%dma_wait3A_255 : memref<56x68xf32, #tpu.memory_space<hbm>>)
      tpu.yield
    }) : () -> ()
    %add3A_101 = arith.constant 4 : i32
    %add3A_102 = arith.addi %mul3A_2, %add3A_101 : i32
    %dma_start3A_103 = arith.constant 0 : i32
    %dma_start3A_104 = arith.constant 0 : i32
    %dma_start3A_105 = arith.constant 0 : i32
    %dma_start3A_106 = tpu.memref_slice %arg2[%add3A_102, %dma_start3A_103, %dma_start3A_104, %dma_start3A_105] : memref<256x1x224x224xf32, #tpu.memory_space<hbm>> -> memref<1x1x224x224xf32, #tpu.memory_space<hbm>>
    %dma_start3A_107 = tpu.memref_squeeze %dma_start3A_106 : memref<1x1x224x224xf32, #tpu.memory_space<hbm>> -> memref<224x224xf32, #tpu.memory_space<hbm>>
    %dma_start3A_108 = arith.constant 0 : i32
    %dma_start3A_109 = arith.constant 0 : i32
    %dma_start3A_110 = tpu.memref_slice %arg2[%add3A_102, %dma_start3A_103, %dma_start3A_108, %dma_start3A_109] : memref<256x1x224x224xf32, #tpu.memory_space<hbm>> -> memref<1x1x224x224xf32, #tpu.memory_space<hbm>>
    %dma_start3A_111 = tpu.memref_squeeze %dma_start3A_110 : memref<1x1x224x224xf32, #tpu.memory_space<hbm>> -> memref<224x224xf32, #tpu.memory_space<hbm>>
    tpu.enqueue_dma source(%dma_start3A_111 : memref<224x224xf32, #tpu.memory_space<hbm>>) target(%arg5 : memref<224x224xf32, #tpu.memory_space<vmem>>) target_semaphore(%arg9 : memref<!tpu.dma_semaphore, #tpu.memory_space<semaphore_mem>>)
    %add3A_112 = arith.constant 3 : i32
    %add3A_113 = arith.addi %mul3A_2, %add3A_112 : i32
    "tpu.region"() ({
      %run_scoped3A = tpu.sem_alloc : memref<!tpu.dma_semaphore, #tpu.memory_space<semaphore_mem>>
      %dma_start3A_240 = arith.constant 0 : i32
      %dma_start3A_241 = arith.constant 0 : i32
      %dma_start3A_242 = tpu.memref_slice %arg3[%add3A_113, %dma_start3A_240, %dma_start3A_241] : memref<256x56x68xi32, #tpu.memory_space<hbm>> -> memref<1x56x68xi32, #tpu.memory_space<hbm>>
      %dma_start3A_243 = tpu.memref_squeeze %dma_start3A_242 : memref<1x56x68xi32, #tpu.memory_space<hbm>> -> memref<56x68xi32, #tpu.memory_space<hbm>>
      %dma_start3A_244 = arith.constant 0 : i32
      %dma_start3A_245 = arith.constant 0 : i32
      %dma_start3A_246 = tpu.memref_slice %arg3[%add3A_113, %dma_start3A_244, %dma_start3A_245] : memref<256x56x68xi32, #tpu.memory_space<hbm>> -> memref<1x56x68xi32, #tpu.memory_space<hbm>>
      %dma_start3A_247 = tpu.memref_squeeze %dma_start3A_246 : memref<1x56x68xi32, #tpu.memory_space<hbm>> -> memref<56x68xi32, #tpu.memory_space<hbm>>
      tpu.enqueue_dma source(%dma_start3A_247 : memref<56x68xi32, #tpu.memory_space<hbm>>) target(%arg7 : memref<56x68xi32, #tpu.memory_space<vmem>>) target_semaphore(%run_scoped3A : memref<!tpu.dma_semaphore, #tpu.memory_space<semaphore_mem>>)
      %dma_wait3A_248 = arith.constant 0 : i32
      %dma_wait3A_249 = arith.constant 0 : i32
      %dma_wait3A_250 = tpu.memref_slice %arg3[%add3A_113, %dma_wait3A_248, %dma_wait3A_249] : memref<256x56x68xi32, #tpu.memory_space<hbm>> -> memref<1x56x68xi32, #tpu.memory_space<hbm>>
      %dma_wait3A_251 = tpu.memref_squeeze %dma_wait3A_250 : memref<1x56x68xi32, #tpu.memory_space<hbm>> -> memref<56x68xi32, #tpu.memory_space<hbm>>
      %dma_wait3A_252 = arith.constant 0 : i32
      %dma_wait3A_253 = arith.constant 0 : i32
      %dma_wait3A_254 = tpu.memref_slice %arg3[%add3A_113, %dma_wait3A_252, %dma_wait3A_253] : memref<256x56x68xi32, #tpu.memory_space<hbm>> -> memref<1x56x68xi32, #tpu.memory_space<hbm>>
      %dma_wait3A_255 = tpu.memref_squeeze %dma_wait3A_254 : memref<1x56x68xi32, #tpu.memory_space<hbm>> -> memref<56x68xi32, #tpu.memory_space<hbm>>
      tpu.wait_dma2 semaphore(%run_scoped3A : memref<!tpu.dma_semaphore, #tpu.memory_space<semaphore_mem>>) src(%dma_wait3A_255 : memref<56x68xi32, #tpu.memory_space<hbm>>) dst(%arg7 : memref<56x68xi32, #tpu.memory_space<vmem>>)
      tpu.yield
    }) : () -> ()
    %dma_wait3A_114 = arith.constant 0 : i32
    %dma_wait3A_115 = arith.constant 0 : i32
    %dma_wait3A_116 = arith.constant 0 : i32
    %dma_wait3A_117 = tpu.memref_slice %arg2[%add3A_72, %dma_wait3A_114, %dma_wait3A_115, %dma_wait3A_116] : memref<256x1x224x224xf32, #tpu.memory_space<hbm>> -> memref<1x1x224x224xf32, #tpu.memory_space<hbm>>
    %dma_wait3A_118 = tpu.memref_squeeze %dma_wait3A_117 : memref<1x1x224x224xf32, #tpu.memory_space<hbm>> -> memref<224x224xf32, #tpu.memory_space<hbm>>
    %dma_wait3A_119 = arith.constant 0 : i32
    %dma_wait3A_120 = arith.constant 0 : i32
    %dma_wait3A_121 = tpu.memref_slice %arg2[%add3A_72, %dma_wait3A_114, %dma_wait3A_119, %dma_wait3A_120] : memref<256x1x224x224xf32, #tpu.memory_space<hbm>> -> memref<1x1x224x224xf32, #tpu.memory_space<hbm>>
    %dma_wait3A_122 = tpu.memref_squeeze %dma_wait3A_121 : memref<1x1x224x224xf32, #tpu.memory_space<hbm>> -> memref<224x224xf32, #tpu.memory_space<hbm>>
    tpu.wait_dma2 semaphore(%arg10 : memref<!tpu.dma_semaphore, #tpu.memory_space<semaphore_mem>>) src(%dma_wait3A_122 : memref<224x224xf32, #tpu.memory_space<hbm>>) dst(%arg6 : memref<224x224xf32, #tpu.memory_space<vmem>>)
    %scan3A_123 = arith.constant 0 : i32
    %scan3A_124 = arith.constant 0 : i32
    %scan3A_125 = arith.constant 56 : i32
    %scan3A_126 = arith.addi %scan3A_124, %scan3A_125 : i32
    %scan3A_127 = arith.constant 1 : i32
    scf.for %scan3A_240 = %scan3A_124 to %scan3A_126 step %scan3A_127  : i32 {
      %get3A = arith.index_cast %scan3A_240 : i32 to index
      %get3A_241 = arith.constant 0 : index
      %get3A_242 = tpu.vector_load %arg7[%get3A, %get3A_241] {strides = array<i32>} : memref<56x68xi32, #tpu.memory_space<vmem>>, vector<16xi32>,
      %shift_right_logical3A = arith.constant 8 : i32
      %shift_right_logical3A_243 = vector.broadcast %shift_right_logical3A : i32 to vector<16xi32>
      %shift_right_logical3A_244 = arith.shrui %get3A_242, %shift_right_logical3A_243 : vector<16xi32>
      %and3A = arith.constant 255 : i32
      %and3A_245 = vector.broadcast %and3A : i32 to vector<16xi32>
      %and3A_246 = arith.andi %get3A_242, %and3A_245 : vector<16xi32>
      %gather3A = tpu.vector_load_idx %arg6[%shift_right_logical3A_244, %and3A_246] : memref<224x224xf32, #tpu.memory_space<vmem>>[vector<16xi32>, vector<16xi32>], vector<16xf32>,
      %swap3A = arith.index_cast %scan3A_240 : i32 to index
      %swap3A_247 = arith.constant 0 : index
      %swap3A_248 = tpu.vector_load %arg8[%swap3A, %swap3A_247] {strides = array<i32>} : memref<56x68xf32, #tpu.memory_space<vmem>>, vector<16xf32>,
      tpu.vector_store %arg8[%swap3A, %swap3A_247], %gather3A {strides = array<i32>} : memref<56x68xf32, #tpu.memory_space<vmem>>, vector<16xf32>,
      %get3A_249 = arith.index_cast %scan3A_240 : i32 to index
      %get3A_250 = arith.constant 16 : index
      %get3A_251 = tpu.vector_load %arg7[%get3A_249, %get3A_250] {strides = array<i32>} : memref<56x68xi32, #tpu.memory_space<vmem>>, vector<16xi32>,
      %shift_right_logical3A_252 = arith.constant 8 : i32
      %shift_right_logical3A_253 = vector.broadcast %shift_right_logical3A_252 : i32 to vector<16xi32>
      %shift_right_logical3A_254 = arith.shrui %get3A_251, %shift_right_logical3A_253 : vector<16xi32>
      %and3A_255 = arith.constant 255 : i32
      %and3A_256 = vector.broadcast %and3A_255 : i32 to vector<16xi32>
      %and3A_257 = arith.andi %get3A_251, %and3A_256 : vector<16xi32>
      %gather3A_258 = tpu.vector_load_idx %arg6[%shift_right_logical3A_254, %and3A_257] : memref<224x224xf32, #tpu.memory_space<vmem>>[vector<16xi32>, vector<16xi32>], vector<16xf32>,
      %swap3A_259 = arith.index_cast %scan3A_240 : i32 to index
      %swap3A_260 = arith.constant 16 : index
      %swap3A_261 = tpu.vector_load %arg8[%swap3A_259, %swap3A_260] {strides = array<i32>} : memref<56x68xf32, #tpu.memory_space<vmem>>, vector<16xf32>,
      tpu.vector_store %arg8[%swap3A_259, %swap3A_260], %gather3A_258 {strides = array<i32>} : memref<56x68xf32, #tpu.memory_space<vmem>>, vector<16xf32>,
      %get3A_262 = arith.index_cast %scan3A_240 : i32 to index
      %get3A_263 = arith.constant 32 : index
      %get3A_264 = tpu.vector_load %arg7[%get3A_262, %get3A_263] {strides = array<i32>} : memref<56x68xi32, #tpu.memory_space<vmem>>, vector<16xi32>,
      %shift_right_logical3A_265 = arith.constant 8 : i32
      %shift_right_logical3A_266 = vector.broadcast %shift_right_logical3A_265 : i32 to vector<16xi32>
      %shift_right_logical3A_267 = arith.shrui %get3A_264, %shift_right_logical3A_266 : vector<16xi32>
      %and3A_268 = arith.constant 255 : i32
      %and3A_269 = vector.broadcast %and3A_268 : i32 to vector<16xi32>
      %and3A_270 = arith.andi %get3A_264, %and3A_269 : vector<16xi32>
      %gather3A_271 = tpu.vector_load_idx %arg6[%shift_right_logical3A_267, %and3A_270] : memref<224x224xf32, #tpu.memory_space<vmem>>[vector<16xi32>, vector<16xi32>], vector<16xf32>,
      %swap3A_272 = arith.index_cast %scan3A_240 : i32 to index
      %swap3A_273 = arith.constant 32 : index
      %swap3A_274 = tpu.vector_load %arg8[%swap3A_272, %swap3A_273] {strides = array<i32>} : memref<56x68xf32, #tpu.memory_space<vmem>>, vector<16xf32>,
      tpu.vector_store %arg8[%swap3A_272, %swap3A_273], %gather3A_271 {strides = array<i32>} : memref<56x68xf32, #tpu.memory_space<vmem>>, vector<16xf32>,
      %get3A_275 = arith.index_cast %scan3A_240 : i32 to index
      %get3A_276 = arith.constant 48 : index
      %get3A_277 = tpu.vector_load %arg7[%get3A_275, %get3A_276] {strides = array<i32>} : memref<56x68xi32, #tpu.memory_space<vmem>>, vector<16xi32>,
      %shift_right_logical3A_278 = arith.constant 8 : i32
      %shift_right_logical3A_279 = vector.broadcast %shift_right_logical3A_278 : i32 to vector<16xi32>
      %shift_right_logical3A_280 = arith.shrui %get3A_277, %shift_right_logical3A_279 : vector<16xi32>
      %and3A_281 = arith.constant 255 : i32
      %and3A_282 = vector.broadcast %and3A_281 : i32 to vector<16xi32>
      %and3A_283 = arith.andi %get3A_277, %and3A_282 : vector<16xi32>
      %gather3A_284 = tpu.vector_load_idx %arg6[%shift_right_logical3A_280, %and3A_283] : memref<224x224xf32, #tpu.memory_space<vmem>>[vector<16xi32>, vector<16xi32>], vector<16xf32>,
      %swap3A_285 = arith.index_cast %scan3A_240 : i32 to index
      %swap3A_286 = arith.constant 48 : index
      %swap3A_287 = tpu.vector_load %arg8[%swap3A_285, %swap3A_286] {strides = array<i32>} : memref<56x68xf32, #tpu.memory_space<vmem>>, vector<16xf32>,
      tpu.vector_store %arg8[%swap3A_285, %swap3A_286], %gather3A_284 {strides = array<i32>} : memref<56x68xf32, #tpu.memory_space<vmem>>, vector<16xf32>,
      %get3A_288 = arith.index_cast %scan3A_240 : i32 to index
      %get3A_289 = arith.constant 52 : index
      %get3A_290 = tpu.vector_load %arg7[%get3A_288, %get3A_289] {strides = array<i32>} : memref<56x68xi32, #tpu.memory_space<vmem>>, vector<16xi32>,
      %shift_right_logical3A_291 = arith.constant 8 : i32
      %shift_right_logical3A_292 = vector.broadcast %shift_right_logical3A_291 : i32 to vector<16xi32>
      %shift_right_logical3A_293 = arith.shrui %get3A_290, %shift_right_logical3A_292 : vector<16xi32>
      %and3A_294 = arith.constant 255 : i32
      %and3A_295 = vector.broadcast %and3A_294 : i32 to vector<16xi32>
      %and3A_296 = arith.andi %get3A_290, %and3A_295 : vector<16xi32>
      %gather3A_297 = tpu.vector_load_idx %arg6[%shift_right_logical3A_293, %and3A_296] : memref<224x224xf32, #tpu.memory_space<vmem>>[vector<16xi32>, vector<16xi32>], vector<16xf32>,
      %swap3A_298 = arith.index_cast %scan3A_240 : i32 to index
      %swap3A_299 = arith.constant 52 : index
      %swap3A_300 = tpu.vector_load %arg8[%swap3A_298, %swap3A_299] {strides = array<i32>} : memref<56x68xf32, #tpu.memory_space<vmem>>, vector<16xf32>,
      tpu.vector_store %arg8[%swap3A_298, %swap3A_299], %gather3A_297 {strides = array<i32>} : memref<56x68xf32, #tpu.memory_space<vmem>>, vector<16xf32>,
    }
    %scan3A_128 = arith.constant 56 : i32
    %add3A_129 = arith.constant 3 : i32
    %add3A_130 = arith.addi %mul3A_2, %add3A_129 : i32
    "tpu.region"() ({
      %run_scoped3A = tpu.sem_alloc : memref<!tpu.dma_semaphore, #tpu.memory_space<semaphore_mem>>
      %dma_start3A_240 = arith.constant 0 : i32
      %dma_start3A_241 = arith.constant 0 : i32
      %dma_start3A_242 = tpu.memref_slice %arg4[%add3A_130, %dma_start3A_240, %dma_start3A_241] : memref<256x56x68xf32, #tpu.memory_space<hbm>> -> memref<1x56x68xf32, #tpu.memory_space<hbm>>
      %dma_start3A_243 = tpu.memref_squeeze %dma_start3A_242 : memref<1x56x68xf32, #tpu.memory_space<hbm>> -> memref<56x68xf32, #tpu.memory_space<hbm>>
      %dma_start3A_244 = arith.constant 0 : i32
      %dma_start3A_245 = arith.constant 0 : i32
      %dma_start3A_246 = tpu.memref_slice %arg4[%add3A_130, %dma_start3A_244, %dma_start3A_245] : memref<256x56x68xf32, #tpu.memory_space<hbm>> -> memref<1x56x68xf32, #tpu.memory_space<hbm>>
      %dma_start3A_247 = tpu.memref_squeeze %dma_start3A_246 : memref<1x56x68xf32, #tpu.memory_space<hbm>> -> memref<56x68xf32, #tpu.memory_space<hbm>>
      tpu.enqueue_dma source(%arg8 : memref<56x68xf32, #tpu.memory_space<vmem>>) target(%dma_start3A_247 : memref<56x68xf32, #tpu.memory_space<hbm>>) target_semaphore(%run_scoped3A : memref<!tpu.dma_semaphore, #tpu.memory_space<semaphore_mem>>)
      %dma_wait3A_248 = arith.constant 0 : i32
      %dma_wait3A_249 = arith.constant 0 : i32
      %dma_wait3A_250 = tpu.memref_slice %arg4[%add3A_130, %dma_wait3A_248, %dma_wait3A_249] : memref<256x56x68xf32, #tpu.memory_space<hbm>> -> memref<1x56x68xf32, #tpu.memory_space<hbm>>
      %dma_wait3A_251 = tpu.memref_squeeze %dma_wait3A_250 : memref<1x56x68xf32, #tpu.memory_space<hbm>> -> memref<56x68xf32, #tpu.memory_space<hbm>>
      %dma_wait3A_252 = arith.constant 0 : i32
      %dma_wait3A_253 = arith.constant 0 : i32
      %dma_wait3A_254 = tpu.memref_slice %arg4[%add3A_130, %dma_wait3A_252, %dma_wait3A_253] : memref<256x56x68xf32, #tpu.memory_space<hbm>> -> memref<1x56x68xf32, #tpu.memory_space<hbm>>
      %dma_wait3A_255 = tpu.memref_squeeze %dma_wait3A_254 : memref<1x56x68xf32, #tpu.memory_space<hbm>> -> memref<56x68xf32, #tpu.memory_space<hbm>>
      tpu.wait_dma2 semaphore(%run_scoped3A : memref<!tpu.dma_semaphore, #tpu.memory_space<semaphore_mem>>) src(%arg8 : memref<56x68xf32, #tpu.memory_space<vmem>>) dst(%dma_wait3A_255 : memref<56x68xf32, #tpu.memory_space<hbm>>)
      tpu.yield
    }) : () -> ()
    %add3A_131 = arith.constant 5 : i32
    %add3A_132 = arith.addi %mul3A_2, %add3A_131 : i32
    %dma_start3A_133 = arith.constant 0 : i32
    %dma_start3A_134 = arith.constant 0 : i32
    %dma_start3A_135 = arith.constant 0 : i32
    %dma_start3A_136 = tpu.memref_slice %arg2[%add3A_132, %dma_start3A_133, %dma_start3A_134, %dma_start3A_135] : memref<256x1x224x224xf32, #tpu.memory_space<hbm>> -> memref<1x1x224x224xf32, #tpu.memory_space<hbm>>
    %dma_start3A_137 = tpu.memref_squeeze %dma_start3A_136 : memref<1x1x224x224xf32, #tpu.memory_space<hbm>> -> memref<224x224xf32, #tpu.memory_space<hbm>>
    %dma_start3A_138 = arith.constant 0 : i32
    %dma_start3A_139 = arith.constant 0 : i32
    %dma_start3A_140 = tpu.memref_slice %arg2[%add3A_132, %dma_start3A_133, %dma_start3A_138, %dma_start3A_139] : memref<256x1x224x224xf32, #tpu.memory_space<hbm>> -> memref<1x1x224x224xf32, #tpu.memory_space<hbm>>
    %dma_start3A_141 = tpu.memref_squeeze %dma_start3A_140 : memref<1x1x224x224xf32, #tpu.memory_space<hbm>> -> memref<224x224xf32, #tpu.memory_space<hbm>>
    tpu.enqueue_dma source(%dma_start3A_141 : memref<224x224xf32, #tpu.memory_space<hbm>>) target(%arg6 : memref<224x224xf32, #tpu.memory_space<vmem>>) target_semaphore(%arg10 : memref<!tpu.dma_semaphore, #tpu.memory_space<semaphore_mem>>)
    %add3A_142 = arith.constant 4 : i32
    %add3A_143 = arith.addi %mul3A_2, %add3A_142 : i32
    "tpu.region"() ({
      %run_scoped3A = tpu.sem_alloc : memref<!tpu.dma_semaphore, #tpu.memory_space<semaphore_mem>>
      %dma_start3A_240 = arith.constant 0 : i32
      %dma_start3A_241 = arith.constant 0 : i32
      %dma_start3A_242 = tpu.memref_slice %arg3[%add3A_143, %dma_start3A_240, %dma_start3A_241] : memref<256x56x68xi32, #tpu.memory_space<hbm>> -> memref<1x56x68xi32, #tpu.memory_space<hbm>>
      %dma_start3A_243 = tpu.memref_squeeze %dma_start3A_242 : memref<1x56x68xi32, #tpu.memory_space<hbm>> -> memref<56x68xi32, #tpu.memory_space<hbm>>
      %dma_start3A_244 = arith.constant 0 : i32
      %dma_start3A_245 = arith.constant 0 : i32
      %dma_start3A_246 = tpu.memref_slice %arg3[%add3A_143, %dma_start3A_244, %dma_start3A_245] : memref<256x56x68xi32, #tpu.memory_space<hbm>> -> memref<1x56x68xi32, #tpu.memory_space<hbm>>
      %dma_start3A_247 = tpu.memref_squeeze %dma_start3A_246 : memref<1x56x68xi32, #tpu.memory_space<hbm>> -> memref<56x68xi32, #tpu.memory_space<hbm>>
      tpu.enqueue_dma source(%dma_start3A_247 : memref<56x68xi32, #tpu.memory_space<hbm>>) target(%arg7 : memref<56x68xi32, #tpu.memory_space<vmem>>) target_semaphore(%run_scoped3A : memref<!tpu.dma_semaphore, #tpu.memory_space<semaphore_mem>>)
      %dma_wait3A_248 = arith.constant 0 : i32
      %dma_wait3A_249 = arith.constant 0 : i32
      %dma_wait3A_250 = tpu.memref_slice %arg3[%add3A_143, %dma_wait3A_248, %dma_wait3A_249] : memref<256x56x68xi32, #tpu.memory_space<hbm>> -> memref<1x56x68xi32, #tpu.memory_space<hbm>>
      %dma_wait3A_251 = tpu.memref_squeeze %dma_wait3A_250 : memref<1x56x68xi32, #tpu.memory_space<hbm>> -> memref<56x68xi32, #tpu.memory_space<hbm>>
      %dma_wait3A_252 = arith.constant 0 : i32
      %dma_wait3A_253 = arith.constant 0 : i32
      %dma_wait3A_254 = tpu.memref_slice %arg3[%add3A_143, %dma_wait3A_252, %dma_wait3A_253] : memref<256x56x68xi32, #tpu.memory_space<hbm>> -> memref<1x56x68xi32, #tpu.memory_space<hbm>>
      %dma_wait3A_255 = tpu.memref_squeeze %dma_wait3A_254 : memref<1x56x68xi32, #tpu.memory_space<hbm>> -> memref<56x68xi32, #tpu.memory_space<hbm>>
      tpu.wait_dma2 semaphore(%run_scoped3A : memref<!tpu.dma_semaphore, #tpu.memory_space<semaphore_mem>>) src(%dma_wait3A_255 : memref<56x68xi32, #tpu.memory_space<hbm>>) dst(%arg7 : memref<56x68xi32, #tpu.memory_space<vmem>>)
      tpu.yield
    }) : () -> ()
    %dma_wait3A_144 = arith.constant 0 : i32
    %dma_wait3A_145 = arith.constant 0 : i32
    %dma_wait3A_146 = arith.constant 0 : i32
    %dma_wait3A_147 = tpu.memref_slice %arg2[%add3A_102, %dma_wait3A_144, %dma_wait3A_145, %dma_wait3A_146] : memref<256x1x224x224xf32, #tpu.memory_space<hbm>> -> memref<1x1x224x224xf32, #tpu.memory_space<hbm>>
    %dma_wait3A_148 = tpu.memref_squeeze %dma_wait3A_147 : memref<1x1x224x224xf32, #tpu.memory_space<hbm>> -> memref<224x224xf32, #tpu.memory_space<hbm>>
    %dma_wait3A_149 = arith.constant 0 : i32
    %dma_wait3A_150 = arith.constant 0 : i32
    %dma_wait3A_151 = tpu.memref_slice %arg2[%add3A_102, %dma_wait3A_144, %dma_wait3A_149, %dma_wait3A_150] : memref<256x1x224x224xf32, #tpu.memory_space<hbm>> -> memref<1x1x224x224xf32, #tpu.memory_space<hbm>>
    %dma_wait3A_152 = tpu.memref_squeeze %dma_wait3A_151 : memref<1x1x224x224xf32, #tpu.memory_space<hbm>> -> memref<224x224xf32, #tpu.memory_space<hbm>>
    tpu.wait_dma2 semaphore(%arg9 : memref<!tpu.dma_semaphore, #tpu.memory_space<semaphore_mem>>) src(%dma_wait3A_152 : memref<224x224xf32, #tpu.memory_space<hbm>>) dst(%arg5 : memref<224x224xf32, #tpu.memory_space<vmem>>)
    %scan3A_153 = arith.constant 0 : i32
    %scan3A_154 = arith.constant 0 : i32
    %scan3A_155 = arith.constant 56 : i32
    %scan3A_156 = arith.addi %scan3A_154, %scan3A_155 : i32
    %scan3A_157 = arith.constant 1 : i32
    scf.for %scan3A_240 = %scan3A_154 to %scan3A_156 step %scan3A_157  : i32 {
      %get3A = arith.index_cast %scan3A_240 : i32 to index
      %get3A_241 = arith.constant 0 : index
      %get3A_242 = tpu.vector_load %arg7[%get3A, %get3A_241] {strides = array<i32>} : memref<56x68xi32, #tpu.memory_space<vmem>>, vector<16xi32>,
      %shift_right_logical3A = arith.constant 8 : i32
      %shift_right_logical3A_243 = vector.broadcast %shift_right_logical3A : i32 to vector<16xi32>
      %shift_right_logical3A_244 = arith.shrui %get3A_242, %shift_right_logical3A_243 : vector<16xi32>
      %and3A = arith.constant 255 : i32
      %and3A_245 = vector.broadcast %and3A : i32 to vector<16xi32>
      %and3A_246 = arith.andi %get3A_242, %and3A_245 : vector<16xi32>
      %gather3A = tpu.vector_load_idx %arg5[%shift_right_logical3A_244, %and3A_246] : memref<224x224xf32, #tpu.memory_space<vmem>>[vector<16xi32>, vector<16xi32>], vector<16xf32>,
      %swap3A = arith.index_cast %scan3A_240 : i32 to index
      %swap3A_247 = arith.constant 0 : index
      %swap3A_248 = tpu.vector_load %arg8[%swap3A, %swap3A_247] {strides = array<i32>} : memref<56x68xf32, #tpu.memory_space<vmem>>, vector<16xf32>,
      tpu.vector_store %arg8[%swap3A, %swap3A_247], %gather3A {strides = array<i32>} : memref<56x68xf32, #tpu.memory_space<vmem>>, vector<16xf32>,
      %get3A_249 = arith.index_cast %scan3A_240 : i32 to index
      %get3A_250 = arith.constant 16 : index
      %get3A_251 = tpu.vector_load %arg7[%get3A_249, %get3A_250] {strides = array<i32>} : memref<56x68xi32, #tpu.memory_space<vmem>>, vector<16xi32>,
      %shift_right_logical3A_252 = arith.constant 8 : i32
      %shift_right_logical3A_253 = vector.broadcast %shift_right_logical3A_252 : i32 to vector<16xi32>
      %shift_right_logical3A_254 = arith.shrui %get3A_251, %shift_right_logical3A_253 : vector<16xi32>
      %and3A_255 = arith.constant 255 : i32
      %and3A_256 = vector.broadcast %and3A_255 : i32 to vector<16xi32>
      %and3A_257 = arith.andi %get3A_251, %and3A_256 : vector<16xi32>
      %gather3A_258 = tpu.vector_load_idx %arg5[%shift_right_logical3A_254, %and3A_257] : memref<224x224xf32, #tpu.memory_space<vmem>>[vector<16xi32>, vector<16xi32>], vector<16xf32>,
      %swap3A_259 = arith.index_cast %scan3A_240 : i32 to index
      %swap3A_260 = arith.constant 16 : index
      %swap3A_261 = tpu.vector_load %arg8[%swap3A_259, %swap3A_260] {strides = array<i32>} : memref<56x68xf32, #tpu.memory_space<vmem>>, vector<16xf32>,
      tpu.vector_store %arg8[%swap3A_259, %swap3A_260], %gather3A_258 {strides = array<i32>} : memref<56x68xf32, #tpu.memory_space<vmem>>, vector<16xf32>,
      %get3A_262 = arith.index_cast %scan3A_240 : i32 to index
      %get3A_263 = arith.constant 32 : index
      %get3A_264 = tpu.vector_load %arg7[%get3A_262, %get3A_263] {strides = array<i32>} : memref<56x68xi32, #tpu.memory_space<vmem>>, vector<16xi32>,
      %shift_right_logical3A_265 = arith.constant 8 : i32
      %shift_right_logical3A_266 = vector.broadcast %shift_right_logical3A_265 : i32 to vector<16xi32>
      %shift_right_logical3A_267 = arith.shrui %get3A_264, %shift_right_logical3A_266 : vector<16xi32>
      %and3A_268 = arith.constant 255 : i32
      %and3A_269 = vector.broadcast %and3A_268 : i32 to vector<16xi32>
      %and3A_270 = arith.andi %get3A_264, %and3A_269 : vector<16xi32>
      %gather3A_271 = tpu.vector_load_idx %arg5[%shift_right_logical3A_267, %and3A_270] : memref<224x224xf32, #tpu.memory_space<vmem>>[vector<16xi32>, vector<16xi32>], vector<16xf32>,
      %swap3A_272 = arith.index_cast %scan3A_240 : i32 to index
      %swap3A_273 = arith.constant 32 : index
      %swap3A_274 = tpu.vector_load %arg8[%swap3A_272, %swap3A_273] {strides = array<i32>} : memref<56x68xf32, #tpu.memory_space<vmem>>, vector<16xf32>,
      tpu.vector_store %arg8[%swap3A_272, %swap3A_273], %gather3A_271 {strides = array<i32>} : memref<56x68xf32, #tpu.memory_space<vmem>>, vector<16xf32>,
      %get3A_275 = arith.index_cast %scan3A_240 : i32 to index
      %get3A_276 = arith.constant 48 : index
      %get3A_277 = tpu.vector_load %arg7[%get3A_275, %get3A_276] {strides = array<i32>} : memref<56x68xi32, #tpu.memory_space<vmem>>, vector<16xi32>,
      %shift_right_logical3A_278 = arith.constant 8 : i32
      %shift_right_logical3A_279 = vector.broadcast %shift_right_logical3A_278 : i32 to vector<16xi32>
      %shift_right_logical3A_280 = arith.shrui %get3A_277, %shift_right_logical3A_279 : vector<16xi32>
      %and3A_281 = arith.constant 255 : i32
      %and3A_282 = vector.broadcast %and3A_281 : i32 to vector<16xi32>
      %and3A_283 = arith.andi %get3A_277, %and3A_282 : vector<16xi32>
      %gather3A_284 = tpu.vector_load_idx %arg5[%shift_right_logical3A_280, %and3A_283] : memref<224x224xf32, #tpu.memory_space<vmem>>[vector<16xi32>, vector<16xi32>], vector<16xf32>,
      %swap3A_285 = arith.index_cast %scan3A_240 : i32 to index
      %swap3A_286 = arith.constant 48 : index
      %swap3A_287 = tpu.vector_load %arg8[%swap3A_285, %swap3A_286] {strides = array<i32>} : memref<56x68xf32, #tpu.memory_space<vmem>>, vector<16xf32>,
      tpu.vector_store %arg8[%swap3A_285, %swap3A_286], %gather3A_284 {strides = array<i32>} : memref<56x68xf32, #tpu.memory_space<vmem>>, vector<16xf32>,
      %get3A_288 = arith.index_cast %scan3A_240 : i32 to index
      %get3A_289 = arith.constant 52 : index
      %get3A_290 = tpu.vector_load %arg7[%get3A_288, %get3A_289] {strides = array<i32>} : memref<56x68xi32, #tpu.memory_space<vmem>>, vector<16xi32>,
      %shift_right_logical3A_291 = arith.constant 8 : i32
      %shift_right_logical3A_292 = vector.broadcast %shift_right_logical3A_291 : i32 to vector<16xi32>
      %shift_right_logical3A_293 = arith.shrui %get3A_290, %shift_right_logical3A_292 : vector<16xi32>
      %and3A_294 = arith.constant 255 : i32
      %and3A_295 = vector.broadcast %and3A_294 : i32 to vector<16xi32>
      %and3A_296 = arith.andi %get3A_290, %and3A_295 : vector<16xi32>
      %gather3A_297 = tpu.vector_load_idx %arg5[%shift_right_logical3A_293, %and3A_296] : memref<224x224xf32, #tpu.memory_space<vmem>>[vector<16xi32>, vector<16xi32>], vector<16xf32>,
      %swap3A_298 = arith.index_cast %scan3A_240 : i32 to index
      %swap3A_299 = arith.constant 52 : index
      %swap3A_300 = tpu.vector_load %arg8[%swap3A_298, %swap3A_299] {strides = array<i32>} : memref<56x68xf32, #tpu.memory_space<vmem>>, vector<16xf32>,
      tpu.vector_store %arg8[%swap3A_298, %swap3A_299], %gather3A_297 {strides = array<i32>} : memref<56x68xf32, #tpu.memory_space<vmem>>, vector<16xf32>,
    }
    %scan3A_158 = arith.constant 56 : i32
    %add3A_159 = arith.constant 4 : i32
    %add3A_160 = arith.addi %mul3A_2, %add3A_159 : i32
    "tpu.region"() ({
      %run_scoped3A = tpu.sem_alloc : memref<!tpu.dma_semaphore, #tpu.memory_space<semaphore_mem>>
      %dma_start3A_240 = arith.constant 0 : i32
      %dma_start3A_241 = arith.constant 0 : i32
      %dma_start3A_242 = tpu.memref_slice %arg4[%add3A_160, %dma_start3A_240, %dma_start3A_241] : memref<256x56x68xf32, #tpu.memory_space<hbm>> -> memref<1x56x68xf32, #tpu.memory_space<hbm>>
      %dma_start3A_243 = tpu.memref_squeeze %dma_start3A_242 : memref<1x56x68xf32, #tpu.memory_space<hbm>> -> memref<56x68xf32, #tpu.memory_space<hbm>>
      %dma_start3A_244 = arith.constant 0 : i32
      %dma_start3A_245 = arith.constant 0 : i32
      %dma_start3A_246 = tpu.memref_slice %arg4[%add3A_160, %dma_start3A_244, %dma_start3A_245] : memref<256x56x68xf32, #tpu.memory_space<hbm>> -> memref<1x56x68xf32, #tpu.memory_space<hbm>>
      %dma_start3A_247 = tpu.memref_squeeze %dma_start3A_246 : memref<1x56x68xf32, #tpu.memory_space<hbm>> -> memref<56x68xf32, #tpu.memory_space<hbm>>
      tpu.enqueue_dma source(%arg8 : memref<56x68xf32, #tpu.memory_space<vmem>>) target(%dma_start3A_247 : memref<56x68xf32, #tpu.memory_space<hbm>>) target_semaphore(%run_scoped3A : memref<!tpu.dma_semaphore, #tpu.memory_space<semaphore_mem>>)
      %dma_wait3A_248 = arith.constant 0 : i32
      %dma_wait3A_249 = arith.constant 0 : i32
      %dma_wait3A_250 = tpu.memref_slice %arg4[%add3A_160, %dma_wait3A_248, %dma_wait3A_249] : memref<256x56x68xf32, #tpu.memory_space<hbm>> -> memref<1x56x68xf32, #tpu.memory_space<hbm>>
      %dma_wait3A_251 = tpu.memref_squeeze %dma_wait3A_250 : memref<1x56x68xf32, #tpu.memory_space<hbm>> -> memref<56x68xf32, #tpu.memory_space<hbm>>
      %dma_wait3A_252 = arith.constant 0 : i32
      %dma_wait3A_253 = arith.constant 0 : i32
      %dma_wait3A_254 = tpu.memref_slice %arg4[%add3A_160, %dma_wait3A_252, %dma_wait3A_253] : memref<256x56x68xf32, #tpu.memory_space<hbm>> -> memref<1x56x68xf32, #tpu.memory_space<hbm>>
      %dma_wait3A_255 = tpu.memref_squeeze %dma_wait3A_254 : memref<1x56x68xf32, #tpu.memory_space<hbm>> -> memref<56x68xf32, #tpu.memory_space<hbm>>
      tpu.wait_dma2 semaphore(%run_scoped3A : memref<!tpu.dma_semaphore, #tpu.memory_space<semaphore_mem>>) src(%arg8 : memref<56x68xf32, #tpu.memory_space<vmem>>) dst(%dma_wait3A_255 : memref<56x68xf32, #tpu.memory_space<hbm>>)
      tpu.yield
    }) : () -> ()
    %add3A_161 = arith.constant 6 : i32
    %add3A_162 = arith.addi %mul3A_2, %add3A_161 : i32
    %dma_start3A_163 = arith.constant 0 : i32
    %dma_start3A_164 = arith.constant 0 : i32
    %dma_start3A_165 = arith.constant 0 : i32
    %dma_start3A_166 = tpu.memref_slice %arg2[%add3A_162, %dma_start3A_163, %dma_start3A_164, %dma_start3A_165] : memref<256x1x224x224xf32, #tpu.memory_space<hbm>> -> memref<1x1x224x224xf32, #tpu.memory_space<hbm>>
    %dma_start3A_167 = tpu.memref_squeeze %dma_start3A_166 : memref<1x1x224x224xf32, #tpu.memory_space<hbm>> -> memref<224x224xf32, #tpu.memory_space<hbm>>
    %dma_start3A_168 = arith.constant 0 : i32
    %dma_start3A_169 = arith.constant 0 : i32
    %dma_start3A_170 = tpu.memref_slice %arg2[%add3A_162, %dma_start3A_163, %dma_start3A_168, %dma_start3A_169] : memref<256x1x224x224xf32, #tpu.memory_space<hbm>> -> memref<1x1x224x224xf32, #tpu.memory_space<hbm>>
    %dma_start3A_171 = tpu.memref_squeeze %dma_start3A_170 : memref<1x1x224x224xf32, #tpu.memory_space<hbm>> -> memref<224x224xf32, #tpu.memory_space<hbm>>
    tpu.enqueue_dma source(%dma_start3A_171 : memref<224x224xf32, #tpu.memory_space<hbm>>) target(%arg5 : memref<224x224xf32, #tpu.memory_space<vmem>>) target_semaphore(%arg9 : memref<!tpu.dma_semaphore, #tpu.memory_space<semaphore_mem>>)
    %add3A_172 = arith.constant 5 : i32
    %add3A_173 = arith.addi %mul3A_2, %add3A_172 : i32
    "tpu.region"() ({
      %run_scoped3A = tpu.sem_alloc : memref<!tpu.dma_semaphore, #tpu.memory_space<semaphore_mem>>
      %dma_start3A_240 = arith.constant 0 : i32
      %dma_start3A_241 = arith.constant 0 : i32
      %dma_start3A_242 = tpu.memref_slice %arg3[%add3A_173, %dma_start3A_240, %dma_start3A_241] : memref<256x56x68xi32, #tpu.memory_space<hbm>> -> memref<1x56x68xi32, #tpu.memory_space<hbm>>
      %dma_start3A_243 = tpu.memref_squeeze %dma_start3A_242 : memref<1x56x68xi32, #tpu.memory_space<hbm>> -> memref<56x68xi32, #tpu.memory_space<hbm>>
      %dma_start3A_244 = arith.constant 0 : i32
      %dma_start3A_245 = arith.constant 0 : i32
      %dma_start3A_246 = tpu.memref_slice %arg3[%add3A_173, %dma_start3A_244, %dma_start3A_245] : memref<256x56x68xi32, #tpu.memory_space<hbm>> -> memref<1x56x68xi32, #tpu.memory_space<hbm>>
      %dma_start3A_247 = tpu.memref_squeeze %dma_start3A_246 : memref<1x56x68xi32, #tpu.memory_space<hbm>> -> memref<56x68xi32, #tpu.memory_space<hbm>>
      tpu.enqueue_dma source(%dma_start3A_247 : memref<56x68xi32, #tpu.memory_space<hbm>>) target(%arg7 : memref<56x68xi32, #tpu.memory_space<vmem>>) target_semaphore(%run_scoped3A : memref<!tpu.dma_semaphore, #tpu.memory_space<semaphore_mem>>)
      %dma_wait3A_248 = arith.constant 0 : i32
      %dma_wait3A_249 = arith.constant 0 : i32
      %dma_wait3A_250 = tpu.memref_slice %arg3[%add3A_173, %dma_wait3A_248, %dma_wait3A_249] : memref<256x56x68xi32, #tpu.memory_space<hbm>> -> memref<1x56x68xi32, #tpu.memory_space<hbm>>
      %dma_wait3A_251 = tpu.memref_squeeze %dma_wait3A_250 : memref<1x56x68xi32, #tpu.memory_space<hbm>> -> memref<56x68xi32, #tpu.memory_space<hbm>>
      %dma_wait3A_252 = arith.constant 0 : i32
      %dma_wait3A_253 = arith.constant 0 : i32
      %dma_wait3A_254 = tpu.memref_slice %arg3[%add3A_173, %dma_wait3A_252, %dma_wait3A_253] : memref<256x56x68xi32, #tpu.memory_space<hbm>> -> memref<1x56x68xi32, #tpu.memory_space<hbm>>
      %dma_wait3A_255 = tpu.memref_squeeze %dma_wait3A_254 : memref<1x56x68xi32, #tpu.memory_space<hbm>> -> memref<56x68xi32, #tpu.memory_space<hbm>>
      tpu.wait_dma2 semaphore(%run_scoped3A : memref<!tpu.dma_semaphore, #tpu.memory_space<semaphore_mem>>) src(%dma_wait3A_255 : memref<56x68xi32, #tpu.memory_space<hbm>>) dst(%arg7 : memref<56x68xi32, #tpu.memory_space<vmem>>)
      tpu.yield
    }) : () -> ()
    %dma_wait3A_174 = arith.constant 0 : i32
    %dma_wait3A_175 = arith.constant 0 : i32
    %dma_wait3A_176 = arith.constant 0 : i32
    %dma_wait3A_177 = tpu.memref_slice %arg2[%add3A_132, %dma_wait3A_174, %dma_wait3A_175, %dma_wait3A_176] : memref<256x1x224x224xf32, #tpu.memory_space<hbm>> -> memref<1x1x224x224xf32, #tpu.memory_space<hbm>>
    %dma_wait3A_178 = tpu.memref_squeeze %dma_wait3A_177 : memref<1x1x224x224xf32, #tpu.memory_space<hbm>> -> memref<224x224xf32, #tpu.memory_space<hbm>>
    %dma_wait3A_179 = arith.constant 0 : i32
    %dma_wait3A_180 = arith.constant 0 : i32
    %dma_wait3A_181 = tpu.memref_slice %arg2[%add3A_132, %dma_wait3A_174, %dma_wait3A_179, %dma_wait3A_180] : memref<256x1x224x224xf32, #tpu.memory_space<hbm>> -> memref<1x1x224x224xf32, #tpu.memory_space<hbm>>
    %dma_wait3A_182 = tpu.memref_squeeze %dma_wait3A_181 : memref<1x1x224x224xf32, #tpu.memory_space<hbm>> -> memref<224x224xf32, #tpu.memory_space<hbm>>
    tpu.wait_dma2 semaphore(%arg10 : memref<!tpu.dma_semaphore, #tpu.memory_space<semaphore_mem>>) src(%dma_wait3A_182 : memref<224x224xf32, #tpu.memory_space<hbm>>) dst(%arg6 : memref<224x224xf32, #tpu.memory_space<vmem>>)
    %scan3A_183 = arith.constant 0 : i32
    %scan3A_184 = arith.constant 0 : i32
    %scan3A_185 = arith.constant 56 : i32
    %scan3A_186 = arith.addi %scan3A_184, %scan3A_185 : i32
    %scan3A_187 = arith.constant 1 : i32
    scf.for %scan3A_240 = %scan3A_184 to %scan3A_186 step %scan3A_187  : i32 {
      %get3A = arith.index_cast %scan3A_240 : i32 to index
      %get3A_241 = arith.constant 0 : index
      %get3A_242 = tpu.vector_load %arg7[%get3A, %get3A_241] {strides = array<i32>} : memref<56x68xi32, #tpu.memory_space<vmem>>, vector<16xi32>,
      %shift_right_logical3A = arith.constant 8 : i32
      %shift_right_logical3A_243 = vector.broadcast %shift_right_logical3A : i32 to vector<16xi32>
      %shift_right_logical3A_244 = arith.shrui %get3A_242, %shift_right_logical3A_243 : vector<16xi32>
      %and3A = arith.constant 255 : i32
      %and3A_245 = vector.broadcast %and3A : i32 to vector<16xi32>
      %and3A_246 = arith.andi %get3A_242, %and3A_245 : vector<16xi32>
      %gather3A = tpu.vector_load_idx %arg6[%shift_right_logical3A_244, %and3A_246] : memref<224x224xf32, #tpu.memory_space<vmem>>[vector<16xi32>, vector<16xi32>], vector<16xf32>,
      %swap3A = arith.index_cast %scan3A_240 : i32 to index
      %swap3A_247 = arith.constant 0 : index
      %swap3A_248 = tpu.vector_load %arg8[%swap3A, %swap3A_247] {strides = array<i32>} : memref<56x68xf32, #tpu.memory_space<vmem>>, vector<16xf32>,
      tpu.vector_store %arg8[%swap3A, %swap3A_247], %gather3A {strides = array<i32>} : memref<56x68xf32, #tpu.memory_space<vmem>>, vector<16xf32>,
      %get3A_249 = arith.index_cast %scan3A_240 : i32 to index
      %get3A_250 = arith.constant 16 : index
      %get3A_251 = tpu.vector_load %arg7[%get3A_249, %get3A_250] {strides = array<i32>} : memref<56x68xi32, #tpu.memory_space<vmem>>, vector<16xi32>,
      %shift_right_logical3A_252 = arith.constant 8 : i32
      %shift_right_logical3A_253 = vector.broadcast %shift_right_logical3A_252 : i32 to vector<16xi32>
      %shift_right_logical3A_254 = arith.shrui %get3A_251, %shift_right_logical3A_253 : vector<16xi32>
      %and3A_255 = arith.constant 255 : i32
      %and3A_256 = vector.broadcast %and3A_255 : i32 to vector<16xi32>
      %and3A_257 = arith.andi %get3A_251, %and3A_256 : vector<16xi32>
      %gather3A_258 = tpu.vector_load_idx %arg6[%shift_right_logical3A_254, %and3A_257] : memref<224x224xf32, #tpu.memory_space<vmem>>[vector<16xi32>, vector<16xi32>], vector<16xf32>,
      %swap3A_259 = arith.index_cast %scan3A_240 : i32 to index
      %swap3A_260 = arith.constant 16 : index
      %swap3A_261 = tpu.vector_load %arg8[%swap3A_259, %swap3A_260] {strides = array<i32>} : memref<56x68xf32, #tpu.memory_space<vmem>>, vector<16xf32>,
      tpu.vector_store %arg8[%swap3A_259, %swap3A_260], %gather3A_258 {strides = array<i32>} : memref<56x68xf32, #tpu.memory_space<vmem>>, vector<16xf32>,
      %get3A_262 = arith.index_cast %scan3A_240 : i32 to index
      %get3A_263 = arith.constant 32 : index
      %get3A_264 = tpu.vector_load %arg7[%get3A_262, %get3A_263] {strides = array<i32>} : memref<56x68xi32, #tpu.memory_space<vmem>>, vector<16xi32>,
      %shift_right_logical3A_265 = arith.constant 8 : i32
      %shift_right_logical3A_266 = vector.broadcast %shift_right_logical3A_265 : i32 to vector<16xi32>
      %shift_right_logical3A_267 = arith.shrui %get3A_264, %shift_right_logical3A_266 : vector<16xi32>
      %and3A_268 = arith.constant 255 : i32
      %and3A_269 = vector.broadcast %and3A_268 : i32 to vector<16xi32>
      %and3A_270 = arith.andi %get3A_264, %and3A_269 : vector<16xi32>
      %gather3A_271 = tpu.vector_load_idx %arg6[%shift_right_logical3A_267, %and3A_270] : memref<224x224xf32, #tpu.memory_space<vmem>>[vector<16xi32>, vector<16xi32>], vector<16xf32>,
      %swap3A_272 = arith.index_cast %scan3A_240 : i32 to index
      %swap3A_273 = arith.constant 32 : index
      %swap3A_274 = tpu.vector_load %arg8[%swap3A_272, %swap3A_273] {strides = array<i32>} : memref<56x68xf32, #tpu.memory_space<vmem>>, vector<16xf32>,
      tpu.vector_store %arg8[%swap3A_272, %swap3A_273], %gather3A_271 {strides = array<i32>} : memref<56x68xf32, #tpu.memory_space<vmem>>, vector<16xf32>,
      %get3A_275 = arith.index_cast %scan3A_240 : i32 to index
      %get3A_276 = arith.constant 48 : index
      %get3A_277 = tpu.vector_load %arg7[%get3A_275, %get3A_276] {strides = array<i32>} : memref<56x68xi32, #tpu.memory_space<vmem>>, vector<16xi32>,
      %shift_right_logical3A_278 = arith.constant 8 : i32
      %shift_right_logical3A_279 = vector.broadcast %shift_right_logical3A_278 : i32 to vector<16xi32>
      %shift_right_logical3A_280 = arith.shrui %get3A_277, %shift_right_logical3A_279 : vector<16xi32>
      %and3A_281 = arith.constant 255 : i32
      %and3A_282 = vector.broadcast %and3A_281 : i32 to vector<16xi32>
      %and3A_283 = arith.andi %get3A_277, %and3A_282 : vector<16xi32>
      %gather3A_284 = tpu.vector_load_idx %arg6[%shift_right_logical3A_280, %and3A_283] : memref<224x224xf32, #tpu.memory_space<vmem>>[vector<16xi32>, vector<16xi32>], vector<16xf32>,
      %swap3A_285 = arith.index_cast %scan3A_240 : i32 to index
      %swap3A_286 = arith.constant 48 : index
      %swap3A_287 = tpu.vector_load %arg8[%swap3A_285, %swap3A_286] {strides = array<i32>} : memref<56x68xf32, #tpu.memory_space<vmem>>, vector<16xf32>,
      tpu.vector_store %arg8[%swap3A_285, %swap3A_286], %gather3A_284 {strides = array<i32>} : memref<56x68xf32, #tpu.memory_space<vmem>>, vector<16xf32>,
      %get3A_288 = arith.index_cast %scan3A_240 : i32 to index
      %get3A_289 = arith.constant 52 : index
      %get3A_290 = tpu.vector_load %arg7[%get3A_288, %get3A_289] {strides = array<i32>} : memref<56x68xi32, #tpu.memory_space<vmem>>, vector<16xi32>,
      %shift_right_logical3A_291 = arith.constant 8 : i32
      %shift_right_logical3A_292 = vector.broadcast %shift_right_logical3A_291 : i32 to vector<16xi32>
      %shift_right_logical3A_293 = arith.shrui %get3A_290, %shift_right_logical3A_292 : vector<16xi32>
      %and3A_294 = arith.constant 255 : i32
      %and3A_295 = vector.broadcast %and3A_294 : i32 to vector<16xi32>
      %and3A_296 = arith.andi %get3A_290, %and3A_295 : vector<16xi32>
      %gather3A_297 = tpu.vector_load_idx %arg6[%shift_right_logical3A_293, %and3A_296] : memref<224x224xf32, #tpu.memory_space<vmem>>[vector<16xi32>, vector<16xi32>], vector<16xf32>,
      %swap3A_298 = arith.index_cast %scan3A_240 : i32 to index
      %swap3A_299 = arith.constant 52 : index
      %swap3A_300 = tpu.vector_load %arg8[%swap3A_298, %swap3A_299] {strides = array<i32>} : memref<56x68xf32, #tpu.memory_space<vmem>>, vector<16xf32>,
      tpu.vector_store %arg8[%swap3A_298, %swap3A_299], %gather3A_297 {strides = array<i32>} : memref<56x68xf32, #tpu.memory_space<vmem>>, vector<16xf32>,
    }
    %scan3A_188 = arith.constant 56 : i32
    %add3A_189 = arith.constant 5 : i32
    %add3A_190 = arith.addi %mul3A_2, %add3A_189 : i32
    "tpu.region"() ({
      %run_scoped3A = tpu.sem_alloc : memref<!tpu.dma_semaphore, #tpu.memory_space<semaphore_mem>>
      %dma_start3A_240 = arith.constant 0 : i32
      %dma_start3A_241 = arith.constant 0 : i32
      %dma_start3A_242 = tpu.memref_slice %arg4[%add3A_190, %dma_start3A_240, %dma_start3A_241] : memref<256x56x68xf32, #tpu.memory_space<hbm>> -> memref<1x56x68xf32, #tpu.memory_space<hbm>>
      %dma_start3A_243 = tpu.memref_squeeze %dma_start3A_242 : memref<1x56x68xf32, #tpu.memory_space<hbm>> -> memref<56x68xf32, #tpu.memory_space<hbm>>
      %dma_start3A_244 = arith.constant 0 : i32
      %dma_start3A_245 = arith.constant 0 : i32
      %dma_start3A_246 = tpu.memref_slice %arg4[%add3A_190, %dma_start3A_244, %dma_start3A_245] : memref<256x56x68xf32, #tpu.memory_space<hbm>> -> memref<1x56x68xf32, #tpu.memory_space<hbm>>
      %dma_start3A_247 = tpu.memref_squeeze %dma_start3A_246 : memref<1x56x68xf32, #tpu.memory_space<hbm>> -> memref<56x68xf32, #tpu.memory_space<hbm>>
      tpu.enqueue_dma source(%arg8 : memref<56x68xf32, #tpu.memory_space<vmem>>) target(%dma_start3A_247 : memref<56x68xf32, #tpu.memory_space<hbm>>) target_semaphore(%run_scoped3A : memref<!tpu.dma_semaphore, #tpu.memory_space<semaphore_mem>>)
      %dma_wait3A_248 = arith.constant 0 : i32
      %dma_wait3A_249 = arith.constant 0 : i32
      %dma_wait3A_250 = tpu.memref_slice %arg4[%add3A_190, %dma_wait3A_248, %dma_wait3A_249] : memref<256x56x68xf32, #tpu.memory_space<hbm>> -> memref<1x56x68xf32, #tpu.memory_space<hbm>>
      %dma_wait3A_251 = tpu.memref_squeeze %dma_wait3A_250 : memref<1x56x68xf32, #tpu.memory_space<hbm>> -> memref<56x68xf32, #tpu.memory_space<hbm>>
      %dma_wait3A_252 = arith.constant 0 : i32
      %dma_wait3A_253 = arith.constant 0 : i32
      %dma_wait3A_254 = tpu.memref_slice %arg4[%add3A_190, %dma_wait3A_252, %dma_wait3A_253] : memref<256x56x68xf32, #tpu.memory_space<hbm>> -> memref<1x56x68xf32, #tpu.memory_space<hbm>>
      %dma_wait3A_255 = tpu.memref_squeeze %dma_wait3A_254 : memref<1x56x68xf32, #tpu.memory_space<hbm>> -> memref<56x68xf32, #tpu.memory_space<hbm>>
      tpu.wait_dma2 semaphore(%run_scoped3A : memref<!tpu.dma_semaphore, #tpu.memory_space<semaphore_mem>>) src(%arg8 : memref<56x68xf32, #tpu.memory_space<vmem>>) dst(%dma_wait3A_255 : memref<56x68xf32, #tpu.memory_space<hbm>>)
      tpu.yield
    }) : () -> ()
    %add3A_191 = arith.constant 7 : i32
    %add3A_192 = arith.addi %mul3A_2, %add3A_191 : i32
    %dma_start3A_193 = arith.constant 0 : i32
    %dma_start3A_194 = arith.constant 0 : i32
    %dma_start3A_195 = arith.constant 0 : i32
    %dma_start3A_196 = tpu.memref_slice %arg2[%add3A_192, %dma_start3A_193, %dma_start3A_194, %dma_start3A_195] : memref<256x1x224x224xf32, #tpu.memory_space<hbm>> -> memref<1x1x224x224xf32, #tpu.memory_space<hbm>>
    %dma_start3A_197 = tpu.memref_squeeze %dma_start3A_196 : memref<1x1x224x224xf32, #tpu.memory_space<hbm>> -> memref<224x224xf32, #tpu.memory_space<hbm>>
    %dma_start3A_198 = arith.constant 0 : i32
    %dma_start3A_199 = arith.constant 0 : i32
    %dma_start3A_200 = tpu.memref_slice %arg2[%add3A_192, %dma_start3A_193, %dma_start3A_198, %dma_start3A_199] : memref<256x1x224x224xf32, #tpu.memory_space<hbm>> -> memref<1x1x224x224xf32, #tpu.memory_space<hbm>>
    %dma_start3A_201 = tpu.memref_squeeze %dma_start3A_200 : memref<1x1x224x224xf32, #tpu.memory_space<hbm>> -> memref<224x224xf32, #tpu.memory_space<hbm>>
    tpu.enqueue_dma source(%dma_start3A_201 : memref<224x224xf32, #tpu.memory_space<hbm>>) target(%arg6 : memref<224x224xf32, #tpu.memory_space<vmem>>) target_semaphore(%arg10 : memref<!tpu.dma_semaphore, #tpu.memory_space<semaphore_mem>>)
    %add3A_202 = arith.constant 6 : i32
    %add3A_203 = arith.addi %mul3A_2, %add3A_202 : i32
    "tpu.region"() ({
      %run_scoped3A = tpu.sem_alloc : memref<!tpu.dma_semaphore, #tpu.memory_space<semaphore_mem>>
      %dma_start3A_240 = arith.constant 0 : i32
      %dma_start3A_241 = arith.constant 0 : i32
      %dma_start3A_242 = tpu.memref_slice %arg3[%add3A_203, %dma_start3A_240, %dma_start3A_241] : memref<256x56x68xi32, #tpu.memory_space<hbm>> -> memref<1x56x68xi32, #tpu.memory_space<hbm>>
      %dma_start3A_243 = tpu.memref_squeeze %dma_start3A_242 : memref<1x56x68xi32, #tpu.memory_space<hbm>> -> memref<56x68xi32, #tpu.memory_space<hbm>>
      %dma_start3A_244 = arith.constant 0 : i32
      %dma_start3A_245 = arith.constant 0 : i32
      %dma_start3A_246 = tpu.memref_slice %arg3[%add3A_203, %dma_start3A_244, %dma_start3A_245] : memref<256x56x68xi32, #tpu.memory_space<hbm>> -> memref<1x56x68xi32, #tpu.memory_space<hbm>>
      %dma_start3A_247 = tpu.memref_squeeze %dma_start3A_246 : memref<1x56x68xi32, #tpu.memory_space<hbm>> -> memref<56x68xi32, #tpu.memory_space<hbm>>
      tpu.enqueue_dma source(%dma_start3A_247 : memref<56x68xi32, #tpu.memory_space<hbm>>) target(%arg7 : memref<56x68xi32, #tpu.memory_space<vmem>>) target_semaphore(%run_scoped3A : memref<!tpu.dma_semaphore, #tpu.memory_space<semaphore_mem>>)
      %dma_wait3A_248 = arith.constant 0 : i32
      %dma_wait3A_249 = arith.constant 0 : i32
      %dma_wait3A_250 = tpu.memref_slice %arg3[%add3A_203, %dma_wait3A_248, %dma_wait3A_249] : memref<256x56x68xi32, #tpu.memory_space<hbm>> -> memref<1x56x68xi32, #tpu.memory_space<hbm>>
      %dma_wait3A_251 = tpu.memref_squeeze %dma_wait3A_250 : memref<1x56x68xi32, #tpu.memory_space<hbm>> -> memref<56x68xi32, #tpu.memory_space<hbm>>
      %dma_wait3A_252 = arith.constant 0 : i32
      %dma_wait3A_253 = arith.constant 0 : i32
      %dma_wait3A_254 = tpu.memref_slice %arg3[%add3A_203, %dma_wait3A_252, %dma_wait3A_253] : memref<256x56x68xi32, #tpu.memory_space<hbm>> -> memref<1x56x68xi32, #tpu.memory_space<hbm>>
      %dma_wait3A_255 = tpu.memref_squeeze %dma_wait3A_254 : memref<1x56x68xi32, #tpu.memory_space<hbm>> -> memref<56x68xi32, #tpu.memory_space<hbm>>
      tpu.wait_dma2 semaphore(%run_scoped3A : memref<!tpu.dma_semaphore, #tpu.memory_space<semaphore_mem>>) src(%dma_wait3A_255 : memref<56x68xi32, #tpu.memory_space<hbm>>) dst(%arg7 : memref<56x68xi32, #tpu.memory_space<vmem>>)
      tpu.yield
    }) : () -> ()
    %dma_wait3A_204 = arith.constant 0 : i32
    %dma_wait3A_205 = arith.constant 0 : i32
    %dma_wait3A_206 = arith.constant 0 : i32
    %dma_wait3A_207 = tpu.memref_slice %arg2[%add3A_162, %dma_wait3A_204, %dma_wait3A_205, %dma_wait3A_206] : memref<256x1x224x224xf32, #tpu.memory_space<hbm>> -> memref<1x1x224x224xf32, #tpu.memory_space<hbm>>
    %dma_wait3A_208 = tpu.memref_squeeze %dma_wait3A_207 : memref<1x1x224x224xf32, #tpu.memory_space<hbm>> -> memref<224x224xf32, #tpu.memory_space<hbm>>
    %dma_wait3A_209 = arith.constant 0 : i32
    %dma_wait3A_210 = arith.constant 0 : i32
    %dma_wait3A_211 = tpu.memref_slice %arg2[%add3A_162, %dma_wait3A_204, %dma_wait3A_209, %dma_wait3A_210] : memref<256x1x224x224xf32, #tpu.memory_space<hbm>> -> memref<1x1x224x224xf32, #tpu.memory_space<hbm>>
    %dma_wait3A_212 = tpu.memref_squeeze %dma_wait3A_211 : memref<1x1x224x224xf32, #tpu.memory_space<hbm>> -> memref<224x224xf32, #tpu.memory_space<hbm>>
    tpu.wait_dma2 semaphore(%arg9 : memref<!tpu.dma_semaphore, #tpu.memory_space<semaphore_mem>>) src(%dma_wait3A_212 : memref<224x224xf32, #tpu.memory_space<hbm>>) dst(%arg5 : memref<224x224xf32, #tpu.memory_space<vmem>>)
    %scan3A_213 = arith.constant 0 : i32
    %scan3A_214 = arith.constant 0 : i32
    %scan3A_215 = arith.constant 56 : i32
    %scan3A_216 = arith.addi %scan3A_214, %scan3A_215 : i32
    %scan3A_217 = arith.constant 1 : i32
    scf.for %scan3A_240 = %scan3A_214 to %scan3A_216 step %scan3A_217  : i32 {
      %get3A = arith.index_cast %scan3A_240 : i32 to index
      %get3A_241 = arith.constant 0 : index
      %get3A_242 = tpu.vector_load %arg7[%get3A, %get3A_241] {strides = array<i32>} : memref<56x68xi32, #tpu.memory_space<vmem>>, vector<16xi32>,
      %shift_right_logical3A = arith.constant 8 : i32
      %shift_right_logical3A_243 = vector.broadcast %shift_right_logical3A : i32 to vector<16xi32>
      %shift_right_logical3A_244 = arith.shrui %get3A_242, %shift_right_logical3A_243 : vector<16xi32>
      %and3A = arith.constant 255 : i32
      %and3A_245 = vector.broadcast %and3A : i32 to vector<16xi32>
      %and3A_246 = arith.andi %get3A_242, %and3A_245 : vector<16xi32>
      %gather3A = tpu.vector_load_idx %arg5[%shift_right_logical3A_244, %and3A_246] : memref<224x224xf32, #tpu.memory_space<vmem>>[vector<16xi32>, vector<16xi32>], vector<16xf32>,
      %swap3A = arith.index_cast %scan3A_240 : i32 to index
      %swap3A_247 = arith.constant 0 : index
      %swap3A_248 = tpu.vector_load %arg8[%swap3A, %swap3A_247] {strides = array<i32>} : memref<56x68xf32, #tpu.memory_space<vmem>>, vector<16xf32>,
      tpu.vector_store %arg8[%swap3A, %swap3A_247], %gather3A {strides = array<i32>} : memref<56x68xf32, #tpu.memory_space<vmem>>, vector<16xf32>,
      %get3A_249 = arith.index_cast %scan3A_240 : i32 to index
      %get3A_250 = arith.constant 16 : index
      %get3A_251 = tpu.vector_load %arg7[%get3A_249, %get3A_250] {strides = array<i32>} : memref<56x68xi32, #tpu.memory_space<vmem>>, vector<16xi32>,
      %shift_right_logical3A_252 = arith.constant 8 : i32
      %shift_right_logical3A_253 = vector.broadcast %shift_right_logical3A_252 : i32 to vector<16xi32>
      %shift_right_logical3A_254 = arith.shrui %get3A_251, %shift_right_logical3A_253 : vector<16xi32>
      %and3A_255 = arith.constant 255 : i32
      %and3A_256 = vector.broadcast %and3A_255 : i32 to vector<16xi32>
      %and3A_257 = arith.andi %get3A_251, %and3A_256 : vector<16xi32>
      %gather3A_258 = tpu.vector_load_idx %arg5[%shift_right_logical3A_254, %and3A_257] : memref<224x224xf32, #tpu.memory_space<vmem>>[vector<16xi32>, vector<16xi32>], vector<16xf32>,
      %swap3A_259 = arith.index_cast %scan3A_240 : i32 to index
      %swap3A_260 = arith.constant 16 : index
      %swap3A_261 = tpu.vector_load %arg8[%swap3A_259, %swap3A_260] {strides = array<i32>} : memref<56x68xf32, #tpu.memory_space<vmem>>, vector<16xf32>,
      tpu.vector_store %arg8[%swap3A_259, %swap3A_260], %gather3A_258 {strides = array<i32>} : memref<56x68xf32, #tpu.memory_space<vmem>>, vector<16xf32>,
      %get3A_262 = arith.index_cast %scan3A_240 : i32 to index
      %get3A_263 = arith.constant 32 : index
      %get3A_264 = tpu.vector_load %arg7[%get3A_262, %get3A_263] {strides = array<i32>} : memref<56x68xi32, #tpu.memory_space<vmem>>, vector<16xi32>,
      %shift_right_logical3A_265 = arith.constant 8 : i32
      %shift_right_logical3A_266 = vector.broadcast %shift_right_logical3A_265 : i32 to vector<16xi32>
      %shift_right_logical3A_267 = arith.shrui %get3A_264, %shift_right_logical3A_266 : vector<16xi32>
      %and3A_268 = arith.constant 255 : i32
      %and3A_269 = vector.broadcast %and3A_268 : i32 to vector<16xi32>
      %and3A_270 = arith.andi %get3A_264, %and3A_269 : vector<16xi32>
      %gather3A_271 = tpu.vector_load_idx %arg5[%shift_right_logical3A_267, %and3A_270] : memref<224x224xf32, #tpu.memory_space<vmem>>[vector<16xi32>, vector<16xi32>], vector<16xf32>,
      %swap3A_272 = arith.index_cast %scan3A_240 : i32 to index
      %swap3A_273 = arith.constant 32 : index
      %swap3A_274 = tpu.vector_load %arg8[%swap3A_272, %swap3A_273] {strides = array<i32>} : memref<56x68xf32, #tpu.memory_space<vmem>>, vector<16xf32>,
      tpu.vector_store %arg8[%swap3A_272, %swap3A_273], %gather3A_271 {strides = array<i32>} : memref<56x68xf32, #tpu.memory_space<vmem>>, vector<16xf32>,
      %get3A_275 = arith.index_cast %scan3A_240 : i32 to index
      %get3A_276 = arith.constant 48 : index
      %get3A_277 = tpu.vector_load %arg7[%get3A_275, %get3A_276] {strides = array<i32>} : memref<56x68xi32, #tpu.memory_space<vmem>>, vector<16xi32>,
      %shift_right_logical3A_278 = arith.constant 8 : i32
      %shift_right_logical3A_279 = vector.broadcast %shift_right_logical3A_278 : i32 to vector<16xi32>
      %shift_right_logical3A_280 = arith.shrui %get3A_277, %shift_right_logical3A_279 : vector<16xi32>
      %and3A_281 = arith.constant 255 : i32
      %and3A_282 = vector.broadcast %and3A_281 : i32 to vector<16xi32>
      %and3A_283 = arith.andi %get3A_277, %and3A_282 : vector<16xi32>
      %gather3A_284 = tpu.vector_load_idx %arg5[%shift_right_logical3A_280, %and3A_283] : memref<224x224xf32, #tpu.memory_space<vmem>>[vector<16xi32>, vector<16xi32>], vector<16xf32>,
      %swap3A_285 = arith.index_cast %scan3A_240 : i32 to index
      %swap3A_286 = arith.constant 48 : index
      %swap3A_287 = tpu.vector_load %arg8[%swap3A_285, %swap3A_286] {strides = array<i32>} : memref<56x68xf32, #tpu.memory_space<vmem>>, vector<16xf32>,
      tpu.vector_store %arg8[%swap3A_285, %swap3A_286], %gather3A_284 {strides = array<i32>} : memref<56x68xf32, #tpu.memory_space<vmem>>, vector<16xf32>,
      %get3A_288 = arith.index_cast %scan3A_240 : i32 to index
      %get3A_289 = arith.constant 52 : index
      %get3A_290 = tpu.vector_load %arg7[%get3A_288, %get3A_289] {strides = array<i32>} : memref<56x68xi32, #tpu.memory_space<vmem>>, vector<16xi32>,
      %shift_right_logical3A_291 = arith.constant 8 : i32
      %shift_right_logical3A_292 = vector.broadcast %shift_right_logical3A_291 : i32 to vector<16xi32>
      %shift_right_logical3A_293 = arith.shrui %get3A_290, %shift_right_logical3A_292 : vector<16xi32>
      %and3A_294 = arith.constant 255 : i32
      %and3A_295 = vector.broadcast %and3A_294 : i32 to vector<16xi32>
      %and3A_296 = arith.andi %get3A_290, %and3A_295 : vector<16xi32>
      %gather3A_297 = tpu.vector_load_idx %arg5[%shift_right_logical3A_293, %and3A_296] : memref<224x224xf32, #tpu.memory_space<vmem>>[vector<16xi32>, vector<16xi32>], vector<16xf32>,
      %swap3A_298 = arith.index_cast %scan3A_240 : i32 to index
      %swap3A_299 = arith.constant 52 : index
      %swap3A_300 = tpu.vector_load %arg8[%swap3A_298, %swap3A_299] {strides = array<i32>} : memref<56x68xf32, #tpu.memory_space<vmem>>, vector<16xf32>,
      tpu.vector_store %arg8[%swap3A_298, %swap3A_299], %gather3A_297 {strides = array<i32>} : memref<56x68xf32, #tpu.memory_space<vmem>>, vector<16xf32>,
    }
    %scan3A_218 = arith.constant 56 : i32
    %add3A_219 = arith.constant 6 : i32
    %add3A_220 = arith.addi %mul3A_2, %add3A_219 : i32
    "tpu.region"() ({
      %run_scoped3A = tpu.sem_alloc : memref<!tpu.dma_semaphore, #tpu.memory_space<semaphore_mem>>
      %dma_start3A_240 = arith.constant 0 : i32
      %dma_start3A_241 = arith.constant 0 : i32
      %dma_start3A_242 = tpu.memref_slice %arg4[%add3A_220, %dma_start3A_240, %dma_start3A_241] : memref<256x56x68xf32, #tpu.memory_space<hbm>> -> memref<1x56x68xf32, #tpu.memory_space<hbm>>
      %dma_start3A_243 = tpu.memref_squeeze %dma_start3A_242 : memref<1x56x68xf32, #tpu.memory_space<hbm>> -> memref<56x68xf32, #tpu.memory_space<hbm>>
      %dma_start3A_244 = arith.constant 0 : i32
      %dma_start3A_245 = arith.constant 0 : i32
      %dma_start3A_246 = tpu.memref_slice %arg4[%add3A_220, %dma_start3A_244, %dma_start3A_245] : memref<256x56x68xf32, #tpu.memory_space<hbm>> -> memref<1x56x68xf32, #tpu.memory_space<hbm>>
      %dma_start3A_247 = tpu.memref_squeeze %dma_start3A_246 : memref<1x56x68xf32, #tpu.memory_space<hbm>> -> memref<56x68xf32, #tpu.memory_space<hbm>>
      tpu.enqueue_dma source(%arg8 : memref<56x68xf32, #tpu.memory_space<vmem>>) target(%dma_start3A_247 : memref<56x68xf32, #tpu.memory_space<hbm>>) target_semaphore(%run_scoped3A : memref<!tpu.dma_semaphore, #tpu.memory_space<semaphore_mem>>)
      %dma_wait3A_248 = arith.constant 0 : i32
      %dma_wait3A_249 = arith.constant 0 : i32
      %dma_wait3A_250 = tpu.memref_slice %arg4[%add3A_220, %dma_wait3A_248, %dma_wait3A_249] : memref<256x56x68xf32, #tpu.memory_space<hbm>> -> memref<1x56x68xf32, #tpu.memory_space<hbm>>
      %dma_wait3A_251 = tpu.memref_squeeze %dma_wait3A_250 : memref<1x56x68xf32, #tpu.memory_space<hbm>> -> memref<56x68xf32, #tpu.memory_space<hbm>>
      %dma_wait3A_252 = arith.constant 0 : i32
      %dma_wait3A_253 = arith.constant 0 : i32
      %dma_wait3A_254 = tpu.memref_slice %arg4[%add3A_220, %dma_wait3A_252, %dma_wait3A_253] : memref<256x56x68xf32, #tpu.memory_space<hbm>> -> memref<1x56x68xf32, #tpu.memory_space<hbm>>
      %dma_wait3A_255 = tpu.memref_squeeze %dma_wait3A_254 : memref<1x56x68xf32, #tpu.memory_space<hbm>> -> memref<56x68xf32, #tpu.memory_space<hbm>>
      tpu.wait_dma2 semaphore(%run_scoped3A : memref<!tpu.dma_semaphore, #tpu.memory_space<semaphore_mem>>) src(%arg8 : memref<56x68xf32, #tpu.memory_space<vmem>>) dst(%dma_wait3A_255 : memref<56x68xf32, #tpu.memory_space<hbm>>)
      tpu.yield
    }) : () -> ()
    %add3A_221 = arith.constant 7 : i32
    %add3A_222 = arith.addi %mul3A_2, %add3A_221 : i32
    "tpu.region"() ({
      %run_scoped3A = tpu.sem_alloc : memref<!tpu.dma_semaphore, #tpu.memory_space<semaphore_mem>>
      %dma_start3A_240 = arith.constant 0 : i32
      %dma_start3A_241 = arith.constant 0 : i32
      %dma_start3A_242 = tpu.memref_slice %arg3[%add3A_222, %dma_start3A_240, %dma_start3A_241] : memref<256x56x68xi32, #tpu.memory_space<hbm>> -> memref<1x56x68xi32, #tpu.memory_space<hbm>>
      %dma_start3A_243 = tpu.memref_squeeze %dma_start3A_242 : memref<1x56x68xi32, #tpu.memory_space<hbm>> -> memref<56x68xi32, #tpu.memory_space<hbm>>
      %dma_start3A_244 = arith.constant 0 : i32
      %dma_start3A_245 = arith.constant 0 : i32
      %dma_start3A_246 = tpu.memref_slice %arg3[%add3A_222, %dma_start3A_244, %dma_start3A_245] : memref<256x56x68xi32, #tpu.memory_space<hbm>> -> memref<1x56x68xi32, #tpu.memory_space<hbm>>
      %dma_start3A_247 = tpu.memref_squeeze %dma_start3A_246 : memref<1x56x68xi32, #tpu.memory_space<hbm>> -> memref<56x68xi32, #tpu.memory_space<hbm>>
      tpu.enqueue_dma source(%dma_start3A_247 : memref<56x68xi32, #tpu.memory_space<hbm>>) target(%arg7 : memref<56x68xi32, #tpu.memory_space<vmem>>) target_semaphore(%run_scoped3A : memref<!tpu.dma_semaphore, #tpu.memory_space<semaphore_mem>>)
      %dma_wait3A_248 = arith.constant 0 : i32
      %dma_wait3A_249 = arith.constant 0 : i32
      %dma_wait3A_250 = tpu.memref_slice %arg3[%add3A_222, %dma_wait3A_248, %dma_wait3A_249] : memref<256x56x68xi32, #tpu.memory_space<hbm>> -> memref<1x56x68xi32, #tpu.memory_space<hbm>>
      %dma_wait3A_251 = tpu.memref_squeeze %dma_wait3A_250 : memref<1x56x68xi32, #tpu.memory_space<hbm>> -> memref<56x68xi32, #tpu.memory_space<hbm>>
      %dma_wait3A_252 = arith.constant 0 : i32
      %dma_wait3A_253 = arith.constant 0 : i32
      %dma_wait3A_254 = tpu.memref_slice %arg3[%add3A_222, %dma_wait3A_252, %dma_wait3A_253] : memref<256x56x68xi32, #tpu.memory_space<hbm>> -> memref<1x56x68xi32, #tpu.memory_space<hbm>>
      %dma_wait3A_255 = tpu.memref_squeeze %dma_wait3A_254 : memref<1x56x68xi32, #tpu.memory_space<hbm>> -> memref<56x68xi32, #tpu.memory_space<hbm>>
      tpu.wait_dma2 semaphore(%run_scoped3A : memref<!tpu.dma_semaphore, #tpu.memory_space<semaphore_mem>>) src(%dma_wait3A_255 : memref<56x68xi32, #tpu.memory_space<hbm>>) dst(%arg7 : memref<56x68xi32, #tpu.memory_space<vmem>>)
      tpu.yield
    }) : () -> ()
    %dma_wait3A_223 = arith.constant 0 : i32
    %dma_wait3A_224 = arith.constant 0 : i32
    %dma_wait3A_225 = arith.constant 0 : i32
    %dma_wait3A_226 = tpu.memref_slice %arg2[%add3A_192, %dma_wait3A_223, %dma_wait3A_224, %dma_wait3A_225] : memref<256x1x224x224xf32, #tpu.memory_space<hbm>> -> memref<1x1x224x224xf32, #tpu.memory_space<hbm>>
    %dma_wait3A_227 = tpu.memref_squeeze %dma_wait3A_226 : memref<1x1x224x224xf32, #tpu.memory_space<hbm>> -> memref<224x224xf32, #tpu.memory_space<hbm>>
    %dma_wait3A_228 = arith.constant 0 : i32
    %dma_wait3A_229 = arith.constant 0 : i32
    %dma_wait3A_230 = tpu.memref_slice %arg2[%add3A_192, %dma_wait3A_223, %dma_wait3A_228, %dma_wait3A_229] : memref<256x1x224x224xf32, #tpu.memory_space<hbm>> -> memref<1x1x224x224xf32, #tpu.memory_space<hbm>>
    %dma_wait3A_231 = tpu.memref_squeeze %dma_wait3A_230 : memref<1x1x224x224xf32, #tpu.memory_space<hbm>> -> memref<224x224xf32, #tpu.memory_space<hbm>>
    tpu.wait_dma2 semaphore(%arg10 : memref<!tpu.dma_semaphore, #tpu.memory_space<semaphore_mem>>) src(%dma_wait3A_231 : memref<224x224xf32, #tpu.memory_space<hbm>>) dst(%arg6 : memref<224x224xf32, #tpu.memory_space<vmem>>)
    %scan3A_232 = arith.constant 0 : i32
    %scan3A_233 = arith.constant 0 : i32
    %scan3A_234 = arith.constant 56 : i32
    %scan3A_235 = arith.addi %scan3A_233, %scan3A_234 : i32
    %scan3A_236 = arith.constant 1 : i32
    scf.for %scan3A_240 = %scan3A_233 to %scan3A_235 step %scan3A_236  : i32 {
      %get3A = arith.index_cast %scan3A_240 : i32 to index
      %get3A_241 = arith.constant 0 : index
      %get3A_242 = tpu.vector_load %arg7[%get3A, %get3A_241] {strides = array<i32>} : memref<56x68xi32, #tpu.memory_space<vmem>>, vector<16xi32>,
      %shift_right_logical3A = arith.constant 8 : i32
      %shift_right_logical3A_243 = vector.broadcast %shift_right_logical3A : i32 to vector<16xi32>
      %shift_right_logical3A_244 = arith.shrui %get3A_242, %shift_right_logical3A_243 : vector<16xi32>
      %and3A = arith.constant 255 : i32
      %and3A_245 = vector.broadcast %and3A : i32 to vector<16xi32>
      %and3A_246 = arith.andi %get3A_242, %and3A_245 : vector<16xi32>
      %gather3A = tpu.vector_load_idx %arg6[%shift_right_logical3A_244, %and3A_246] : memref<224x224xf32, #tpu.memory_space<vmem>>[vector<16xi32>, vector<16xi32>], vector<16xf32>,
      %swap3A = arith.index_cast %scan3A_240 : i32 to index
      %swap3A_247 = arith.constant 0 : index
      %swap3A_248 = tpu.vector_load %arg8[%swap3A, %swap3A_247] {strides = array<i32>} : memref<56x68xf32, #tpu.memory_space<vmem>>, vector<16xf32>,
      tpu.vector_store %arg8[%swap3A, %swap3A_247], %gather3A {strides = array<i32>} : memref<56x68xf32, #tpu.memory_space<vmem>>, vector<16xf32>,
      %get3A_249 = arith.index_cast %scan3A_240 : i32 to index
      %get3A_250 = arith.constant 16 : index
      %get3A_251 = tpu.vector_load %arg7[%get3A_249, %get3A_250] {strides = array<i32>} : memref<56x68xi32, #tpu.memory_space<vmem>>, vector<16xi32>,
      %shift_right_logical3A_252 = arith.constant 8 : i32
      %shift_right_logical3A_253 = vector.broadcast %shift_right_logical3A_252 : i32 to vector<16xi32>
      %shift_right_logical3A_254 = arith.shrui %get3A_251, %shift_right_logical3A_253 : vector<16xi32>
      %and3A_255 = arith.constant 255 : i32
      %and3A_256 = vector.broadcast %and3A_255 : i32 to vector<16xi32>
      %and3A_257 = arith.andi %get3A_251, %and3A_256 : vector<16xi32>
      %gather3A_258 = tpu.vector_load_idx %arg6[%shift_right_logical3A_254, %and3A_257] : memref<224x224xf32, #tpu.memory_space<vmem>>[vector<16xi32>, vector<16xi32>], vector<16xf32>,
      %swap3A_259 = arith.index_cast %scan3A_240 : i32 to index
      %swap3A_260 = arith.constant 16 : index
      %swap3A_261 = tpu.vector_load %arg8[%swap3A_259, %swap3A_260] {strides = array<i32>} : memref<56x68xf32, #tpu.memory_space<vmem>>, vector<16xf32>,
      tpu.vector_store %arg8[%swap3A_259, %swap3A_260], %gather3A_258 {strides = array<i32>} : memref<56x68xf32, #tpu.memory_space<vmem>>, vector<16xf32>,
      %get3A_262 = arith.index_cast %scan3A_240 : i32 to index
      %get3A_263 = arith.constant 32 : index
      %get3A_264 = tpu.vector_load %arg7[%get3A_262, %get3A_263] {strides = array<i32>} : memref<56x68xi32, #tpu.memory_space<vmem>>, vector<16xi32>,
      %shift_right_logical3A_265 = arith.constant 8 : i32
      %shift_right_logical3A_266 = vector.broadcast %shift_right_logical3A_265 : i32 to vector<16xi32>
      %shift_right_logical3A_267 = arith.shrui %get3A_264, %shift_right_logical3A_266 : vector<16xi32>
      %and3A_268 = arith.constant 255 : i32
      %and3A_269 = vector.broadcast %and3A_268 : i32 to vector<16xi32>
      %and3A_270 = arith.andi %get3A_264, %and3A_269 : vector<16xi32>
      %gather3A_271 = tpu.vector_load_idx %arg6[%shift_right_logical3A_267, %and3A_270] : memref<224x224xf32, #tpu.memory_space<vmem>>[vector<16xi32>, vector<16xi32>], vector<16xf32>,
      %swap3A_272 = arith.index_cast %scan3A_240 : i32 to index
      %swap3A_273 = arith.constant 32 : index
      %swap3A_274 = tpu.vector_load %arg8[%swap3A_272, %swap3A_273] {strides = array<i32>} : memref<56x68xf32, #tpu.memory_space<vmem>>, vector<16xf32>,
      tpu.vector_store %arg8[%swap3A_272, %swap3A_273], %gather3A_271 {strides = array<i32>} : memref<56x68xf32, #tpu.memory_space<vmem>>, vector<16xf32>,
      %get3A_275 = arith.index_cast %scan3A_240 : i32 to index
      %get3A_276 = arith.constant 48 : index
      %get3A_277 = tpu.vector_load %arg7[%get3A_275, %get3A_276] {strides = array<i32>} : memref<56x68xi32, #tpu.memory_space<vmem>>, vector<16xi32>,
      %shift_right_logical3A_278 = arith.constant 8 : i32
      %shift_right_logical3A_279 = vector.broadcast %shift_right_logical3A_278 : i32 to vector<16xi32>
      %shift_right_logical3A_280 = arith.shrui %get3A_277, %shift_right_logical3A_279 : vector<16xi32>
      %and3A_281 = arith.constant 255 : i32
      %and3A_282 = vector.broadcast %and3A_281 : i32 to vector<16xi32>
      %and3A_283 = arith.andi %get3A_277, %and3A_282 : vector<16xi32>
      %gather3A_284 = tpu.vector_load_idx %arg6[%shift_right_logical3A_280, %and3A_283] : memref<224x224xf32, #tpu.memory_space<vmem>>[vector<16xi32>, vector<16xi32>], vector<16xf32>,
      %swap3A_285 = arith.index_cast %scan3A_240 : i32 to index
      %swap3A_286 = arith.constant 48 : index
      %swap3A_287 = tpu.vector_load %arg8[%swap3A_285, %swap3A_286] {strides = array<i32>} : memref<56x68xf32, #tpu.memory_space<vmem>>, vector<16xf32>,
      tpu.vector_store %arg8[%swap3A_285, %swap3A_286], %gather3A_284 {strides = array<i32>} : memref<56x68xf32, #tpu.memory_space<vmem>>, vector<16xf32>,
      %get3A_288 = arith.index_cast %scan3A_240 : i32 to index
      %get3A_289 = arith.constant 52 : index
      %get3A_290 = tpu.vector_load %arg7[%get3A_288, %get3A_289] {strides = array<i32>} : memref<56x68xi32, #tpu.memory_space<vmem>>, vector<16xi32>,
      %shift_right_logical3A_291 = arith.constant 8 : i32
      %shift_right_logical3A_292 = vector.broadcast %shift_right_logical3A_291 : i32 to vector<16xi32>
      %shift_right_logical3A_293 = arith.shrui %get3A_290, %shift_right_logical3A_292 : vector<16xi32>
      %and3A_294 = arith.constant 255 : i32
      %and3A_295 = vector.broadcast %and3A_294 : i32 to vector<16xi32>
      %and3A_296 = arith.andi %get3A_290, %and3A_295 : vector<16xi32>
      %gather3A_297 = tpu.vector_load_idx %arg6[%shift_right_logical3A_293, %and3A_296] : memref<224x224xf32, #tpu.memory_space<vmem>>[vector<16xi32>, vector<16xi32>], vector<16xf32>,
      %swap3A_298 = arith.index_cast %scan3A_240 : i32 to index
      %swap3A_299 = arith.constant 52 : index
      %swap3A_300 = tpu.vector_load %arg8[%swap3A_298, %swap3A_299] {strides = array<i32>} : memref<56x68xf32, #tpu.memory_space<vmem>>, vector<16xf32>,
      tpu.vector_store %arg8[%swap3A_298, %swap3A_299], %gather3A_297 {strides = array<i32>} : memref<56x68xf32, #tpu.memory_space<vmem>>, vector<16xf32>,
    }
    %scan3A_237 = arith.constant 56 : i32
    %add3A_238 = arith.constant 7 : i32
    %add3A_239 = arith.addi %mul3A_2, %add3A_238 : i32
    "tpu.region"() ({
      %run_scoped3A = tpu.sem_alloc : memref<!tpu.dma_semaphore, #tpu.memory_space<semaphore_mem>>
      %dma_start3A_240 = arith.constant 0 : i32
      %dma_start3A_241 = arith.constant 0 : i32
      %dma_start3A_242 = tpu.memref_slice %arg4[%add3A_239, %dma_start3A_240, %dma_start3A_241] : memref<256x56x68xf32, #tpu.memory_space<hbm>> -> memref<1x56x68xf32, #tpu.memory_space<hbm>>
      %dma_start3A_243 = tpu.memref_squeeze %dma_start3A_242 : memref<1x56x68xf32, #tpu.memory_space<hbm>> -> memref<56x68xf32, #tpu.memory_space<hbm>>
      %dma_start3A_244 = arith.constant 0 : i32
      %dma_start3A_245 = arith.constant 0 : i32
      %dma_start3A_246 = tpu.memref_slice %arg4[%add3A_239, %dma_start3A_244, %dma_start3A_245] : memref<256x56x68xf32, #tpu.memory_space<hbm>> -> memref<1x56x68xf32, #tpu.memory_space<hbm>>
      %dma_start3A_247 = tpu.memref_squeeze %dma_start3A_246 : memref<1x56x68xf32, #tpu.memory_space<hbm>> -> memref<56x68xf32, #tpu.memory_space<hbm>>
      tpu.enqueue_dma source(%arg8 : memref<56x68xf32, #tpu.memory_space<vmem>>) target(%dma_start3A_247 : memref<56x68xf32, #tpu.memory_space<hbm>>) target_semaphore(%run_scoped3A : memref<!tpu.dma_semaphore, #tpu.memory_space<semaphore_mem>>)
      %dma_wait3A_248 = arith.constant 0 : i32
      %dma_wait3A_249 = arith.constant 0 : i32
      %dma_wait3A_250 = tpu.memref_slice %arg4[%add3A_239, %dma_wait3A_248, %dma_wait3A_249] : memref<256x56x68xf32, #tpu.memory_space<hbm>> -> memref<1x56x68xf32, #tpu.memory_space<hbm>>
      %dma_wait3A_251 = tpu.memref_squeeze %dma_wait3A_250 : memref<1x56x68xf32, #tpu.memory_space<hbm>> -> memref<56x68xf32, #tpu.memory_space<hbm>>
      %dma_wait3A_252 = arith.constant 0 : i32
      %dma_wait3A_253 = arith.constant 0 : i32
      %dma_wait3A_254 = tpu.memref_slice %arg4[%add3A_239, %dma_wait3A_252, %dma_wait3A_253] : memref<256x56x68xf32, #tpu.memory_space<hbm>> -> memref<1x56x68xf32, #tpu.memory_space<hbm>>
      %dma_wait3A_255 = tpu.memref_squeeze %dma_wait3A_254 : memref<1x56x68xf32, #tpu.memory_space<hbm>> -> memref<56x68xf32, #tpu.memory_space<hbm>>
      tpu.wait_dma2 semaphore(%run_scoped3A : memref<!tpu.dma_semaphore, #tpu.memory_space<semaphore_mem>>) src(%arg8 : memref<56x68xf32, #tpu.memory_space<vmem>>) dst(%dma_wait3A_255 : memref<56x68xf32, #tpu.memory_space<hbm>>)
      tpu.yield
    }) : () -> ()
    return
  }
}

module attributes {stable_mosaic.version = 14 : i64} {
  func.func @_idx_body(%arg0: i32, %arg1: memref<32x1x68xf32, #tpu.memory_space<vmem>>, %arg2: memref<32x1x68xf32, #tpu.memory_space<vmem>>, %arg3: memref<32x1x1xf32, #tpu.memory_space<vmem>>, %arg4: memref<32x1x1xf32, #tpu.memory_space<vmem>>, %arg5: memref<32x1x1xf32, #tpu.memory_space<vmem>>, %arg6: memref<1x56x1xf32, #tpu.memory_space<vmem>>, %arg7: memref<1x56x1xf32, #tpu.memory_space<vmem>>, %arg8: memref<32x56x68xi32, #tpu.memory_space<vmem>>, %arg9: memref<32x56x68xf32, #tpu.memory_space<vmem>>) attributes {dimension_semantics = [#tpu.dimension_semantics<arbitrary>], iteration_bounds = array<i64: 8>, scalar_prefetch = 0 : i64, scratch_operands = 0 : i64, tpu.core_type = #tpu.core_type<tc>, window_params = [{transform_indices = @transform_0, window_bounds = array<i64: 32, 1, 68>}, {transform_indices = @transform_1, window_bounds = array<i64: 32, 1, 68>}, {transform_indices = @transform_2, window_bounds = array<i64: 32, 1, 1>}, {transform_indices = @transform_3, window_bounds = array<i64: 32, 1, 1>}, {transform_indices = @transform_4, window_bounds = array<i64: 32, 1, 1>}, {pipeline_mode = #tpu.pipeline_mode<synchronous>, transform_indices = @transform_5, window_bounds = array<i64: 1, 56, 1>}, {pipeline_mode = #tpu.pipeline_mode<synchronous>, transform_indices = @transform_6, window_bounds = array<i64: 1, 56, 1>}, {transform_indices = @transform_7, window_bounds = array<i64: 32, 56, 68>}, {transform_indices = @transform_8, window_bounds = array<i64: 32, 56, 68>}]} {
    %get3A = arith.constant 0 : index
    %get3A_0 = arith.constant 0 : index
    %get3A_1 = arith.constant 0 : index
    %get3A_2 = vector.load %arg1[%get3A, %get3A_0, %get3A_1] : memref<32x1x68xf32, #tpu.memory_space<vmem>>, vector<32x1x68xf32>
    %get3A_3 = arith.constant 0 : index
    %get3A_4 = arith.constant 0 : index
    %get3A_5 = arith.constant 0 : index
    %get3A_6 = vector.load %arg3[%get3A_3, %get3A_4, %get3A_5] : memref<32x1x1xf32, #tpu.memory_space<vmem>>, vector<32x1x1xf32>
    %sub3A = vector.broadcast %get3A_6 : vector<32x1x1xf32> to vector<32x1x68xf32>
    %sub3A_7 = arith.subf %get3A_2, %sub3A : vector<32x1x68xf32>
    %get3A_8 = arith.constant 0 : index
    %get3A_9 = arith.constant 0 : index
    %get3A_10 = arith.constant 0 : index
    %get3A_11 = vector.load %arg5[%get3A_8, %get3A_9, %get3A_10] : memref<32x1x1xf32, #tpu.memory_space<vmem>>, vector<32x1x1xf32>
    %mul3A = vector.broadcast %get3A_11 : vector<32x1x1xf32> to vector<32x1x68xf32>
    %mul3A_12 = arith.mulf %sub3A_7, %mul3A : vector<32x1x68xf32>
    %div3A = arith.constant 2.240000e+02 : f32
    %div3A_13 = vector.broadcast %div3A : f32 to vector<32x1x68xf32>
    %div3A_14 = arith.divf %mul3A_12, %div3A_13 : vector<32x1x68xf32>
    %mul3A_15 = arith.constant 2.000000e+00 : f32
    %mul3A_16 = vector.broadcast %mul3A_15 : f32 to vector<32x1x68xf32>
    %mul3A_17 = arith.mulf %div3A_14, %mul3A_16 : vector<32x1x68xf32>
    %sub3A_18 = arith.constant 1.000000e+00 : f32
    %sub3A_19 = vector.broadcast %sub3A_18 : f32 to vector<32x1x68xf32>
    %sub3A_20 = arith.subf %mul3A_17, %sub3A_19 : vector<32x1x68xf32>
    %get3A_21 = arith.constant 0 : index
    %get3A_22 = arith.constant 0 : index
    %get3A_23 = arith.constant 0 : index
    %get3A_24 = vector.load %arg2[%get3A_21, %get3A_22, %get3A_23] : memref<32x1x68xf32, #tpu.memory_space<vmem>>, vector<32x1x68xf32>
    %get3A_25 = arith.constant 0 : index
    %get3A_26 = arith.constant 0 : index
    %get3A_27 = arith.constant 0 : index
    %get3A_28 = vector.load %arg4[%get3A_25, %get3A_26, %get3A_27] : memref<32x1x1xf32, #tpu.memory_space<vmem>>, vector<32x1x1xf32>
    %sub3A_29 = vector.broadcast %get3A_28 : vector<32x1x1xf32> to vector<32x1x68xf32>
    %sub3A_30 = arith.subf %get3A_24, %sub3A_29 : vector<32x1x68xf32>
    %get3A_31 = arith.constant 0 : index
    %get3A_32 = arith.constant 0 : index
    %get3A_33 = arith.constant 0 : index
    %get3A_34 = vector.load %arg5[%get3A_31, %get3A_32, %get3A_33] : memref<32x1x1xf32, #tpu.memory_space<vmem>>, vector<32x1x1xf32>
    %mul3A_35 = vector.broadcast %get3A_34 : vector<32x1x1xf32> to vector<32x1x68xf32>
    %mul3A_36 = arith.mulf %sub3A_30, %mul3A_35 : vector<32x1x68xf32>
    %div3A_37 = arith.constant 2.240000e+02 : f32
    %div3A_38 = vector.broadcast %div3A_37 : f32 to vector<32x1x68xf32>
    %div3A_39 = arith.divf %mul3A_36, %div3A_38 : vector<32x1x68xf32>
    %mul3A_40 = arith.constant 2.000000e+00 : f32
    %mul3A_41 = vector.broadcast %mul3A_40 : f32 to vector<32x1x68xf32>
    %mul3A_42 = arith.mulf %div3A_39, %mul3A_41 : vector<32x1x68xf32>
    %sub3A_43 = arith.constant 1.000000e+00 : f32
    %sub3A_44 = vector.broadcast %sub3A_43 : f32 to vector<32x1x68xf32>
    %sub3A_45 = arith.subf %mul3A_42, %sub3A_44 : vector<32x1x68xf32>
    %get3A_46 = arith.constant 0 : index
    %get3A_47 = arith.constant 0 : index
    %get3A_48 = arith.constant 0 : index
    %get3A_49 = vector.load %arg7[%get3A_46, %get3A_47, %get3A_48] : memref<1x56x1xf32, #tpu.memory_space<vmem>>, vector<1x56x1xf32>
    %add3A = vector.broadcast %sub3A_20 : vector<32x1x68xf32> to vector<32x56x68xf32>
    %add3A_50 = vector.broadcast %get3A_49 : vector<1x56x1xf32> to vector<32x56x68xf32>
    %add3A_51 = arith.addf %add3A, %add3A_50 : vector<32x56x68xf32>
    %get3A_52 = arith.constant 0 : index
    %get3A_53 = arith.constant 0 : index
    %get3A_54 = arith.constant 0 : index
    %get3A_55 = vector.load %arg6[%get3A_52, %get3A_53, %get3A_54] : memref<1x56x1xf32, #tpu.memory_space<vmem>>, vector<1x56x1xf32>
    %add3A_56 = vector.broadcast %sub3A_45 : vector<32x1x68xf32> to vector<32x56x68xf32>
    %add3A_57 = vector.broadcast %get3A_55 : vector<1x56x1xf32> to vector<32x56x68xf32>
    %add3A_58 = arith.addf %add3A_56, %add3A_57 : vector<32x56x68xf32>
    %add3A_59 = arith.constant 1.000000e+00 : f32
    %add3A_60 = vector.broadcast %add3A_59 : f32 to vector<32x56x68xf32>
    %add3A_61 = arith.addf %add3A_51, %add3A_60 : vector<32x56x68xf32>
    %mul3A_62 = arith.constant 2.240000e+02 : f32
    %mul3A_63 = vector.broadcast %mul3A_62 : f32 to vector<32x56x68xf32>
    %mul3A_64 = arith.mulf %add3A_61, %mul3A_63 : vector<32x56x68xf32>
    %div3A_65 = arith.constant 2.000000e+00 : f32
    %div3A_66 = vector.broadcast %div3A_65 : f32 to vector<32x56x68xf32>
    %div3A_67 = arith.divf %mul3A_64, %div3A_66 : vector<32x56x68xf32>
    %sub3A_68 = arith.constant 5.000000e-01 : f32
    %sub3A_69 = vector.broadcast %sub3A_68 : f32 to vector<32x56x68xf32>
    %sub3A_70 = arith.subf %div3A_67, %sub3A_69 : vector<32x56x68xf32>
    %add3A_71 = arith.constant 1.000000e+00 : f32
    %add3A_72 = vector.broadcast %add3A_71 : f32 to vector<32x56x68xf32>
    %add3A_73 = arith.addf %add3A_58, %add3A_72 : vector<32x56x68xf32>
    %mul3A_74 = arith.constant 2.240000e+02 : f32
    %mul3A_75 = vector.broadcast %mul3A_74 : f32 to vector<32x56x68xf32>
    %mul3A_76 = arith.mulf %add3A_73, %mul3A_75 : vector<32x56x68xf32>
    %div3A_77 = arith.constant 2.000000e+00 : f32
    %div3A_78 = vector.broadcast %div3A_77 : f32 to vector<32x56x68xf32>
    %div3A_79 = arith.divf %mul3A_76, %div3A_78 : vector<32x56x68xf32>
    %sub3A_80 = arith.constant 5.000000e-01 : f32
    %sub3A_81 = vector.broadcast %sub3A_80 : f32 to vector<32x56x68xf32>
    %sub3A_82 = arith.subf %div3A_79, %sub3A_81 : vector<32x56x68xf32>
    %round3A = math.roundeven %sub3A_70 : vector<32x56x68xf32>
    %convert_element_type3A = arith.fptosi %round3A : vector<32x56x68xf32> to vector<32x56x68xi32>
    %round3A_83 = math.roundeven %sub3A_82 : vector<32x56x68xf32>
    %convert_element_type3A_84 = arith.fptosi %round3A_83 : vector<32x56x68xf32> to vector<32x56x68xi32>
    %ge3A = arith.constant 0 : i32
    %ge3A_85 = vector.broadcast %ge3A : i32 to vector<32x56x68xi32>
    %ge3A_86 = arith.cmpi sge, %convert_element_type3A, %ge3A_85 : vector<32x56x68xi32>
    %lt3A = arith.constant 224 : i32
    %lt3A_87 = vector.broadcast %lt3A : i32 to vector<32x56x68xi32>
    %lt3A_88 = arith.cmpi slt, %convert_element_type3A, %lt3A_87 : vector<32x56x68xi32>
    %and3A = arith.andi %ge3A_86, %lt3A_88 : vector<32x56x68xi1>
    %ge3A_89 = arith.constant 0 : i32
    %ge3A_90 = vector.broadcast %ge3A_89 : i32 to vector<32x56x68xi32>
    %ge3A_91 = arith.cmpi sge, %convert_element_type3A_84, %ge3A_90 : vector<32x56x68xi32>
    %and3A_92 = arith.andi %and3A, %ge3A_91 : vector<32x56x68xi1>
    %lt3A_93 = arith.constant 224 : i32
    %lt3A_94 = vector.broadcast %lt3A_93 : i32 to vector<32x56x68xi32>
    %lt3A_95 = arith.cmpi slt, %convert_element_type3A_84, %lt3A_94 : vector<32x56x68xi32>
    %and3A_96 = arith.andi %and3A_92, %lt3A_95 : vector<32x56x68xi1>
    %iota3A = tpu.iota {dimensions = array<i32: 1>} : vector<32x56x68xi32>
    %jit3A = arith.constant 0 : i32
    %jit3A_97 = arith.constant 223 : i32
    %max3A = vector.broadcast %jit3A : i32 to vector<32x56x68xi32>
    %max3A_98 = arith.maxsi %max3A, %convert_element_type3A_84 : vector<32x56x68xi32>
    %min3A = vector.broadcast %jit3A_97 : i32 to vector<32x56x68xi32>
    %min3A_99 = arith.minsi %min3A, %max3A_98 : vector<32x56x68xi32>
    %mul3A_100 = arith.constant 256 : i32
    %mul3A_101 = vector.broadcast %mul3A_100 : i32 to vector<32x56x68xi32>
    %mul3A_102 = arith.muli %min3A_99, %mul3A_101 : vector<32x56x68xi32>
    %jit3A_103 = arith.constant 0 : i32
    %jit3A_104 = arith.constant 223 : i32
    %max3A_105 = vector.broadcast %jit3A_103 : i32 to vector<32x56x68xi32>
    %max3A_106 = arith.maxsi %max3A_105, %convert_element_type3A : vector<32x56x68xi32>
    %min3A_107 = vector.broadcast %jit3A_104 : i32 to vector<32x56x68xi32>
    %min3A_108 = arith.minsi %min3A_107, %max3A_106 : vector<32x56x68xi32>
    %add3A_109 = arith.addi %mul3A_102, %min3A_108 : vector<32x56x68xi32>
    %swap3A = arith.constant 0 : index
    %swap3A_110 = arith.constant 0 : index
    %swap3A_111 = arith.constant 0 : index
    %swap3A_112 = vector.load %arg8[%swap3A, %swap3A_110, %swap3A_111] : memref<32x56x68xi32, #tpu.memory_space<vmem>>, vector<32x56x68xi32>
    tpu.vector_store %arg8[%swap3A, %swap3A_110, %swap3A_111], %add3A_109 {strides = array<i32>} : memref<32x56x68xi32, #tpu.memory_space<vmem>>, vector<32x56x68xi32>,
    %lt3A_113 = arith.constant 49 : i32
    %lt3A_114 = vector.broadcast %lt3A_113 : i32 to vector<32x56x68xi32>
    %lt3A_115 = arith.cmpi slt, %iota3A, %lt3A_114 : vector<32x56x68xi32>
    %and3A_116 = arith.andi %and3A_96, %lt3A_115 : vector<32x56x68xi1>
    %convert_element_type3A_117 = arith.extui %and3A_116 : vector<32x56x68xi1> to vector<32x56x68xi32>
    %convert_element_type3A_118 = arith.sitofp %convert_element_type3A_117 : vector<32x56x68xi32> to vector<32x56x68xf32>
    %swap3A_119 = arith.constant 0 : index
    %swap3A_120 = arith.constant 0 : index
    %swap3A_121 = arith.constant 0 : index
    %swap3A_122 = vector.load %arg9[%swap3A_119, %swap3A_120, %swap3A_121] : memref<32x56x68xf32, #tpu.memory_space<vmem>>, vector<32x56x68xf32>
    tpu.vector_store %arg9[%swap3A_119, %swap3A_120, %swap3A_121], %convert_element_type3A_118 {strides = array<i32>} : memref<32x56x68xf32, #tpu.memory_space<vmem>>, vector<32x56x68xf32>,
    return
  }
  func.func @transform_0(%arg0: i32) -> (i32, i32, i32) {
    %c0_i32 = arith.constant 0 : i32
    %c0_i32_0 = arith.constant 0 : i32
    %c0_i32_1 = arith.constant 0 : i32
    return %arg0, %c0_i32, %c0_i32_0 : i32, i32, i32
  }
  func.func @transform_1(%arg0: i32) -> (i32, i32, i32) {
    %c0_i32 = arith.constant 0 : i32
    %c0_i32_0 = arith.constant 0 : i32
    %c0_i32_1 = arith.constant 0 : i32
    return %arg0, %c0_i32, %c0_i32_0 : i32, i32, i32
  }
  func.func @transform_2(%arg0: i32) -> (i32, i32, i32) {
    %c0_i32 = arith.constant 0 : i32
    %c0_i32_0 = arith.constant 0 : i32
    %c0_i32_1 = arith.constant 0 : i32
    return %arg0, %c0_i32, %c0_i32_0 : i32, i32, i32
  }
  func.func @transform_3(%arg0: i32) -> (i32, i32, i32) {
    %c0_i32 = arith.constant 0 : i32
    %c0_i32_0 = arith.constant 0 : i32
    %c0_i32_1 = arith.constant 0 : i32
    return %arg0, %c0_i32, %c0_i32_0 : i32, i32, i32
  }
  func.func @transform_4(%arg0: i32) -> (i32, i32, i32) {
    %c0_i32 = arith.constant 0 : i32
    %c0_i32_0 = arith.constant 0 : i32
    %c0_i32_1 = arith.constant 0 : i32
    return %arg0, %c0_i32, %c0_i32_0 : i32, i32, i32
  }
  func.func @transform_5(%arg0: i32) -> (i32, i32, i32) {
    %c0_i32 = arith.constant 0 : i32
    %c0_i32_0 = arith.constant 0 : i32
    %c0_i32_1 = arith.constant 0 : i32
    %c0_i32_2 = arith.constant 0 : i32
    return %c0_i32, %c0_i32_0, %c0_i32_1 : i32, i32, i32
  }
  func.func @transform_6(%arg0: i32) -> (i32, i32, i32) {
    %c0_i32 = arith.constant 0 : i32
    %c0_i32_0 = arith.constant 0 : i32
    %c0_i32_1 = arith.constant 0 : i32
    %c0_i32_2 = arith.constant 0 : i32
    return %c0_i32, %c0_i32_0, %c0_i32_1 : i32, i32, i32
  }
  func.func @transform_7(%arg0: i32) -> (i32, i32, i32) {
    %c0_i32 = arith.constant 0 : i32
    %c0_i32_0 = arith.constant 0 : i32
    %c0_i32_1 = arith.constant 0 : i32
    return %arg0, %c0_i32, %c0_i32_0 : i32, i32, i32
  }
  func.func @transform_8(%arg0: i32) -> (i32, i32, i32) {
    %c0_i32 = arith.constant 0 : i32
    %c0_i32_0 = arith.constant 0 : i32
    %c0_i32_1 = arith.constant 0 : i32
    return %arg0, %c0_i32, %c0_i32_0 : i32, i32, i32
  }
}

module attributes {stable_mosaic.version = 14 : i64} {
  func.func @_loss_body(%arg0: i32, %arg1: memref<8x56x68xf32, #tpu.memory_space<vmem>>, %arg2: memref<8x56x68xf32, #tpu.memory_space<vmem>>, %arg3: memref<8x68x68xf32, #tpu.memory_space<vmem>>, %arg4: memref<8x68x68xf32, #tpu.memory_space<vmem>>, %arg5: memref<8x68x68xf32, #tpu.memory_space<vmem>>, %arg6: memref<1x1xf32, #tpu.memory_space<vmem>>, %arg7: memref<1x1xf32, #tpu.memory_space<vmem>>, %arg8: memref<1x1xf32, #tpu.memory_space<vmem>>) attributes {dimension_semantics = [#tpu.dimension_semantics<arbitrary>], iteration_bounds = array<i64: 32>, scalar_prefetch = 0 : i64, scratch_operands = 2 : i64, tpu.core_type = #tpu.core_type<tc>, window_params = [{transform_indices = @transform_0, window_bounds = array<i64: 8, 56, 68>}, {transform_indices = @transform_1, window_bounds = array<i64: 8, 56, 68>}, {transform_indices = @transform_2, window_bounds = array<i64: 8, 68, 68>}, {transform_indices = @transform_3, window_bounds = array<i64: 8, 68, 68>}, {transform_indices = @transform_4, window_bounds = array<i64: 8, 68, 68>}, {pipeline_mode = #tpu.pipeline_mode<synchronous>, transform_indices = @transform_5, window_bounds = array<i64: 1, 1>}]} {
    %eq3A = arith.constant 0 : i32
    %eq3A_0 = arith.cmpi eq, %arg0, %eq3A : i32
    %convert_element_type3A = arith.extui %eq3A_0 : i1 to i32
    %cond3A = arith.constant 0 : i32
    %cond3A_1 = arith.cmpi ne, %convert_element_type3A, %cond3A : i32
    scf.if %cond3A_1 {
      %broadcast_in_dim3A_149 = arith.constant 0.000000e+00 : f32
      %broadcast_in_dim3A_150 = vector.broadcast %broadcast_in_dim3A_149 : f32 to vector<1x1xf32>
      %swap3A_151 = arith.constant 0 : index
      %swap3A_152 = arith.constant 0 : index
      %swap3A_153 = vector.load %arg7[%swap3A_151, %swap3A_152] : memref<1x1xf32, #tpu.memory_space<vmem>>, vector<1x1xf32>
      tpu.vector_store %arg7[%swap3A_151, %swap3A_152], %broadcast_in_dim3A_150 {strides = array<i32>} : memref<1x1xf32, #tpu.memory_space<vmem>>, vector<1x1xf32>,
      %broadcast_in_dim3A_154 = arith.constant 0.000000e+00 : f32
      %broadcast_in_dim3A_155 = vector.broadcast %broadcast_in_dim3A_154 : f32 to vector<1x1xf32>
      %swap3A_156 = arith.constant 0 : index
      %swap3A_157 = arith.constant 0 : index
      %swap3A_158 = vector.load %arg8[%swap3A_156, %swap3A_157] : memref<1x1xf32, #tpu.memory_space<vmem>>, vector<1x1xf32>
      tpu.vector_store %arg8[%swap3A_156, %swap3A_157], %broadcast_in_dim3A_155 {strides = array<i32>} : memref<1x1xf32, #tpu.memory_space<vmem>>, vector<1x1xf32>,
    } else {
    }
    %get3A = arith.constant 0 : index
    %get3A_2 = arith.constant 0 : index
    %get3A_3 = arith.constant 0 : index
    %get3A_4 = vector.load %arg1[%get3A, %get3A_2, %get3A_3] : memref<8x56x68xf32, #tpu.memory_space<vmem>>, vector<8x56x68xf32>
    %get3A_5 = arith.constant 0 : index
    %get3A_6 = arith.constant 0 : index
    %get3A_7 = arith.constant 0 : index
    %get3A_8 = vector.load %arg2[%get3A_5, %get3A_6, %get3A_7] : memref<8x56x68xf32, #tpu.memory_space<vmem>>, vector<8x56x68xf32>
    %mul3A = arith.mulf %get3A_4, %get3A_8 : vector<8x56x68xf32>
    %iota3A = tpu.iota {dimensions = array<i32: 1>} : vector<8x56x68xi32>
    %lt3A = arith.constant 49 : i32
    %lt3A_9 = vector.broadcast %lt3A : i32 to vector<8x56x68xi32>
    %lt3A_10 = arith.cmpi slt, %iota3A, %lt3A_9 : vector<8x56x68xi32>
    %slice3A = vector.extract_strided_slice %mul3A {offsets = [0, 0, 0], sizes = [8, 49, 68], strides = [1, 1, 1]} : vector<8x56x68xf32> to vector<8x49x68xf32>
    %le3A = arith.constant 9.99999974E-5 : f32
    %le3A_11 = vector.broadcast %le3A : f32 to vector<8x49x68xf32>
    %le3A_12 = arith.cmpf ole, %slice3A, %le3A_11 : vector<8x49x68xf32>
    %jit3A = arith.constant 1.000000e+00 : f32
    %jit3A_13 = arith.constant 0.000000e+00 : f32
    %broadcast_in_dim3A = vector.broadcast %jit3A : f32 to vector<8x49x68xf32>
    %broadcast_in_dim3A_14 = vector.broadcast %jit3A_13 : f32 to vector<8x49x68xf32>
    %select_n3A = arith.select %le3A_12, %broadcast_in_dim3A, %broadcast_in_dim3A_14 : vector<8x49x68xi1>, vector<8x49x68xf32>
    %reduce_sum3A = arith.constant dense<0.000000e+00> : vector<8x68xf32>
    %reduce_sum3A_15 = vector.multi_reduction <add>, %select_n3A, %reduce_sum3A [1] : vector<8x49x68xf32> to vector<8x68xf32>
    %broadcast_in_dim3A_16 = vector.shape_cast %reduce_sum3A_15 : vector<8x68xf32> to vector<8x1x68xf32>
    %jit3A_17 = arith.constant 1.000000e+00 : f32
    %jit3A_18 = arith.constant 4.800000e+01 : f32
    %max3A = vector.broadcast %jit3A_17 : f32 to vector<8x1x68xf32>
    %max3A_19 = arith.maximumf %max3A, %broadcast_in_dim3A_16 : vector<8x1x68xf32>
    %min3A = vector.broadcast %jit3A_18 : f32 to vector<8x1x68xf32>
    %min3A_20 = arith.minimumf %min3A, %max3A_19 : vector<8x1x68xf32>
    %add3A = arith.constant 4.800000e+01 : f32
    %add3A_21 = vector.broadcast %add3A : f32 to vector<8x1x68xf32>
    %add3A_22 = arith.addf %min3A_20, %add3A_21 : vector<8x1x68xf32>
    %mul3A_23 = arith.constant 5.000000e-01 : f32
    %mul3A_24 = vector.broadcast %mul3A_23 : f32 to vector<8x1x68xf32>
    %mul3A_25 = arith.mulf %add3A_22, %mul3A_24 : vector<8x1x68xf32>
    %floor3A = math.floor %mul3A_25 : vector<8x1x68xf32>
    %broadcast_in_dim3A_26 = vector.shape_cast %mul3A : vector<8x56x68xf32> to vector<8x1x56x68xf32>
    %broadcast_in_dim3A_27 = vector.shape_cast %slice3A : vector<8x49x68xf32> to vector<8x49x1x68xf32>
    %lt3A_28 = vector.broadcast %broadcast_in_dim3A_27 : vector<8x49x1x68xf32> to vector<8x49x56x68xf32>
    %lt3A_29 = vector.broadcast %broadcast_in_dim3A_26 : vector<8x1x56x68xf32> to vector<8x49x56x68xf32>
    %lt3A_30 = arith.cmpf olt, %lt3A_28, %lt3A_29 : vector<8x49x56x68xf32>
    %jit3A_31 = arith.constant 1.000000e+00 : f32
    %jit3A_32 = arith.constant 0.000000e+00 : f32
    %broadcast_in_dim3A_33 = vector.broadcast %jit3A_31 : f32 to vector<8x49x56x68xf32>
    %broadcast_in_dim3A_34 = vector.broadcast %jit3A_32 : f32 to vector<8x49x56x68xf32>
    %select_n3A_35 = arith.select %lt3A_30, %broadcast_in_dim3A_33, %broadcast_in_dim3A_34 : vector<8x49x56x68xi1>, vector<8x49x56x68xf32>
    %reduce_sum3A_36 = arith.constant dense<0.000000e+00> : vector<8x56x68xf32>
    %reduce_sum3A_37 = vector.multi_reduction <add>, %select_n3A_35, %reduce_sum3A_36 [1] : vector<8x49x56x68xf32> to vector<8x56x68xf32>
    %le3A_38 = vector.broadcast %floor3A : vector<8x1x68xf32> to vector<8x56x68xf32>
    %le3A_39 = arith.cmpf ole, %reduce_sum3A_37, %le3A_38 : vector<8x56x68xf32>
    %and3A = arith.andi %le3A_39, %lt3A_10 : vector<8x56x68xi1>
    %jit3A_40 = arith.constant 0xFF800000 : f32
    %broadcast_in_dim3A_41 = vector.broadcast %jit3A_40 : f32 to vector<8x56x68xf32>
    %select_n3A_42 = arith.select %and3A, %mul3A, %broadcast_in_dim3A_41 : vector<8x56x68xi1>, vector<8x56x68xf32>
    %reduce_max3A = arith.constant dense<0xFF800000> : vector<8x68xf32>
    %reduce_max3A_43 = vector.multi_reduction <maximumf>, %select_n3A_42, %reduce_max3A [1] : vector<8x56x68xf32> to vector<8x68xf32>
    %broadcast_in_dim3A_44 = vector.shape_cast %reduce_max3A_43 : vector<8x68xf32> to vector<8x1x68xf32>
    %transpose3A = tpu.transpose %broadcast_in_dim3A_44, [0, 2, 1] : vector<8x1x68xf32> -> vector<8x68x1xf32>
    %lt3A_45 = vector.broadcast %transpose3A : vector<8x68x1xf32> to vector<8x68x68xf32>
    %lt3A_46 = vector.broadcast %broadcast_in_dim3A_44 : vector<8x1x68xf32> to vector<8x68x68xf32>
    %lt3A_47 = arith.cmpf olt, %lt3A_45, %lt3A_46 : vector<8x68x68xf32>
    %jit3A_48 = arith.constant 1.000000e+00 : f32
    %jit3A_49 = arith.constant 0.000000e+00 : f32
    %broadcast_in_dim3A_50 = vector.broadcast %jit3A_48 : f32 to vector<8x68x68xf32>
    %broadcast_in_dim3A_51 = vector.broadcast %jit3A_49 : f32 to vector<8x68x68xf32>
    %select_n3A_52 = arith.select %lt3A_47, %broadcast_in_dim3A_50, %broadcast_in_dim3A_51 : vector<8x68x68xi1>, vector<8x68x68xf32>
    %reduce_sum3A_53 = arith.constant dense<0.000000e+00> : vector<8x68xf32>
    %reduce_sum3A_54 = vector.multi_reduction <add>, %select_n3A_52, %reduce_sum3A_53 [1] : vector<8x68x68xf32> to vector<8x68xf32>
    %broadcast_in_dim3A_55 = vector.shape_cast %reduce_sum3A_54 : vector<8x68xf32> to vector<8x1x68xf32>
    %le3A_56 = arith.constant 3.300000e+01 : f32
    %le3A_57 = vector.broadcast %le3A_56 : f32 to vector<8x1x68xf32>
    %le3A_58 = arith.cmpf ole, %broadcast_in_dim3A_55, %le3A_57 : vector<8x1x68xf32>
    %jit3A_59 = arith.constant 0xFF800000 : f32
    %broadcast_in_dim3A_60 = vector.broadcast %jit3A_59 : f32 to vector<8x1x68xf32>
    %select_n3A_61 = arith.select %le3A_58, %broadcast_in_dim3A_44, %broadcast_in_dim3A_60 : vector<8x1x68xi1>, vector<8x1x68xf32>
    %reduce_max3A_62 = arith.constant dense<0xFF800000> : vector<8xf32>
    %reduce_max3A_63 = vector.multi_reduction <maximumf>, %select_n3A_61, %reduce_max3A_62 [1, 2] : vector<8x1x68xf32> to vector<8xf32>
    %broadcast_in_dim3A_64 = vector.shape_cast %reduce_max3A_63 : vector<8xf32> to vector<8x1x1xf32>
    %div3A = arith.constant 9.000000e+01 : f32
    %div3A_65 = arith.constant 5.000000e+02 : f32
    %div3A_66 = arith.divf %div3A, %div3A_65 : f32
    %sub3A = vector.broadcast %broadcast_in_dim3A_64 : vector<8x1x1xf32> to vector<8x1x68xf32>
    %sub3A_67 = arith.subf %broadcast_in_dim3A_44, %sub3A : vector<8x1x68xf32>
    %abs3A = math.absf %sub3A_67 : vector<8x1x68xf32>
    %lt3A_68 = vector.broadcast %div3A_66 : f32 to vector<8x1x68xf32>
    %lt3A_69 = arith.cmpf olt, %abs3A, %lt3A_68 : vector<8x1x68xf32>
    %sub3A_70 = vector.broadcast %broadcast_in_dim3A_64 : vector<8x1x1xf32> to vector<8x68x1xf32>
    %sub3A_71 = arith.subf %transpose3A, %sub3A_70 : vector<8x68x1xf32>
    %abs3A_72 = math.absf %sub3A_71 : vector<8x68x1xf32>
    %lt3A_73 = vector.broadcast %div3A_66 : f32 to vector<8x68x1xf32>
    %lt3A_74 = arith.cmpf olt, %abs3A_72, %lt3A_73 : vector<8x68x1xf32>
    %mul3A_75 = arith.constant 5.000000e+02 : f32
    %mul3A_76 = vector.broadcast %mul3A_75 : f32 to vector<8x68x1xf32>
    %mul3A_77 = arith.mulf %transpose3A, %mul3A_76 : vector<8x68x1xf32>
    %mul3A_78 = arith.constant 5.000000e+02 : f32
    %mul3A_79 = vector.broadcast %mul3A_78 : f32 to vector<8x1x68xf32>
    %mul3A_80 = arith.mulf %broadcast_in_dim3A_44, %mul3A_79 : vector<8x1x68xf32>
    %sub3A_81 = vector.broadcast %mul3A_77 : vector<8x68x1xf32> to vector<8x68x68xf32>
    %sub3A_82 = vector.broadcast %mul3A_80 : vector<8x1x68xf32> to vector<8x68x68xf32>
    %sub3A_83 = arith.subf %sub3A_81, %sub3A_82 : vector<8x68x68xf32>
    %and3A_84 = vector.broadcast %lt3A_74 : vector<8x68x1xi1> to vector<8x68x68xi1>
    %and3A_85 = vector.broadcast %lt3A_69 : vector<8x1x68xi1> to vector<8x68x68xi1>
    %and3A_86 = arith.andi %and3A_84, %and3A_85 : vector<8x68x68xi1>
    %jit3A_87 = arith.constant 1.000000e+00 : f32
    %jit3A_88 = arith.constant 0.000000e+00 : f32
    %broadcast_in_dim3A_89 = vector.broadcast %jit3A_87 : f32 to vector<8x68x68xf32>
    %broadcast_in_dim3A_90 = vector.broadcast %jit3A_88 : f32 to vector<8x68x68xf32>
    %select_n3A_91 = arith.select %and3A_86, %broadcast_in_dim3A_89, %broadcast_in_dim3A_90 : vector<8x68x68xi1>, vector<8x68x68xf32>
    %get3A_92 = arith.constant 0 : index
    %get3A_93 = arith.constant 0 : index
    %get3A_94 = arith.constant 0 : index
    %get3A_95 = vector.load %arg3[%get3A_92, %get3A_93, %get3A_94] : memref<8x68x68xf32, #tpu.memory_space<vmem>>, vector<8x68x68xf32>
    %sub3A_96 = arith.subf %get3A_95, %sub3A_83 : vector<8x68x68xf32>
    %abs3A_97 = math.absf %sub3A_96 : vector<8x68x68xf32>
    %lt3A_98 = arith.constant 1.000000e+00 : f32
    %lt3A_99 = vector.broadcast %lt3A_98 : f32 to vector<8x68x68xf32>
    %lt3A_100 = arith.cmpf olt, %abs3A_97, %lt3A_99 : vector<8x68x68xf32>
    %mul3A_101 = arith.constant 5.000000e-01 : f32
    %mul3A_102 = vector.broadcast %mul3A_101 : f32 to vector<8x68x68xf32>
    %mul3A_103 = arith.mulf %mul3A_102, %sub3A_96 : vector<8x68x68xf32>
    %mul3A_104 = arith.mulf %mul3A_103, %sub3A_96 : vector<8x68x68xf32>
    %sub3A_105 = arith.constant 5.000000e-01 : f32
    %sub3A_106 = vector.broadcast %sub3A_105 : f32 to vector<8x68x68xf32>
    %sub3A_107 = arith.subf %abs3A_97, %sub3A_106 : vector<8x68x68xf32>
    %select_n3A_108 = arith.select %lt3A_100, %mul3A_104, %sub3A_107 : vector<8x68x68xi1>, vector<8x68x68xf32>
    %mul3A_109 = arith.mulf %select_n3A_108, %select_n3A_91 : vector<8x68x68xf32>
    %reduce_sum3A_110 = vector.shape_cast %mul3A_109 : vector<8x68x68xf32> to vector<1x8x68x68xf32>
    %reduce_sum3A_111 = arith.constant dense<0.000000e+00> : vector<1xf32>
    %reduce_sum3A_112 = vector.multi_reduction <add>, %reduce_sum3A_110, %reduce_sum3A_111 [1, 2, 3] : vector<1x8x68x68xf32> to vector<1xf32>
    %reduce_sum3A_113 = vector.shape_cast %reduce_sum3A_112 : vector<1xf32> to vector<1x1x1x1xf32>
    %reduce_sum3A_114 = vector.extract %reduce_sum3A_113[0, 0, 0, 0] : f32 from vector<1x1x1x1xf32>
    %broadcast_in_dim3A_115 = vector.broadcast %reduce_sum3A_114 : f32 to vector<1x1x1xf32>
    %squeeze3A = vector.shape_cast %broadcast_in_dim3A_115 : vector<1x1x1xf32> to vector<1x1xf32>
    %reduce_sum3A_116 = vector.shape_cast %select_n3A_91 : vector<8x68x68xf32> to vector<1x8x68x68xf32>
    %reduce_sum3A_117 = arith.constant dense<0.000000e+00> : vector<1xf32>
    %reduce_sum3A_118 = vector.multi_reduction <add>, %reduce_sum3A_116, %reduce_sum3A_117 [1, 2, 3] : vector<1x8x68x68xf32> to vector<1xf32>
    %reduce_sum3A_119 = vector.shape_cast %reduce_sum3A_118 : vector<1xf32> to vector<1x1x1x1xf32>
    %reduce_sum3A_120 = vector.extract %reduce_sum3A_119[0, 0, 0, 0] : f32 from vector<1x1x1x1xf32>
    %broadcast_in_dim3A_121 = vector.broadcast %reduce_sum3A_120 : f32 to vector<1x1x1xf32>
    %squeeze3A_122 = vector.shape_cast %broadcast_in_dim3A_121 : vector<1x1x1xf32> to vector<1x1xf32>
    %swap3A = arith.constant 0 : index
    %swap3A_123 = arith.constant 0 : index
    %swap3A_124 = arith.constant 0 : index
    %swap3A_125 = vector.load %arg4[%swap3A, %swap3A_123, %swap3A_124] : memref<8x68x68xf32, #tpu.memory_space<vmem>>, vector<8x68x68xf32>
    tpu.vector_store %arg4[%swap3A, %swap3A_123, %swap3A_124], %sub3A_83 {strides = array<i32>} : memref<8x68x68xf32, #tpu.memory_space<vmem>>, vector<8x68x68xf32>,
    %swap3A_126 = arith.constant 0 : index
    %swap3A_127 = arith.constant 0 : index
    %swap3A_128 = arith.constant 0 : index
    %swap3A_129 = vector.load %arg5[%swap3A_126, %swap3A_127, %swap3A_128] : memref<8x68x68xf32, #tpu.memory_space<vmem>>, vector<8x68x68xf32>
    tpu.vector_store %arg5[%swap3A_126, %swap3A_127, %swap3A_128], %select_n3A_91 {strides = array<i32>} : memref<8x68x68xf32, #tpu.memory_space<vmem>>, vector<8x68x68xf32>,
    %get3A_130 = arith.constant 0 : index
    %get3A_131 = arith.constant 0 : index
    %get3A_132 = vector.load %arg7[%get3A_130, %get3A_131] : memref<1x1xf32, #tpu.memory_space<vmem>>, vector<1x1xf32>
    %add3A_133 = arith.addf %get3A_132, %squeeze3A : vector<1x1xf32>
    %swap3A_134 = arith.constant 0 : index
    %swap3A_135 = arith.constant 0 : index
    %swap3A_136 = vector.load %arg7[%swap3A_134, %swap3A_135] : memref<1x1xf32, #tpu.memory_space<vmem>>, vector<1x1xf32>
    tpu.vector_store %arg7[%swap3A_134, %swap3A_135], %add3A_133 {strides = array<i32>} : memref<1x1xf32, #tpu.memory_space<vmem>>, vector<1x1xf32>,
    %get3A_137 = arith.constant 0 : index
    %get3A_138 = arith.constant 0 : index
    %get3A_139 = vector.load %arg8[%get3A_137, %get3A_138] : memref<1x1xf32, #tpu.memory_space<vmem>>, vector<1x1xf32>
    %add3A_140 = arith.addf %get3A_139, %squeeze3A_122 : vector<1x1xf32>
    %swap3A_141 = arith.constant 0 : index
    %swap3A_142 = arith.constant 0 : index
    %swap3A_143 = vector.load %arg8[%swap3A_141, %swap3A_142] : memref<1x1xf32, #tpu.memory_space<vmem>>, vector<1x1xf32>
    tpu.vector_store %arg8[%swap3A_141, %swap3A_142], %add3A_140 {strides = array<i32>} : memref<1x1xf32, #tpu.memory_space<vmem>>, vector<1x1xf32>,
    %eq3A_144 = arith.constant 31 : i32
    %eq3A_145 = arith.cmpi eq, %arg0, %eq3A_144 : i32
    %convert_element_type3A_146 = arith.extui %eq3A_145 : i1 to i32
    %cond3A_147 = arith.constant 0 : i32
    %cond3A_148 = arith.cmpi ne, %convert_element_type3A_146, %cond3A_147 : i32
    scf.if %cond3A_148 {
      %get3A_149 = arith.constant 0 : index
      %get3A_150 = arith.constant 0 : index
      %get3A_151 = vector.load %arg7[%get3A_149, %get3A_150] : memref<1x1xf32, #tpu.memory_space<vmem>>, vector<1x1xf32>
      %get3A_152 = arith.constant 0 : index
      %get3A_153 = arith.constant 0 : index
      %get3A_154 = vector.load %arg8[%get3A_152, %get3A_153] : memref<1x1xf32, #tpu.memory_space<vmem>>, vector<1x1xf32>
      %add3A_155 = arith.constant 9.99999974E-5 : f32
      %add3A_156 = vector.broadcast %add3A_155 : f32 to vector<1x1xf32>
      %add3A_157 = arith.addf %get3A_154, %add3A_156 : vector<1x1xf32>
      %div3A_158 = arith.divf %get3A_151, %add3A_157 : vector<1x1xf32>
      %swap3A_159 = arith.constant 0 : index
      %swap3A_160 = arith.constant 0 : index
      %swap3A_161 = vector.load %arg6[%swap3A_159, %swap3A_160] : memref<1x1xf32, #tpu.memory_space<vmem>>, vector<1x1xf32>
      tpu.vector_store %arg6[%swap3A_159, %swap3A_160], %div3A_158 {strides = array<i32>} : memref<1x1xf32, #tpu.memory_space<vmem>>, vector<1x1xf32>,
    } else {
    }
    return
  }
  func.func @transform_0(%arg0: i32) -> (i32, i32, i32) {
    %c0_i32 = arith.constant 0 : i32
    %c0_i32_0 = arith.constant 0 : i32
    %c0_i32_1 = arith.constant 0 : i32
    return %arg0, %c0_i32, %c0_i32_0 : i32, i32, i32
  }
  func.func @transform_1(%arg0: i32) -> (i32, i32, i32) {
    %c0_i32 = arith.constant 0 : i32
    %c0_i32_0 = arith.constant 0 : i32
    %c0_i32_1 = arith.constant 0 : i32
    return %arg0, %c0_i32, %c0_i32_0 : i32, i32, i32
  }
  func.func @transform_2(%arg0: i32) -> (i32, i32, i32) {
    %c0_i32 = arith.constant 0 : i32
    %c0_i32_0 = arith.constant 0 : i32
    %c0_i32_1 = arith.constant 0 : i32
    return %arg0, %c0_i32, %c0_i32_0 : i32, i32, i32
  }
  func.func @transform_3(%arg0: i32) -> (i32, i32, i32) {
    %c0_i32 = arith.constant 0 : i32
    %c0_i32_0 = arith.constant 0 : i32
    %c0_i32_1 = arith.constant 0 : i32
    return %arg0, %c0_i32, %c0_i32_0 : i32, i32, i32
  }
  func.func @transform_4(%arg0: i32) -> (i32, i32, i32) {
    %c0_i32 = arith.constant 0 : i32
    %c0_i32_0 = arith.constant 0 : i32
    %c0_i32_1 = arith.constant 0 : i32
    return %arg0, %c0_i32, %c0_i32_0 : i32, i32, i32
  }
  func.func @transform_5(%arg0: i32) -> (i32, i32) {
    %c0_i32 = arith.constant 0 : i32
    %c0_i32_0 = arith.constant 0 : i32
    %c0_i32_1 = arith.constant 0 : i32
    return %c0_i32, %c0_i32_0 : i32, i32
  }
}

</mosaic_0001>

<sc_bundles>
// kernel: kernel.5.cloned.1.call-start
scs
__scs_entry_jumppad:
0x0: {  	(pc) =	sbr.rel $0x88, $3  }
0x1: {  	(tag) =	ssettag $0x0;
	lr =	simm.s32 $0x1  }
0x2: {  	[smem:$0x3F9C] =	sst lr;
	_ =	strace $0xD0000000  }
0x3: {  	_ = 	snop  }
0x4: {  	_ = 	snop  }
0x5: {  	_ = 	snop  }
0x6: {  	_ = 	snop  }
0x7: {  	_ = 	snop  }
__scs_overlays_trampoline_lowered:
0x8: {  	[smem:$0x3FAB] =	sst s0  }
0x9: {  	[smem:$0x3FAC] =	sst s1  }
0xa: {  	[smem:$0x3FAD] =	sst s2  }
0xb: {  	[smem:$0x3FAE] =	sst s3  }
0xc: {  	[smem:$0x3FAF] =	sst s4  }
0xd: {  	[smem:$0x3FB0] =	sst s5  }
0xe: {  	[smem:$0x3FB1] =	sst s6  }
0xf: {  	[smem:$0x3FB2] =	sst s7  }
0x10: {  	[smem:$0x3FB3] =	sst s8  }
0x11: {  	[smem:$0x3FB4] =	sst s9;
	s0 =	simm.s32 @!p0 $0x0  }
0x12: {  	s1 =	sld [smem:$0x3F9A];
	s0 =	simm.s32 @p0 $0x1  }
0x13: {  	[smem:$0x3FB5] =	sst s0;
	s0 =	simm.s32 @!p1 $0x0  }
0x14: {  	s2 =	sld [smem:$0x3F99];
	s0 =	simm.s32 @p1 $0x1  }
0x15: {  	[smem:$0x3FB6] =	sst s0;
	s0 =	simm.s32 @!p2 $0x0  }
0x16: {  	s3 =	sld [smem:$0x3FDB];
	s0 =	simm.s32 @p2 $0x1  }
0x17: {  	s4 =	simm.s32 $0x1BF5;
	[smem:$0x3FB8] =	sst s0  }
0x18: {  	s0 =	sld [smem:$0x3F9B];
	_ =	swait.ge [sflag:s4], $0x0  }
0x19: {  	s7 =	sld [smem:$0x3F9C]  }
0x1a: {  	s8 =	sadd.s32 $0xFFFFE003, lr  }
0x1b: {  	s9 =	sadd.s32 $0xFFFFFEF7, lr;
	s5 =	simm.s32 $0xFFFFFFFF;
	p2 =	slt.u32 s8, $0xFFFFF086  }
0x1c: {  	p1 =	slt.u32 s9, $0xF7A;
	s5 =	simm.s32 @!p2 $0x0  }
0x1d: {  	s5 =	simm.s32 @p1 $0x1;
	p0 =	seq.s32 s7, s2  }
0x1e: {  	s7 =	smul.u32 @!p0 $0xF7A, s2;
	p2 =	seq.s32 @!p0 s5, $0x0  }
0x1f: {  	s9 =	smul.u32 $0xF7A, s1;
	s8 =	simm.s32 @!p0 $0x1BF5;
	p2 =	por !p2, p0  }
0x20: {  	[sflag:s8] =	ssyncset.s32 @!p0 $0xFFFFF086;
	s6 =	sadd.s32 @!p0 s3, s7;
	s7 =	simm.s32 @!p0 $0x108  }
0x21: {  	s3 =	sadd.s32 s3, s9;
	s6 =	sadd.s32 @!p0 $0x88, s6;
	s7 =	simm.s32 @p2 $0x1082  }
0x22: {  	[simem:s7], [sflag:s8] =	dma.local @!p0 [hbm:s6], $0xF7A  }
0x23: {  	s9 =	sor.u32 $0xD0000000, s2;
	s6 =	simm.s32 $0x108;
	_ =	swait.ge @!p0 [sflag:s8], $0x0  }
0x24: {  	s3 =	sadd.s32 $0x88, s3;
	s6 =	simm.s32 @!p1 $0x1082;
	[sflag:s4] =	ssyncset.s32 $0xFFFFF086  }
0x25: {  	[simem:s6], [sflag:s4] =	dma.local [hbm:s3], $0xF7A  }
0x26: {  	[smem:$0x3F9C] =	sst s1;
	(tag) =	ssettag s2;
	_ =	strace s9  }
0x27: {  	s1 =	sld [smem:$0x3FAC]  }
0x28: {  	s2 =	sld [smem:$0x3FAD]  }
0x29: {  	s4 =	sld [smem:$0x3FAF]  }
0x2a: {  	p0 =	seq.s32 s5, $0x0;
	s5 =	sld [smem:$0x3FB0]  }
0x2b: {  	s6 =	sld [smem:$0x3FB1]  }
0x2c: {  	s7 =	sld [smem:$0x3FB2]  }
0x2d: {  	s3 =	simm.s32 $0x108;
	s8 =	sld [smem:$0x3FB3]  }
0x2e: {  	s3 =	simm.s32 @!p0 $0x1082;
	s9 =	sld [smem:$0x3FB4]  }
0x2f: {  	lr =	sadd.s32 s0, s3;
	s0 =	sld [smem:$0x3FAB]  }
0x30: {  	s3 =	sld [smem:$0x3FAE]  }
0x31: {  	[smem:$0x3FB7] =	sst s10  }
0x32: {  	s10 =	sld [smem:$0x3FB5];
	_ =	sdelay $0x3  }
0x33: {  	p0 =	seq.s32 s10, $0x1;
	s10 =	sld [smem:$0x3FB7];
	_ =	sdelay $0x3  }
0x34: {  	[smem:$0x3FB7] =	sst s10  }
0x35: {  	s10 =	sld [smem:$0x3FB6];
	_ =	sdelay $0x3  }
0x36: {  	p1 =	seq.s32 s10, $0x1;
	s10 =	sld [smem:$0x3FB7];
	_ =	sdelay $0x3  }
0x37: {  	[smem:$0x3FB7] =	sst s10  }
0x38: {  	s10 =	sld [smem:$0x3FB8]  }
0x39: {  	_ = 	snop;
	(pc) =	sbr.ind lr, $3  }
0x3a: {  	_ = 	snop  }
0x3b: {  	_ = 	snop  }
0x3c: {  	p2 =	seq.s32 s10, $0x1;
	s10 =	sld [smem:$0x3FB7]  }
0x3d: {  	_ =	shalt  }
0x3e: {  	_ =	shalt  }
0x3f: {  	_ =	shalt  }
0x40: {  	_ =	shalt  }
0x41: {  	_ =	shalt  }
0x42: {  	_ =	shalt  }
0x43: {  	_ =	shalt  }
0x44: {  	_ =	shalt  }
0x45: {  	_ =	shalt  }
0x46: {  	_ =	shalt  }
0x47: {  	_ =	shalt  }
0x48: {  	_ =	shalt  }
0x49: {  	_ =	shalt  }
0x4a: {  	_ =	shalt  }
0x4b: {  	_ =	shalt  }
0x4c: {  	_ =	shalt  }
0x4d: {  	_ =	shalt  }
0x4e: {  	_ =	shalt  }
0x4f: {  	_ =	shalt  }
0x50: {  	_ =	shalt  }
0x51: {  	_ =	shalt  }
0x52: {  	_ =	shalt  }
0x53: {  	_ =	shalt  }
0x54: {  	_ =	shalt  }
0x55: {  	_ =	shalt  }
0x56: {  	_ =	shalt  }
0x57: {  	_ =	shalt  }
0x58: {  	_ =	shalt  }
0x59: {  	_ =	shalt  }
0x5a: {  	_ =	shalt  }
0x5b: {  	_ =	shalt  }
0x5c: {  	_ =	shalt  }
0x5d: {  	_ =	shalt  }
0x5e: {  	_ =	shalt  }
0x5f: {  	_ =	shalt  }
0x60: {  	_ =	shalt  }
0x61: {  	_ =	shalt  }
0x62: {  	_ =	shalt  }
0x63: {  	_ =	shalt  }
0x64: {  	_ =	shalt  }
0x65: {  	_ =	shalt  }
0x66: {  	_ =	shalt  }
0x67: {  	_ =	shalt  }
0x68: {  	_ =	shalt  }
0x69: {  	_ =	shalt  }
0x6a: {  	_ =	shalt  }
0x6b: {  	_ =	shalt  }
0x6c: {  	_ =	shalt  }
0x6d: {  	_ =	shalt  }
0x6e: {  	_ =	shalt  }
0x6f: {  	_ =	shalt  }
0x70: {  	_ =	shalt  }
0x71: {  	_ =	shalt  }
0x72: {  	_ =	shalt  }
0x73: {  	_ =	shalt  }
0x74: {  	_ =	shalt  }
0x75: {  	_ =	shalt  }
0x76: {  	_ =	shalt  }
0x77: {  	_ =	shalt  }
0x78: {  	_ =	shalt  }
0x79: {  	_ =	shalt  }
0x7a: {  	_ =	shalt  }
0x7b: {  	_ =	shalt  }
0x7c: {  	_ =	shalt  }
0x7d: {  	_ =	shalt  }
0x7e: {  	_ =	shalt  }
0x7f: {  	_ =	shalt  }
0x80: {  	_ =	shalt  }
0x81: {  	_ =	shalt  }
0x82: {  	_ =	shalt  }
0x83: {  	_ =	shalt  }
0x84: {  	_ =	shalt  }
0x85: {  	_ =	shalt  }
0x86: {  	_ =	shalt  }
0x87: {  	_ =	shalt  }
.Lfunc_end0:
.L_simem_size_0:
called_computation_lowered:
.L_overlay_start_0:
0x88: {  	s2 =	sld [smem:$0x3FD9]  }
0x89: {  	s3 =	sld [smem:$0x3FFE];
	_ =	sdelay $0x1  }
0x8a: {  	s1 =	srdreg.scid  }
0x8b: {  	s0 =	sand.u32 $0x1, s1  }
0x8c: {  	s16 =	sshll.u32 s0, $0xA;
	s2 =	sadd.s32 s3, s2  }
0x8d: {  	s2 =	sadd.s32 s2, s16  }
0x8e: {  	[smem:$0x3FC3] =	sst s2  }
0x8f: {  	_ = 	snop  }
0x90: {  	(tm) =	ssettm $0x1  }
0x91: {  	s17 =	sld [smem:$0x3FFB];
	_ =	sdelay $0x3  }
0x92: {  	_ =	strace s17  }
0x93: {  	s2 =	sld [smem:$0x3FFC];
	_ =	sdelay $0x3  }
0x94: {  	_ =	strace s2  }
0x95: {  	s2 =	sld [smem:$0x3FFD];
	_ =	sdelay $0x3  }
0x96: {  	_ =	strace s2  }
0x97: {  	_ =	strace $0x8FFFFFFF  }
0x98: {  	s18 =	sld [smem:$0x3FDB];
	_ =	sdelay $0x1  }
0x99: {  	s19 =	simm.s32 $_scs_section_size  }
0x9a: {  	s4 =	simm.s32 $_size__tile_overlayer_lowered;
	s5 =	simm.s32 $_tile_overlayer_lowered  }
0x9b: {  	s22 =	simm.s32 $0x1BFF;
	s21 =	sshll.u32 s5, $0x1;
	s2 =	sadd.s32 s19, s18  }
0x9c: {  	s6 =	simm.s32 $0x0;
	s20 =	sshll.u32 s4, $0x1;
	s4 =	sadd.s32 s21, s2  }
0x9d: {  	[timem:s6], [sflag:s22] =	dma.local [hbm:s4], s20  }
0x9e: {  	_ =	swait.ge [sflag:s22], s20  }
0x9f: {  	s3 =	ssub.s32 $0x0, s20;
	[sflag:s22] =	ssyncset.done $0x0  }
0xa0: {  	[sflag:s22] =	ssyncadd.s32 s3;
	_ =	sdelay $0x1  }
0xa1: {  	s23 =	simm.s32 $0x1B8B  }
0xa2: {  	_ =	swait.ge [sflag:s23], $0x1  }
0xa3: {  	[sflag:s23] =	ssyncset.done $0x0  }
0xa4: {  	s25 =	simm.s32 $0x1B8E;
	s24 =	sld [smem:$0x3FFE];
	[sflag:s23] =	ssyncadd.s32 $0xFFFFFFFF  }
0xa5: {  	s26 =	simm.s32 $execute0_lowered;
	[smem:$0x3FD2] =	sst s25  }
0xa6: {  	s4 =	sshll.u32 s26, $0x1;
	_ =	strace $0x80000046;
	[dreg:$0x1] =	wrdreg $0xFFFFFFFF  }
0xa7: {  	s28 =	simm.s32 $_size_execute0_lowered;
	s2 =	sadd.s32 s2, s4;
	[dreg:$0x0] =	wrdreg $0x0  }
0xa8: {  	s4 =	sshll.u32 s28, $0x1;
	[dreg:$0x2] =	wrdreg s2  }
0xa9: {  	[dreg:$0x3] =	wrdreg s4  }
0xaa: {  	[dreg:$0x4] =	wrdreg $0xC0  }
0xab: {  	_ =	task [dreg:s6], $0x5FFFF  }
0xac: {  	[dreg:$0x1] =	wrdreg $0xFFFFFFFF  }
0xad: {  	[dreg:$0x0] =	wrdreg $0x60  }
0xae: {  	[dreg:$0x2] =	wrdreg s24  }
0xaf: {  	[dreg:$0x3] =	wrdreg $0x9  }
0xb0: {  	_ =	task.clear_ibuf [dreg:s6], $0x4FFFF;
	_ =	strace $0x90000046  }
0xb1: {  	s29 =	simm.s32 $0x9;
	_ =	strace $0x80000048  }
0xb2: {  	_ =	swait.ge [sflag:s29], $0x1  }
0xb3: {  	[sflag:s29] =	ssyncadd.s32 $0xFFFFFFFF  }
0xb4: {  	_ =	strace $0x90000048  }
0xb5: {  	_ =	sfence  }
0xb6: {  	s30 =	sld [smem:$0x0];
	_ =	sdelay $0x2  }
0xb7: {  	s31 =	sshll.u32 s1, $0xD;
	s1 =	sshrl.u32 s1, $0x2  }
0xb8: {  	s3 =	sand.u32 $0x4000, s31;
	s1 =	sadd.s32 s1, s30  }
0xb9: {  	s0 =	sor.u32 s3, s0;
	s1 =	sshll.u32 s1, $0x11  }
0xba: {  	s0 =	sor.u32 s1, s0  }
0xbb: {  	s0 =	sadd.s32 $0x8F2B, s0  }
0xbc: {  	[sflag:s0] =	ssyncadd.remote.s32 $0x1  }
0xbd: {  	_ =	sfence.sel $0xFFFF  }
0xbe: {  	[dreg:$0x0] =	wrdreg $0xFFFFFFFF;
	(pc) =	sbr.abs _section_cstart, $3  }
0xbf: {  	[dreg:$0x1] =	wrdreg $0xFFFFFFFF  }
0xc0: {  	_ =	task.clear_ibuf [dreg:s6], $0x2FFFF;
	_ =	strace $0x9FFFFFFF  }
0xc1: {  	(tm) =	ssettm $0x7FFFFFFF  }
tec
execute0_lowered:
.L_overlay_start_1:
0x0: {  	(tag) =	ssettag $0x1  }
0x1: {  	s0 =	srdreg.scid  }
0x2: {  	s3 =	stileid.u32;
	s0 =	sand.u32 $0x1, s0  }
0x3: {  	s3 =	sshll.u32 s3, $0x4;
	s4 =	sshll.u32 s0, $0x3  }
0x4: {  	s3 =	sor.u32 s4, s3  }
0x5: {  	s5 =	smul.u32 $0x1C00, s3  }
0x6: {  	s2 =	rddreg [dreg:$0x0];
	s6 =	sor.u32 $0x1, s3;
	s9 =	smul.u32 $0x380, s3  }
0x7: {  	s1 =	simm.s32 $0x0;
	s10 =	sor.u32 $0x2, s3;
	s7 =	smul.u32 $0x1C00, s6  }
0x8: {  	s29 =	simm.s32 $0xE000;
	s30 =	simm.s32 $0x1C000;
	s16 =	smul.u32 $0x1C00, s10  }
0x9: {  	s31 =	simm.s32 $0x3;
	s18 =	sor.u32 $0x3, s3;
	s17 =	smul.u32 $0x380, s6  }
0xa: {  	[smem:$0x7FF] =	sst s1;
	s26 =	sadd.s32 $0x1A00, s2;
	s11 =	smul.u32 $0x1C00, s18  }
0xb: {  	s20 =	sadd.s32 $0x1C1A00, s2;
	s13 =	sor.u32 $0x4, s3;
	s12 =	smul.u32 $0x380, s10  }
0xc: {  	s2 =	sadd.s32 $0x1F9A00, s2;
	s0 =	ssub.s32 $0x2, s0;
	s14 =	smul.u32 $0x1C00, s13  }
0xd: {  	s8 =	sshrl.u32 s0, $0x1;
	s24 =	sor.u32 $0x5, s3;
	s23 =	smul.u32 $0x380, s18  }
0xe: {  	s0 =	ssub.s32 s0, s8;
	s15 =	smul.u32 $0x1C00, s24;
	s5 =	sadd.s32 s26, s5  }
0xf: {  	s6 =	smul.u32 $0x380, s24;
	s19 =	sadd.s32 s20, s9;
	[dreg:$0x2] =	wrdreg s5  }
0x10: {  	s28 =	smax.u32 s0, $0x1;
	s21 =	sadd.s32 s2, s9;
	[dreg:$0x4] =	wrdreg s19  }
0x11: {  	s0 =	simm.s32 $0x1DC00;
	s7 =	sadd.s32 s26, s7;
	[dreg:$0x5] =	wrdreg s21  }
0x12: {  	s22 =	sadd.s32 s26, s16;
	s8 =	sadd.s32 s2, s17;
	s9 =	sadd.s32 s26, s11  }
0x13: {  	s10 =	sadd.s32 s20, s12;
	s11 =	sadd.s32 s2, s12;
	s19 =	smul.u32 $0x380, s13  }
0x14: {  	s21 =	sor.u32 $0x6, s3;
	s12 =	sadd.s32 s26, s14;
	s3 =	sor.u32 $0x7, s3  }
0x15: {  	s13 =	sadd.s32 s20, s23;
	s14 =	sadd.s32 s2, s23;
	s16 =	smul.u32 $0x1C00, s21  }
0x16: {  	s15 =	sadd.s32 s26, s15;
	[dreg:$0x3] =	wrdreg s7;
	s25 =	smul.u32 $0x1C00, s3  }
0x17: {  	[dreg:$0x6] =	wrdreg s22;
	s7 =	sadd.s32 s20, s17;
	s3 =	smul.u32 $0x380, s3  }
0x18: {  	s22 =	sadd.s32 s2, s6;
	s18 =	sadd.s32 s20, s19;
	s19 =	sadd.s32 s2, s19  }
0x19: {  	s16 =	sadd.s32 s26, s16;
	s17 =	sadd.s32 s26, s25;
	s26 =	smul.u32 $0x380, s21  }
0x1a: {  	_ =	strace $0x80000047;
	s21 =	sadd.s32 s20, s6;
	s25 =	sadd.s32 s20, s3  }
0x1b: {  	s23 =	sadd.s32 s20, s26;
	s24 =	sadd.s32 s2, s26;
	s26 =	sadd.s32 s2, s3  }
0x1c: {  	s20 =	simm.s32 $0x1;
	s2 =	simm.s32 $0x2;
	s3 =	simm.s32 $0x0  }
.LBB2_1:
0x1d: {  	s4 =	rddreg [dreg:$0x2]  }
0x1e: {  	[tilespmem:s1], [sflag:$0x1] =	stream.linear.gather [hbm4b:s4+s1], $0xE000, $0x38;
	[tilespmem:$0x1F800] =	vst v63  }
0x1f: {  	s5 =	rddreg [dreg:$0x3]  }
0x20: {  	[tilespmem:s29], [sflag:$0x2] =	stream.linear.gather [hbm4b:s5+s1], $0xE000, $0x38;
	[tilespmem:$0x1F800] =	vst v63  }
0x21: {  	s6 =	rddreg [dreg:$0x4]  }
0x22: {  	[tilespmem:s30], [sflag:$0x3] =	stream.linear.gather [hbm4b:s6+s1], $0x1C00, $0x38;
	[tilespmem:$0x1F800] =	vst v63  }
0x23: {  	_ =	swait.ge [sflag:s31], $0x1C00  }
0x24: {  	[sflag:s31] =	ssyncset.done $0x0  }
0x25: {  	[sflag:s31] =	ssyncadd.s32 $0xFFFFE400  }
0x26: {  	_ =	swait.ge [sflag:s20], $0xE000  }
0x27: {  	[sflag:s20] =	ssyncset.done $0x0  }
0x28: {  	s4 =	simm.s32 $0x0;
	[sflag:s20] =	ssyncadd.s32 $0xFFFF2000  }
0x29: {  	v0 =	vld [tilespmem:s4+$0x1C000];
	_ =	sdelay $0x4  }
0x2a: {  	v1 =	vshll.u32 v0, $0x3  }
0x2b: {  	v2 =	vshrl.u32 v0, $0x1;
	v0 =	vand.u32 $0xFFFFF87F, v0;
	v1 =	vand.u32 $0x400, v1  }
0x2c: {  	v2 =	vand.u32 $0x380, v2;
	v0 =	vor.u32 v1, v0;
	v1 =	vld [tilespmem:s4+$0x1C010]  }
0x2d: {  	v0 =	vor.u32 v2, v0;
	_ =	sdelay $0x3  }
0x2e: {  	v2 =	vshll.u32 v1, $0x3  }
0x2f: {  	v3 =	vshrl.u32 v1, $0x1;
	v1 =	vand.u32 $0xFFFFF87F, v1;
	v0 =	vld.idx.msk [tilespmem:v0+s1+$0x0], $0xffff;
	v2 =	vand.u32 $0x400, v2  }
0x30: {  	v3 =	vand.u32 $0x380, v3;
	v1 =	vor.u32 v2, v1;
	v2 =	vld [tilespmem:s4+$0x1C020]  }
0x31: {  	v1 =	vor.u32 v3, v1;
	_ =	sdelay $0x3  }
0x32: {  	[tilespmem:s4+$0x1DC00] =	vst v0;
	v0 =	vshll.u32 v2, $0x3  }
0x33: {  	v3 =	vshrl.u32 v2, $0x1;
	v2 =	vand.u32 $0xFFFFF87F, v2;
	v1 =	vld.idx.msk [tilespmem:v1+s1+$0x0], $0xffff;
	v0 =	vand.u32 $0x400, v0  }
0x34: {  	v0 =	vor.u32 v0, v2;
	v2 =	vld [tilespmem:s4+$0x1C030]  }
0x35: {  	v3 =	vand.u32 $0x380, v3  }
0x36: {  	v0 =	vor.u32 v3, v0;
	_ =	sdelay $0x2  }
0x37: {  	[tilespmem:s4+$0x1DC10] =	vst v1;
	v1 =	vshll.u32 v2, $0x3  }
0x38: {  	v4 =	vld [tilespmem:s4+$0x1C034];
	v3 =	vshrl.u32 v2, $0x1;
	v2 =	vand.u32 $0xFFFFF87F, v2;
	v1 =	vand.u32 $0x400, v1  }
0x39: {  	v0 =	vld.idx.msk [tilespmem:v0+s1+$0x0], $0xffff;
	v3 =	vand.u32 $0x380, v3;
	v1 =	vor.u32 v1, v2  }
0x3a: {  	v1 =	vor.u32 v3, v1;
	_ =	sdelay $0x3  }
0x3b: {  	v2 =	vshll.u32 v4, $0x3;
	[tilespmem:s4+$0x1DC20] =	vst v0  }
0x3c: {  	s5 =	simm.s32 $0x80;
	s6 =	simm.s32 $0x400;
	v3 =	vand.u32 $0xFFFFF87F, v4;
	v0 =	vld.idx.msk [tilespmem:v1+s1+$0x0], $0xffff;
	v1 =	vand.u32 $0x400, v2;
	v2 =	vshrl.u32 v4, $0x1  }
.LBB2_2:
0x3d: {  	p0 =	sne.s32 s6, $0x6E00;
	v4 =	vld [tilespmem:s5+$0x1C000];
	v2 =	vand.u32 $0x380, v2;
	v1 =	vor.u32 v1, v3  }
0x3e: {  	v1 =	vor.u32 v2, v1;
	_ =	sdelay $0x3  }
0x3f: {  	v2 =	vshll.u32 v4, $0x3;
	[tilespmem:s4+$0x1DC30] =	vst v0  }
0x40: {  	v3 =	vand.u32 $0xFFFFF87F, v4;
	v0 =	vand.u32 $0x400, v2;
	v2 =	vshrl.u32 v4, $0x1;
	v1 =	vld.idx.msk [tilespmem:v1+s1+$0x0], $0xffff  }
0x41: {  	v2 =	vand.u32 $0x380, v2;
	v0 =	vor.u32 v0, v3;
	v3 =	vld [tilespmem:s5+$0x1C010]  }
0x42: {  	v0 =	vor.u32 v2, v0;
	_ =	sdelay $0x3  }
0x43: {  	v2 =	vshll.u32 v3, $0x3;
	[tilespmem:s4+$0x1DC34] =	vst v1;
	s4 =	smov.u32 s5  }
0x44: {  	v0 =	vld.idx.msk [tilespmem:v0+s1+$0x0], $0xffff;
	v1 =	vand.u32 $0x400, v2;
	v2 =	vshrl.u32 v3, $0x1;
	v3 =	vand.u32 $0xFFFFF87F, v3  }
0x45: {  	v2 =	vand.u32 $0x380, v2;
	v1 =	vor.u32 v1, v3;
	v3 =	vld [tilespmem:s4+$0x1C020]  }
0x46: {  	v1 =	vor.u32 v2, v1;
	_ =	sdelay $0x3  }
0x47: {  	[tilespmem:s4+$0x1DC00] =	vst v0;
	v0 =	vshll.u32 v3, $0x3  }
0x48: {  	v2 =	vshrl.u32 v3, $0x1;
	v3 =	vand.u32 $0xFFFFF87F, v3;
	v1 =	vld.idx.msk [tilespmem:v1+s1+$0x0], $0xffff;
	v0 =	vand.u32 $0x400, v0  }
0x49: {  	v2 =	vand.u32 $0x380, v2;
	v0 =	vor.u32 v0, v3;
	v3 =	vld [tilespmem:s4+$0x1C030]  }
0x4a: {  	v0 =	vor.u32 v2, v0;
	_ =	sdelay $0x3  }
0x4b: {  	[tilespmem:s4+$0x1DC10] =	vst v1;
	v1 =	vshll.u32 v3, $0x3  }
0x4c: {  	v2 =	vshrl.u32 v3, $0x1;
	v3 =	vand.u32 $0xFFFFF87F, v3;
	v0 =	vld.idx.msk [tilespmem:v0+s1+$0x0], $0xffff;
	v1 =	vand.u32 $0x400, v1  }
0x4d: {  	v2 =	vand.u32 $0x380, v2;
	v1 =	vor.u32 v1, v3;
	v3 =	vld [tilespmem:s4+$0x1C034]  }
0x4e: {  	v1 =	vor.u32 v2, v1  }
.Ltmp0:
0x4f: {  	(pc) =	sbr.rel @p0 .LBB2_2-.Ltmp0, $3  }
0x50: {  	_ =	sdelay $0x1  }
0x51: {  	[tilespmem:s4+$0x1DC20] =	vst v0;
	v2 =	vshll.u32 v3, $0x3  }
0x52: {  	s5 =	sshra.s32 s6, $0x2;
	s6 =	sadd.s32 $0x200, s6;
	v0 =	vld.idx.msk [tilespmem:v1+s1+$0x0], $0xffff;
	v1 =	vand.u32 $0x400, v2;
	v2 =	vshrl.u32 v3, $0x1;
	v3 =	vand.u32 $0xFFFFF87F, v3  }
0x53: {  	v4 =	vld [tilespmem:s5+$0x1C000]  }
0x54: {  	v2 =	vand.u32 $0x380, v2;
	v1 =	vor.u32 v1, v3  }
0x55: {  	v1 =	vor.u32 v2, v1;
	_ =	sdelay $0x2  }
0x56: {  	[tilespmem:s4+$0x1DC30] =	vst v0;
	v2 =	vshll.u32 v4, $0x3  }
0x57: {  	v3 =	vand.u32 $0xFFFFF87F, v4;
	v0 =	vand.u32 $0x400, v2;
	v2 =	vshrl.u32 v4, $0x1;
	v4 =	vld [tilespmem:s5+$0x1C010]  }
0x58: {  	v1 =	vld.idx.msk [tilespmem:v1+s1+$0x0], $0xffff;
	v2 =	vand.u32 $0x380, v2;
	v0 =	vor.u32 v0, v3  }
0x59: {  	v0 =	vor.u32 v2, v0;
	_ =	sdelay $0x3  }
0x5a: {  	v2 =	vshll.u32 v4, $0x3;
	[tilespmem:s4+$0x1DC34] =	vst v1  }
0x5b: {  	v3 =	vand.u32 $0xFFFFF87F, v4;
	v1 =	vand.u32 $0x400, v2;
	v2 =	vshrl.u32 v4, $0x1;
	v0 =	vld.idx.msk [tilespmem:v0+s1+$0x0], $0xffff  }
0x5c: {  	v2 =	vand.u32 $0x380, v2;
	v1 =	vor.u32 v1, v3;
	v3 =	vld [tilespmem:s5+$0x1C020]  }
0x5d: {  	v1 =	vor.u32 v2, v1;
	_ =	sdelay $0x3  }
0x5e: {  	v4 =	vld [tilespmem:s5+$0x1C030];
	[tilespmem:s5+$0x1DC00] =	vst v0;
	v0 =	vshll.u32 v3, $0x3  }
0x5f: {  	v2 =	vshrl.u32 v3, $0x1;
	v3 =	vand.u32 $0xFFFFF87F, v3;
	v1 =	vld.idx.msk [tilespmem:v1+s1+$0x0], $0xffff;
	v0 =	vand.u32 $0x400, v0  }
0x60: {  	v2 =	vand.u32 $0x380, v2;
	v0 =	vor.u32 v0, v3  }
0x61: {  	v0 =	vor.u32 v2, v0;
	_ =	sdelay $0x2  }
0x62: {  	[tilespmem:s5+$0x1DC10] =	vst v1;
	v1 =	vshll.u32 v4, $0x3  }
0x63: {  	v3 =	vand.u32 $0xFFFFF87F, v4;
	v2 =	vshrl.u32 v4, $0x1;
	v4 =	vld [tilespmem:s5+$0x1C034];
	v1 =	vand.u32 $0x400, v1  }
0x64: {  	v2 =	vand.u32 $0x380, v2;
	v0 =	vld.idx.msk [tilespmem:v0+s1+$0x0], $0xffff;
	v1 =	vor.u32 v1, v3  }
0x65: {  	v1 =	vor.u32 v2, v1;
	_ =	sdelay $0x2  }
0x66: {  	v2 =	vshll.u32 v4, $0x3  }
0x67: {  	v3 =	vand.u32 $0xFFFFF87F, v4;
	[tilespmem:s5+$0x1DC20] =	vst v0;
	v0 =	vand.u32 $0x400, v2;
	v2 =	vshrl.u32 v4, $0x1  }
0x68: {  	v1 =	vld.idx.msk [tilespmem:v1+s1+$0x0], $0xffff;
	v2 =	vand.u32 $0x380, v2;
	v0 =	vor.u32 v0, v3  }
0x69: {  	v0 =	vor.u32 v2, v0;
	_ =	sdelay $0x3  }
0x6a: {  	[tilespmem:s5+$0x1DC30] =	vst v1  }
0x6b: {  	v0 =	vld.idx.msk [tilespmem:v0+s1+$0x0], $0xffff;
	_ =	sdelay $0x4  }
0x6c: {  	s6 =	rddreg [dreg:$0x5];
	s4 =	simm.s32 $0x0;
	[tilespmem:s5+$0x1DC34] =	vst v0  }
0x6d: {  	[hbm4b:s6+s4] =	stream.linear.scatter [tilespmem:s0], [sflag:$0x3], $0x1C00, $0x38;
	[tilespmem:$0x1F800] =	vst v63  }
0x6e: {  	_ =	swait.ge [sflag:s31], $0x1C00  }
0x6f: {  	[sflag:s31] =	ssyncset.done $0x0  }
0x70: {  	s6 =	rddreg [dreg:$0x6];
	[sflag:s31] =	ssyncadd.s32 $0xFFFFE400  }
0x71: {  	[tilespmem:s4], [sflag:$0x1] =	stream.linear.gather [hbm4b:s6+s4], $0xE000, $0x38;
	[tilespmem:$0x1F800] =	vst v63  }
0x72: {  	_ = 	snop  }
0x73: {  	[tilespmem:s30], [sflag:$0x3] =	stream.linear.gather [hbm4b:s7+s4], $0x1C00, $0x38;
	[tilespmem:$0x1F800] =	vst v63  }
0x74: {  	_ =	swait.ge [sflag:s31], $0x1C00  }
0x75: {  	[sflag:s31] =	ssyncset.done $0x0  }
0x76: {  	[sflag:s31] =	ssyncadd.s32 $0xFFFFE400  }
0x77: {  	_ =	swait.ge [sflag:s2], $0xE000  }
0x78: {  	[sflag:s2] =	ssyncset.done $0x0  }
0x79: {  	s4 =	simm.s32 $0x0;
	[sflag:s2] =	ssyncadd.s32 $0xFFFF2000  }
0x7a: {  	v0 =	vld [tilespmem:s4+$0x1C000];
	_ =	sdelay $0x4  }
0x7b: {  	v1 =	vshll.u32 v0, $0x3  }
0x7c: {  	v2 =	vshrl.u32 v0, $0x1;
	v0 =	vand.u32 $0xFFFFF87F, v0;
	v1 =	vand.u32 $0x400, v1  }
0x7d: {  	v2 =	vand.u32 $0x380, v2;
	v0 =	vor.u32 v1, v0;
	v1 =	vld [tilespmem:s4+$0x1C010]  }
0x7e: {  	v0 =	vor.u32 v2, v0;
	_ =	sdelay $0x3  }
0x7f: {  	v2 =	vshll.u32 v1, $0x3  }
0x80: {  	v3 =	vshrl.u32 v1, $0x1;
	v1 =	vand.u32 $0xFFFFF87F, v1;
	v0 =	vld.idx.msk [tilespmem:v0+s29+$0x0], $0xffff;
	v2 =	vand.u32 $0x400, v2  }
0x81: {  	v3 =	vand.u32 $0x380, v3;
	v1 =	vor.u32 v2, v1;
	v2 =	vld [tilespmem:s4+$0x1C020]  }
0x82: {  	v1 =	vor.u32 v3, v1;
	_ =	sdelay $0x3  }
0x83: {  	[tilespmem:s4+$0x1DC00] =	vst v0;
	v0 =	vshll.u32 v2, $0x3  }
0x84: {  	v3 =	vshrl.u32 v2, $0x1;
	v2 =	vand.u32 $0xFFFFF87F, v2;
	v1 =	vld.idx.msk [tilespmem:v1+s29+$0x0], $0xffff;
	v0 =	vand.u32 $0x400, v0  }
0x85: {  	v0 =	vor.u32 v0, v2;
	v2 =	vld [tilespmem:s4+$0x1C030]  }
0x86: {  	v3 =	vand.u32 $0x380, v3  }
0x87: {  	v0 =	vor.u32 v3, v0;
	_ =	sdelay $0x2  }
0x88: {  	[tilespmem:s4+$0x1DC10] =	vst v1;
	v1 =	vshll.u32 v2, $0x3  }
0x89: {  	v4 =	vld [tilespmem:s4+$0x1C034];
	v3 =	vshrl.u32 v2, $0x1;
	v2 =	vand.u32 $0xFFFFF87F, v2;
	v1 =	vand.u32 $0x400, v1  }
0x8a: {  	v0 =	vld.idx.msk [tilespmem:v0+s29+$0x0], $0xffff;
	v3 =	vand.u32 $0x380, v3;
	v1 =	vor.u32 v1, v2  }
0x8b: {  	v1 =	vor.u32 v3, v1;
	_ =	sdelay $0x3  }
0x8c: {  	v2 =	vshll.u32 v4, $0x3;
	[tilespmem:s4+$0x1DC20] =	vst v0  }
0x8d: {  	s5 =	simm.s32 $0x80;
	s6 =	simm.s32 $0x400;
	v3 =	vand.u32 $0xFFFFF87F, v4;
	v0 =	vld.idx.msk [tilespmem:v1+s29+$0x0], $0xffff;
	v1 =	vand.u32 $0x400, v2;
	v2 =	vshrl.u32 v4, $0x1  }
.LBB2_4:
0x8e: {  	p0 =	sne.s32 s6, $0x6E00;
	v4 =	vld [tilespmem:s5+$0x1C000];
	v2 =	vand.u32 $0x380, v2;
	v1 =	vor.u32 v1, v3  }
0x8f: {  	v1 =	vor.u32 v2, v1;
	_ =	sdelay $0x3  }
0x90: {  	v2 =	vshll.u32 v4, $0x3;
	[tilespmem:s4+$0x1DC30] =	vst v0  }
0x91: {  	v3 =	vand.u32 $0xFFFFF87F, v4;
	v0 =	vand.u32 $0x400, v2;
	v2 =	vshrl.u32 v4, $0x1;
	v1 =	vld.idx.msk [tilespmem:v1+s29+$0x0], $0xffff  }
0x92: {  	v2 =	vand.u32 $0x380, v2;
	v0 =	vor.u32 v0, v3;
	v3 =	vld [tilespmem:s5+$0x1C010]  }
0x93: {  	v0 =	vor.u32 v2, v0;
	_ =	sdelay $0x3  }
0x94: {  	v2 =	vshll.u32 v3, $0x3;
	[tilespmem:s4+$0x1DC34] =	vst v1;
	s4 =	smov.u32 s5  }
0x95: {  	v0 =	vld.idx.msk [tilespmem:v0+s29+$0x0], $0xffff;
	v1 =	vand.u32 $0x400, v2;
	v2 =	vshrl.u32 v3, $0x1;
	v3 =	vand.u32 $0xFFFFF87F, v3  }
0x96: {  	v2 =	vand.u32 $0x380, v2;
	v1 =	vor.u32 v1, v3;
	v3 =	vld [tilespmem:s4+$0x1C020]  }
0x97: {  	v1 =	vor.u32 v2, v1;
	_ =	sdelay $0x3  }
0x98: {  	[tilespmem:s4+$0x1DC00] =	vst v0;
	v0 =	vshll.u32 v3, $0x3  }
0x99: {  	v2 =	vshrl.u32 v3, $0x1;
	v3 =	vand.u32 $0xFFFFF87F, v3;
	v1 =	vld.idx.msk [tilespmem:v1+s29+$0x0], $0xffff;
	v0 =	vand.u32 $0x400, v0  }
0x9a: {  	v2 =	vand.u32 $0x380, v2;
	v0 =	vor.u32 v0, v3;
	v3 =	vld [tilespmem:s4+$0x1C030]  }
0x9b: {  	v0 =	vor.u32 v2, v0;
	_ =	sdelay $0x3  }
0x9c: {  	[tilespmem:s4+$0x1DC10] =	vst v1;
	v1 =	vshll.u32 v3, $0x3  }
0x9d: {  	v2 =	vshrl.u32 v3, $0x1;
	v3 =	vand.u32 $0xFFFFF87F, v3;
	v0 =	vld.idx.msk [tilespmem:v0+s29+$0x0], $0xffff;
	v1 =	vand.u32 $0x400, v1  }
0x9e: {  	v2 =	vand.u32 $0x380, v2;
	v1 =	vor.u32 v1, v3;
	v3 =	vld [tilespmem:s4+$0x1C034]  }
0x9f: {  	v1 =	vor.u32 v2, v1  }
.Ltmp1:
0xa0: {  	(pc) =	sbr.rel @p0 .LBB2_4-.Ltmp1, $3  }
0xa1: {  	_ =	sdelay $0x1  }
0xa2: {  	[tilespmem:s4+$0x1DC20] =	vst v0;
	v2 =	vshll.u32 v3, $0x3  }
0xa3: {  	s5 =	sshra.s32 s6, $0x2;
	s6 =	sadd.s32 $0x200, s6;
	v0 =	vld.idx.msk [tilespmem:v1+s29+$0x0], $0xffff;
	v1 =	vand.u32 $0x400, v2;
	v2 =	vshrl.u32 v3, $0x1;
	v3 =	vand.u32 $0xFFFFF87F, v3  }
0xa4: {  	v4 =	vld [tilespmem:s5+$0x1C000]  }
0xa5: {  	v2 =	vand.u32 $0x380, v2;
	v1 =	vor.u32 v1, v3  }
0xa6: {  	v1 =	vor.u32 v2, v1;
	_ =	sdelay $0x2  }
0xa7: {  	[tilespmem:s4+$0x1DC30] =	vst v0;
	v2 =	vshll.u32 v4, $0x3  }
0xa8: {  	v3 =	vand.u32 $0xFFFFF87F, v4;
	v0 =	vand.u32 $0x400, v2;
	v2 =	vshrl.u32 v4, $0x1;
	v4 =	vld [tilespmem:s5+$0x1C010]  }
0xa9: {  	v1 =	vld.idx.msk [tilespmem:v1+s29+$0x0], $0xffff;
	v2 =	vand.u32 $0x380, v2;
	v0 =	vor.u32 v0, v3  }
0xaa: {  	v0 =	vor.u32 v2, v0;
	_ =	sdelay $0x3  }
0xab: {  	v2 =	vshll.u32 v4, $0x3;
	[tilespmem:s4+$0x1DC34] =	vst v1  }
0xac: {  	v3 =	vand.u32 $0xFFFFF87F, v4;
	v1 =	vand.u32 $0x400, v2;
	v2 =	vshrl.u32 v4, $0x1;
	v0 =	vld.idx.msk [tilespmem:v0+s29+$0x0], $0xffff  }
0xad: {  	v2 =	vand.u32 $0x380, v2;
	v1 =	vor.u32 v1, v3;
	v3 =	vld [tilespmem:s5+$0x1C020]  }
0xae: {  	v1 =	vor.u32 v2, v1;
	_ =	sdelay $0x3  }
0xaf: {  	v4 =	vld [tilespmem:s5+$0x1C030];
	[tilespmem:s5+$0x1DC00] =	vst v0;
	v0 =	vshll.u32 v3, $0x3  }
0xb0: {  	v2 =	vshrl.u32 v3, $0x1;
	v3 =	vand.u32 $0xFFFFF87F, v3;
	v1 =	vld.idx.msk [tilespmem:v1+s29+$0x0], $0xffff;
	v0 =	vand.u32 $0x400, v0  }
0xb1: {  	v2 =	vand.u32 $0x380, v2;
	v0 =	vor.u32 v0, v3  }
0xb2: {  	v0 =	vor.u32 v2, v0;
	_ =	sdelay $0x2  }
0xb3: {  	[tilespmem:s5+$0x1DC10] =	vst v1;
	v1 =	vshll.u32 v4, $0x3  }
0xb4: {  	v3 =	vand.u32 $0xFFFFF87F, v4;
	v2 =	vshrl.u32 v4, $0x1;
	v4 =	vld [tilespmem:s5+$0x1C034];
	v1 =	vand.u32 $0x400, v1  }
0xb5: {  	v2 =	vand.u32 $0x380, v2;
	v0 =	vld.idx.msk [tilespmem:v0+s29+$0x0], $0xffff;
	v1 =	vor.u32 v1, v3  }
0xb6: {  	v1 =	vor.u32 v2, v1;
	_ =	sdelay $0x2  }
0xb7: {  	v2 =	vshll.u32 v4, $0x3  }
0xb8: {  	v3 =	vand.u32 $0xFFFFF87F, v4;
	[tilespmem:s5+$0x1DC20] =	vst v0;
	v0 =	vand.u32 $0x400, v2;
	v2 =	vshrl.u32 v4, $0x1  }
0xb9: {  	v1 =	vld.idx.msk [tilespmem:v1+s29+$0x0], $0xffff;
	v2 =	vand.u32 $0x380, v2;
	v0 =	vor.u32 v0, v3  }
0xba: {  	v0 =	vor.u32 v2, v0;
	_ =	sdelay $0x3  }
0xbb: {  	[tilespmem:s5+$0x1DC30] =	vst v1  }
0xbc: {  	v0 =	vld.idx.msk [tilespmem:v0+s29+$0x0], $0xffff;
	_ =	sdelay $0x4  }
0xbd: {  	s6 =	simm.s32 $0x0;
	[tilespmem:s5+$0x1DC34] =	vst v0  }
0xbe: {  	[hbm4b:s8+s6] =	stream.linear.scatter [tilespmem:s0], [sflag:$0x3], $0x1C00, $0x38;
	[tilespmem:$0x1F800] =	vst v63  }
0xbf: {  	_ =	swait.ge [sflag:s31], $0x1C00  }
0xc0: {  	[sflag:s31] =	ssyncset.done $0x0  }
0xc1: {  	[sflag:s31] =	ssyncadd.s32 $0xFFFFE400  }
0xc2: {  	[tilespmem:s29], [sflag:$0x2] =	stream.linear.gather [hbm4b:s9+s6], $0xE000, $0x38;
	[tilespmem:$0x1F800] =	vst v63  }
0xc3: {  	_ = 	snop  }
0xc4: {  	[tilespmem:s30], [sflag:$0x3] =	stream.linear.gather [hbm4b:s10+s6], $0x1C00, $0x38;
	[tilespmem:$0x1F800] =	vst v63  }
0xc5: {  	_ =	swait.ge [sflag:s31], $0x1C00  }
0xc6: {  	[sflag:s31] =	ssyncset.done $0x0  }
0xc7: {  	[sflag:s31] =	ssyncadd.s32 $0xFFFFE400  }
0xc8: {  	_ =	swait.ge [sflag:s20], $0xE000  }
0xc9: {  	[sflag:s20] =	ssyncset.done $0x0  }
0xca: {  	s4 =	simm.s32 $0x0;
	[sflag:s20] =	ssyncadd.s32 $0xFFFF2000  }
0xcb: {  	v0 =	vld [tilespmem:s4+$0x1C000];
	_ =	sdelay $0x4  }
0xcc: {  	v1 =	vshll.u32 v0, $0x3  }
0xcd: {  	v2 =	vshrl.u32 v0, $0x1;
	v0 =	vand.u32 $0xFFFFF87F, v0;
	v1 =	vand.u32 $0x400, v1  }
0xce: {  	v2 =	vand.u32 $0x380, v2;
	v0 =	vor.u32 v1, v0;
	v1 =	vld [tilespmem:s4+$0x1C010]  }
0xcf: {  	v0 =	vor.u32 v2, v0;
	_ =	sdelay $0x3  }
0xd0: {  	v2 =	vshll.u32 v1, $0x3  }
0xd1: {  	v3 =	vshrl.u32 v1, $0x1;
	v1 =	vand.u32 $0xFFFFF87F, v1;
	v0 =	vld.idx.msk [tilespmem:v0+s1+$0x0], $0xffff;
	v2 =	vand.u32 $0x400, v2  }
0xd2: {  	v3 =	vand.u32 $0x380, v3;
	v1 =	vor.u32 v2, v1;
	v2 =	vld [tilespmem:s4+$0x1C020]  }
0xd3: {  	v1 =	vor.u32 v3, v1;
	_ =	sdelay $0x3  }
0xd4: {  	[tilespmem:s4+$0x1DC00] =	vst v0;
	v0 =	vshll.u32 v2, $0x3  }
0xd5: {  	v3 =	vshrl.u32 v2, $0x1;
	v2 =	vand.u32 $0xFFFFF87F, v2;
	v1 =	vld.idx.msk [tilespmem:v1+s1+$0x0], $0xffff;
	v0 =	vand.u32 $0x400, v0  }
0xd6: {  	v0 =	vor.u32 v0, v2;
	v2 =	vld [tilespmem:s4+$0x1C030]  }
0xd7: {  	v3 =	vand.u32 $0x380, v3  }
0xd8: {  	v0 =	vor.u32 v3, v0;
	_ =	sdelay $0x2  }
0xd9: {  	[tilespmem:s4+$0x1DC10] =	vst v1;
	v1 =	vshll.u32 v2, $0x3  }
0xda: {  	v4 =	vld [tilespmem:s4+$0x1C034];
	v3 =	vshrl.u32 v2, $0x1;
	v2 =	vand.u32 $0xFFFFF87F, v2;
	v1 =	vand.u32 $0x400, v1  }
0xdb: {  	v0 =	vld.idx.msk [tilespmem:v0+s1+$0x0], $0xffff;
	v3 =	vand.u32 $0x380, v3;
	v1 =	vor.u32 v1, v2  }
0xdc: {  	v1 =	vor.u32 v3, v1;
	_ =	sdelay $0x3  }
0xdd: {  	v2 =	vshll.u32 v4, $0x3;
	[tilespmem:s4+$0x1DC20] =	vst v0  }
0xde: {  	s5 =	simm.s32 $0x80;
	s6 =	simm.s32 $0x400;
	v3 =	vand.u32 $0xFFFFF87F, v4;
	v0 =	vld.idx.msk [tilespmem:v1+s1+$0x0], $0xffff;
	v1 =	vand.u32 $0x400, v2;
	v2 =	vshrl.u32 v4, $0x1  }
.LBB2_6:
0xdf: {  	p0 =	sne.s32 s6, $0x6E00;
	v4 =	vld [tilespmem:s5+$0x1C000];
	v2 =	vand.u32 $0x380, v2;
	v1 =	vor.u32 v1, v3  }
0xe0: {  	v1 =	vor.u32 v2, v1;
	_ =	sdelay $0x3  }
0xe1: {  	v2 =	vshll.u32 v4, $0x3;
	[tilespmem:s4+$0x1DC30] =	vst v0  }
0xe2: {  	v3 =	vand.u32 $0xFFFFF87F, v4;
	v0 =	vand.u32 $0x400, v2;
	v2 =	vshrl.u32 v4, $0x1;
	v1 =	vld.idx.msk [tilespmem:v1+s1+$0x0], $0xffff  }
0xe3: {  	v2 =	vand.u32 $0x380, v2;
	v0 =	vor.u32 v0, v3;
	v3 =	vld [tilespmem:s5+$0x1C010]  }
0xe4: {  	v0 =	vor.u32 v2, v0;
	_ =	sdelay $0x3  }
0xe5: {  	v2 =	vshll.u32 v3, $0x3;
	[tilespmem:s4+$0x1DC34] =	vst v1;
	s4 =	smov.u32 s5  }
0xe6: {  	v0 =	vld.idx.msk [tilespmem:v0+s1+$0x0], $0xffff;
	v1 =	vand.u32 $0x400, v2;
	v2 =	vshrl.u32 v3, $0x1;
	v3 =	vand.u32 $0xFFFFF87F, v3  }
0xe7: {  	v2 =	vand.u32 $0x380, v2;
	v1 =	vor.u32 v1, v3;
	v3 =	vld [tilespmem:s4+$0x1C020]  }
0xe8: {  	v1 =	vor.u32 v2, v1;
	_ =	sdelay $0x3  }
0xe9: {  	[tilespmem:s4+$0x1DC00] =	vst v0;
	v0 =	vshll.u32 v3, $0x3  }
0xea: {  	v2 =	vshrl.u32 v3, $0x1;
	v3 =	vand.u32 $0xFFFFF87F, v3;
	v1 =	vld.idx.msk [tilespmem:v1+s1+$0x0], $0xffff;
	v0 =	vand.u32 $0x400, v0  }
0xeb: {  	v2 =	vand.u32 $0x380, v2;
	v0 =	vor.u32 v0, v3;
	v3 =	vld [tilespmem:s4+$0x1C030]  }
0xec: {  	v0 =	vor.u32 v2, v0;
	_ =	sdelay $0x3  }
0xed: {  	[tilespmem:s4+$0x1DC10] =	vst v1;
	v1 =	vshll.u32 v3, $0x3  }
0xee: {  	v2 =	vshrl.u32 v3, $0x1;
	v3 =	vand.u32 $0xFFFFF87F, v3;
	v0 =	vld.idx.msk [tilespmem:v0+s1+$0x0], $0xffff;
	v1 =	vand.u32 $0x400, v1  }
0xef: {  	v2 =	vand.u32 $0x380, v2;
	v1 =	vor.u32 v1, v3;
	v3 =	vld [tilespmem:s4+$0x1C034]  }
0xf0: {  	v1 =	vor.u32 v2, v1  }
.Ltmp2:
0xf1: {  	(pc) =	sbr.rel @p0 .LBB2_6-.Ltmp2, $3  }
0xf2: {  	_ =	sdelay $0x1  }
0xf3: {  	[tilespmem:s4+$0x1DC20] =	vst v0;
	v2 =	vshll.u32 v3, $0x3  }
0xf4: {  	s5 =	sshra.s32 s6, $0x2;
	s6 =	sadd.s32 $0x200, s6;
	v0 =	vld.idx.msk [tilespmem:v1+s1+$0x0], $0xffff;
	v1 =	vand.u32 $0x400, v2;
	v2 =	vshrl.u32 v3, $0x1;
	v3 =	vand.u32 $0xFFFFF87F, v3  }
0xf5: {  	v4 =	vld [tilespmem:s5+$0x1C000]  }
0xf6: {  	v2 =	vand.u32 $0x380, v2;
	v1 =	vor.u32 v1, v3  }
0xf7: {  	v1 =	vor.u32 v2, v1;
	_ =	sdelay $0x2  }
0xf8: {  	[tilespmem:s4+$0x1DC30] =	vst v0;
	v2 =	vshll.u32 v4, $0x3  }
0xf9: {  	v3 =	vand.u32 $0xFFFFF87F, v4;
	v0 =	vand.u32 $0x400, v2;
	v2 =	vshrl.u32 v4, $0x1;
	v4 =	vld [tilespmem:s5+$0x1C010]  }
0xfa: {  	v1 =	vld.idx.msk [tilespmem:v1+s1+$0x0], $0xffff;
	v2 =	vand.u32 $0x380, v2;
	v0 =	vor.u32 v0, v3  }
0xfb: {  	v0 =	vor.u32 v2, v0;
	_ =	sdelay $0x3  }
0xfc: {  	v2 =	vshll.u32 v4, $0x3;
	[tilespmem:s4+$0x1DC34] =	vst v1  }
0xfd: {  	v3 =	vand.u32 $0xFFFFF87F, v4;
	v1 =	vand.u32 $0x400, v2;
	v2 =	vshrl.u32 v4, $0x1;
	v0 =	vld.idx.msk [tilespmem:v0+s1+$0x0], $0xffff  }
0xfe: {  	v2 =	vand.u32 $0x380, v2;
	v1 =	vor.u32 v1, v3;
	v3 =	vld [tilespmem:s5+$0x1C020]  }
0xff: {  	v1 =	vor.u32 v2, v1;
	_ =	sdelay $0x3  }
0x100: {  	v4 =	vld [tilespmem:s5+$0x1C030];
	[tilespmem:s5+$0x1DC00] =	vst v0;
	v0 =	vshll.u32 v3, $0x3  }
0x101: {  	v2 =	vshrl.u32 v3, $0x1;
	v3 =	vand.u32 $0xFFFFF87F, v3;
	v1 =	vld.idx.msk [tilespmem:v1+s1+$0x0], $0xffff;
	v0 =	vand.u32 $0x400, v0  }
0x102: {  	v2 =	vand.u32 $0x380, v2;
	v0 =	vor.u32 v0, v3  }
0x103: {  	v0 =	vor.u32 v2, v0;
	_ =	sdelay $0x2  }
0x104: {  	[tilespmem:s5+$0x1DC10] =	vst v1;
	v1 =	vshll.u32 v4, $0x3  }
0x105: {  	v3 =	vand.u32 $0xFFFFF87F, v4;
	v2 =	vshrl.u32 v4, $0x1;
	v4 =	vld [tilespmem:s5+$0x1C034];
	v1 =	vand.u32 $0x400, v1  }
0x106: {  	v2 =	vand.u32 $0x380, v2;
	v0 =	vld.idx.msk [tilespmem:v0+s1+$0x0], $0xffff;
	v1 =	vor.u32 v1, v3  }
0x107: {  	v1 =	vor.u32 v2, v1;
	_ =	sdelay $0x2  }
0x108: {  	v2 =	vshll.u32 v4, $0x3  }
0x109: {  	v3 =	vand.u32 $0xFFFFF87F, v4;
	[tilespmem:s5+$0x1DC20] =	vst v0;
	v0 =	vand.u32 $0x400, v2;
	v2 =	vshrl.u32 v4, $0x1  }
0x10a: {  	v1 =	vld.idx.msk [tilespmem:v1+s1+$0x0], $0xffff;
	v2 =	vand.u32 $0x380, v2;
	v0 =	vor.u32 v0, v3  }
0x10b: {  	v0 =	vor.u32 v2, v0;
	_ =	sdelay $0x3  }
0x10c: {  	[tilespmem:s5+$0x1DC30] =	vst v1  }
0x10d: {  	v0 =	vld.idx.msk [tilespmem:v0+s1+$0x0], $0xffff;
	_ =	sdelay $0x4  }
0x10e: {  	s6 =	simm.s32 $0x0;
	[tilespmem:s5+$0x1DC34] =	vst v0  }
0x10f: {  	[hbm4b:s11+s6] =	stream.linear.scatter [tilespmem:s0], [sflag:$0x3], $0x1C00, $0x38;
	[tilespmem:$0x1F800] =	vst v63  }
0x110: {  	_ =	swait.ge [sflag:s31], $0x1C00  }
0x111: {  	[sflag:s31] =	ssyncset.done $0x0  }
0x112: {  	[sflag:s31] =	ssyncadd.s32 $0xFFFFE400  }
0x113: {  	[tilespmem:s6], [sflag:$0x1] =	stream.linear.gather [hbm4b:s12+s6], $0xE000, $0x38;
	[tilespmem:$0x1F800] =	vst v63  }
0x114: {  	_ = 	snop  }
0x115: {  	[tilespmem:s30], [sflag:$0x3] =	stream.linear.gather [hbm4b:s13+s6], $0x1C00, $0x38;
	[tilespmem:$0x1F800] =	vst v63  }
0x116: {  	_ =	swait.ge [sflag:s31], $0x1C00  }
0x117: {  	[sflag:s31] =	ssyncset.done $0x0  }
0x118: {  	[sflag:s31] =	ssyncadd.s32 $0xFFFFE400  }
0x119: {  	_ =	swait.ge [sflag:s2], $0xE000  }
0x11a: {  	[sflag:s2] =	ssyncset.done $0x0  }
0x11b: {  	s4 =	simm.s32 $0x0;
	[sflag:s2] =	ssyncadd.s32 $0xFFFF2000  }
0x11c: {  	v0 =	vld [tilespmem:s4+$0x1C000];
	_ =	sdelay $0x4  }
0x11d: {  	v1 =	vshll.u32 v0, $0x3  }
0x11e: {  	v2 =	vshrl.u32 v0, $0x1;
	v0 =	vand.u32 $0xFFFFF87F, v0;
	v1 =	vand.u32 $0x400, v1  }
0x11f: {  	v2 =	vand.u32 $0x380, v2;
	v0 =	vor.u32 v1, v0;
	v1 =	vld [tilespmem:s4+$0x1C010]  }
0x120: {  	v0 =	vor.u32 v2, v0;
	_ =	sdelay $0x3  }
0x121: {  	v2 =	vshll.u32 v1, $0x3  }
0x122: {  	v3 =	vshrl.u32 v1, $0x1;
	v1 =	vand.u32 $0xFFFFF87F, v1;
	v0 =	vld.idx.msk [tilespmem:v0+s29+$0x0], $0xffff;
	v2 =	vand.u32 $0x400, v2  }
0x123: {  	v3 =	vand.u32 $0x380, v3;
	v1 =	vor.u32 v2, v1;
	v2 =	vld [tilespmem:s4+$0x1C020]  }
0x124: {  	v1 =	vor.u32 v3, v1;
	_ =	sdelay $0x3  }
0x125: {  	[tilespmem:s4+$0x1DC00] =	vst v0;
	v0 =	vshll.u32 v2, $0x3  }
0x126: {  	v3 =	vshrl.u32 v2, $0x1;
	v2 =	vand.u32 $0xFFFFF87F, v2;
	v1 =	vld.idx.msk [tilespmem:v1+s29+$0x0], $0xffff;
	v0 =	vand.u32 $0x400, v0  }
0x127: {  	v0 =	vor.u32 v0, v2;
	v2 =	vld [tilespmem:s4+$0x1C030]  }
0x128: {  	v3 =	vand.u32 $0x380, v3  }
0x129: {  	v0 =	vor.u32 v3, v0;
	_ =	sdelay $0x2  }
0x12a: {  	[tilespmem:s4+$0x1DC10] =	vst v1;
	v1 =	vshll.u32 v2, $0x3  }
0x12b: {  	v4 =	vld [tilespmem:s4+$0x1C034];
	v3 =	vshrl.u32 v2, $0x1;
	v2 =	vand.u32 $0xFFFFF87F, v2;
	v1 =	vand.u32 $0x400, v1  }
0x12c: {  	v0 =	vld.idx.msk [tilespmem:v0+s29+$0x0], $0xffff;
	v3 =	vand.u32 $0x380, v3;
	v1 =	vor.u32 v1, v2  }
0x12d: {  	v1 =	vor.u32 v3, v1;
	_ =	sdelay $0x3  }
0x12e: {  	v2 =	vshll.u32 v4, $0x3;
	[tilespmem:s4+$0x1DC20] =	vst v0  }
0x12f: {  	s5 =	simm.s32 $0x80;
	s6 =	simm.s32 $0x400;
	v3 =	vand.u32 $0xFFFFF87F, v4;
	v0 =	vld.idx.msk [tilespmem:v1+s29+$0x0], $0xffff;
	v1 =	vand.u32 $0x400, v2;
	v2 =	vshrl.u32 v4, $0x1  }
.LBB2_8:
0x130: {  	p0 =	sne.s32 s6, $0x6E00;
	v4 =	vld [tilespmem:s5+$0x1C000];
	v2 =	vand.u32 $0x380, v2;
	v1 =	vor.u32 v1, v3  }
0x131: {  	v1 =	vor.u32 v2, v1;
	_ =	sdelay $0x3  }
0x132: {  	v2 =	vshll.u32 v4, $0x3;
	[tilespmem:s4+$0x1DC30] =	vst v0  }
0x133: {  	v3 =	vand.u32 $0xFFFFF87F, v4;
	v0 =	vand.u32 $0x400, v2;
	v2 =	vshrl.u32 v4, $0x1;
	v1 =	vld.idx.msk [tilespmem:v1+s29+$0x0], $0xffff  }
0x134: {  	v2 =	vand.u32 $0x380, v2;
	v0 =	vor.u32 v0, v3;
	v3 =	vld [tilespmem:s5+$0x1C010]  }
0x135: {  	v0 =	vor.u32 v2, v0;
	_ =	sdelay $0x3  }
0x136: {  	v2 =	vshll.u32 v3, $0x3;
	[tilespmem:s4+$0x1DC34] =	vst v1;
	s4 =	smov.u32 s5  }
0x137: {  	v0 =	vld.idx.msk [tilespmem:v0+s29+$0x0], $0xffff;
	v1 =	vand.u32 $0x400, v2;
	v2 =	vshrl.u32 v3, $0x1;
	v3 =	vand.u32 $0xFFFFF87F, v3  }
0x138: {  	v2 =	vand.u32 $0x380, v2;
	v1 =	vor.u32 v1, v3;
	v3 =	vld [tilespmem:s4+$0x1C020]  }
0x139: {  	v1 =	vor.u32 v2, v1;
	_ =	sdelay $0x3  }
0x13a: {  	[tilespmem:s4+$0x1DC00] =	vst v0;
	v0 =	vshll.u32 v3, $0x3  }
0x13b: {  	v2 =	vshrl.u32 v3, $0x1;
	v3 =	vand.u32 $0xFFFFF87F, v3;
	v1 =	vld.idx.msk [tilespmem:v1+s29+$0x0], $0xffff;
	v0 =	vand.u32 $0x400, v0  }
0x13c: {  	v2 =	vand.u32 $0x380, v2;
	v0 =	vor.u32 v0, v3;
	v3 =	vld [tilespmem:s4+$0x1C030]  }
0x13d: {  	v0 =	vor.u32 v2, v0;
	_ =	sdelay $0x3  }
0x13e: {  	[tilespmem:s4+$0x1DC10] =	vst v1;
	v1 =	vshll.u32 v3, $0x3  }
0x13f: {  	v2 =	vshrl.u32 v3, $0x1;
	v3 =	vand.u32 $0xFFFFF87F, v3;
	v0 =	vld.idx.msk [tilespmem:v0+s29+$0x0], $0xffff;
	v1 =	vand.u32 $0x400, v1  }
0x140: {  	v2 =	vand.u32 $0x380, v2;
	v1 =	vor.u32 v1, v3;
	v3 =	vld [tilespmem:s4+$0x1C034]  }
0x141: {  	v1 =	vor.u32 v2, v1  }
.Ltmp3:
0x142: {  	(pc) =	sbr.rel @p0 .LBB2_8-.Ltmp3, $3  }
0x143: {  	_ =	sdelay $0x1  }
0x144: {  	[tilespmem:s4+$0x1DC20] =	vst v0;
	v2 =	vshll.u32 v3, $0x3  }
0x145: {  	s5 =	sshra.s32 s6, $0x2;
	s6 =	sadd.s32 $0x200, s6;
	v0 =	vld.idx.msk [tilespmem:v1+s29+$0x0], $0xffff;
	v1 =	vand.u32 $0x400, v2;
	v2 =	vshrl.u32 v3, $0x1;
	v3 =	vand.u32 $0xFFFFF87F, v3  }
0x146: {  	v4 =	vld [tilespmem:s5+$0x1C000]  }
0x147: {  	v2 =	vand.u32 $0x380, v2;
	v1 =	vor.u32 v1, v3  }
0x148: {  	v1 =	vor.u32 v2, v1;
	_ =	sdelay $0x2  }
0x149: {  	[tilespmem:s4+$0x1DC30] =	vst v0;
	v2 =	vshll.u32 v4, $0x3  }
0x14a: {  	v3 =	vand.u32 $0xFFFFF87F, v4;
	v0 =	vand.u32 $0x400, v2;
	v2 =	vshrl.u32 v4, $0x1;
	v4 =	vld [tilespmem:s5+$0x1C010]  }
0x14b: {  	v1 =	vld.idx.msk [tilespmem:v1+s29+$0x0], $0xffff;
	v2 =	vand.u32 $0x380, v2;
	v0 =	vor.u32 v0, v3  }
0x14c: {  	v0 =	vor.u32 v2, v0;
	_ =	sdelay $0x3  }
0x14d: {  	v2 =	vshll.u32 v4, $0x3;
	[tilespmem:s4+$0x1DC34] =	vst v1  }
0x14e: {  	v3 =	vand.u32 $0xFFFFF87F, v4;
	v1 =	vand.u32 $0x400, v2;
	v2 =	vshrl.u32 v4, $0x1;
	v0 =	vld.idx.msk [tilespmem:v0+s29+$0x0], $0xffff  }
0x14f: {  	v2 =	vand.u32 $0x380, v2;
	v1 =	vor.u32 v1, v3;
	v3 =	vld [tilespmem:s5+$0x1C020]  }
0x150: {  	v1 =	vor.u32 v2, v1;
	_ =	sdelay $0x3  }
0x151: {  	v4 =	vld [tilespmem:s5+$0x1C030];
	[tilespmem:s5+$0x1DC00] =	vst v0;
	v0 =	vshll.u32 v3, $0x3  }
0x152: {  	v2 =	vshrl.u32 v3, $0x1;
	v3 =	vand.u32 $0xFFFFF87F, v3;
	v1 =	vld.idx.msk [tilespmem:v1+s29+$0x0], $0xffff;
	v0 =	vand.u32 $0x400, v0  }
0x153: {  	v2 =	vand.u32 $0x380, v2;
	v0 =	vor.u32 v0, v3  }
0x154: {  	v0 =	vor.u32 v2, v0;
	_ =	sdelay $0x2  }
0x155: {  	[tilespmem:s5+$0x1DC10] =	vst v1;
	v1 =	vshll.u32 v4, $0x3  }
0x156: {  	v3 =	vand.u32 $0xFFFFF87F, v4;
	v2 =	vshrl.u32 v4, $0x1;
	v4 =	vld [tilespmem:s5+$0x1C034];
	v1 =	vand.u32 $0x400, v1  }
0x157: {  	v2 =	vand.u32 $0x380, v2;
	v0 =	vld.idx.msk [tilespmem:v0+s29+$0x0], $0xffff;
	v1 =	vor.u32 v1, v3  }
0x158: {  	v1 =	vor.u32 v2, v1;
	_ =	sdelay $0x2  }
0x159: {  	v2 =	vshll.u32 v4, $0x3  }
0x15a: {  	v3 =	vand.u32 $0xFFFFF87F, v4;
	[tilespmem:s5+$0x1DC20] =	vst v0;
	v0 =	vand.u32 $0x400, v2;
	v2 =	vshrl.u32 v4, $0x1  }
0x15b: {  	v1 =	vld.idx.msk [tilespmem:v1+s29+$0x0], $0xffff;
	v2 =	vand.u32 $0x380, v2;
	v0 =	vor.u32 v0, v3  }
0x15c: {  	v0 =	vor.u32 v2, v0;
	_ =	sdelay $0x3  }
0x15d: {  	[tilespmem:s5+$0x1DC30] =	vst v1  }
0x15e: {  	v0 =	vld.idx.msk [tilespmem:v0+s29+$0x0], $0xffff;
	_ =	sdelay $0x4  }
0x15f: {  	s6 =	simm.s32 $0x0;
	[tilespmem:s5+$0x1DC34] =	vst v0  }
0x160: {  	[hbm4b:s14+s6] =	stream.linear.scatter [tilespmem:s0], [sflag:$0x3], $0x1C00, $0x38;
	[tilespmem:$0x1F800] =	vst v63  }
0x161: {  	_ =	swait.ge [sflag:s31], $0x1C00  }
0x162: {  	[sflag:s31] =	ssyncset.done $0x0  }
0x163: {  	[sflag:s31] =	ssyncadd.s32 $0xFFFFE400  }
0x164: {  	[tilespmem:s29], [sflag:$0x2] =	stream.linear.gather [hbm4b:s15+s6], $0xE000, $0x38;
	[tilespmem:$0x1F800] =	vst v63  }
0x165: {  	_ = 	snop  }
0x166: {  	[tilespmem:s30], [sflag:$0x3] =	stream.linear.gather [hbm4b:s18+s6], $0x1C00, $0x38;
	[tilespmem:$0x1F800] =	vst v63  }
0x167: {  	_ =	swait.ge [sflag:s31], $0x1C00  }
0x168: {  	[sflag:s31] =	ssyncset.done $0x0  }
0x169: {  	[sflag:s31] =	ssyncadd.s32 $0xFFFFE400  }
0x16a: {  	_ =	swait.ge [sflag:s20], $0xE000  }
0x16b: {  	[sflag:s20] =	ssyncset.done $0x0  }
0x16c: {  	s4 =	simm.s32 $0x0;
	[sflag:s20] =	ssyncadd.s32 $0xFFFF2000  }
0x16d: {  	v0 =	vld [tilespmem:s4+$0x1C000];
	_ =	sdelay $0x4  }
0x16e: {  	v1 =	vshll.u32 v0, $0x3  }
0x16f: {  	v2 =	vshrl.u32 v0, $0x1;
	v0 =	vand.u32 $0xFFFFF87F, v0;
	v1 =	vand.u32 $0x400, v1  }
0x170: {  	v2 =	vand.u32 $0x380, v2;
	v0 =	vor.u32 v1, v0;
	v1 =	vld [tilespmem:s4+$0x1C010]  }
0x171: {  	v0 =	vor.u32 v2, v0;
	_ =	sdelay $0x3  }
0x172: {  	v2 =	vshll.u32 v1, $0x3  }
0x173: {  	v3 =	vshrl.u32 v1, $0x1;
	v1 =	vand.u32 $0xFFFFF87F, v1;
	v0 =	vld.idx.msk [tilespmem:v0+s1+$0x0], $0xffff;
	v2 =	vand.u32 $0x400, v2  }
0x174: {  	v3 =	vand.u32 $0x380, v3;
	v1 =	vor.u32 v2, v1;
	v2 =	vld [tilespmem:s4+$0x1C020]  }
0x175: {  	v1 =	vor.u32 v3, v1;
	_ =	sdelay $0x3  }
0x176: {  	[tilespmem:s4+$0x1DC00] =	vst v0;
	v0 =	vshll.u32 v2, $0x3  }
0x177: {  	v3 =	vshrl.u32 v2, $0x1;
	v2 =	vand.u32 $0xFFFFF87F, v2;
	v1 =	vld.idx.msk [tilespmem:v1+s1+$0x0], $0xffff;
	v0 =	vand.u32 $0x400, v0  }
0x178: {  	v0 =	vor.u32 v0, v2;
	v2 =	vld [tilespmem:s4+$0x1C030]  }
0x179: {  	v3 =	vand.u32 $0x380, v3  }
0x17a: {  	v0 =	vor.u32 v3, v0;
	_ =	sdelay $0x2  }
0x17b: {  	[tilespmem:s4+$0x1DC10] =	vst v1;
	v1 =	vshll.u32 v2, $0x3  }
0x17c: {  	v4 =	vld [tilespmem:s4+$0x1C034];
	v3 =	vshrl.u32 v2, $0x1;
	v2 =	vand.u32 $0xFFFFF87F, v2;
	v1 =	vand.u32 $0x400, v1  }
0x17d: {  	v0 =	vld.idx.msk [tilespmem:v0+s1+$0x0], $0xffff;
	v3 =	vand.u32 $0x380, v3;
	v1 =	vor.u32 v1, v2  }
0x17e: {  	v1 =	vor.u32 v3, v1;
	_ =	sdelay $0x3  }
0x17f: {  	v2 =	vshll.u32 v4, $0x3;
	[tilespmem:s4+$0x1DC20] =	vst v0  }
0x180: {  	s5 =	simm.s32 $0x80;
	s6 =	simm.s32 $0x400;
	v3 =	vand.u32 $0xFFFFF87F, v4;
	v0 =	vld.idx.msk [tilespmem:v1+s1+$0x0], $0xffff;
	v1 =	vand.u32 $0x400, v2;
	v2 =	vshrl.u32 v4, $0x1  }
.LBB2_10:
0x181: {  	p0 =	sne.s32 s6, $0x6E00;
	v4 =	vld [tilespmem:s5+$0x1C000];
	v2 =	vand.u32 $0x380, v2;
	v1 =	vor.u32 v1, v3  }
0x182: {  	v1 =	vor.u32 v2, v1;
	_ =	sdelay $0x3  }
0x183: {  	v2 =	vshll.u32 v4, $0x3;
	[tilespmem:s4+$0x1DC30] =	vst v0  }
0x184: {  	v3 =	vand.u32 $0xFFFFF87F, v4;
	v0 =	vand.u32 $0x400, v2;
	v2 =	vshrl.u32 v4, $0x1;
	v1 =	vld.idx.msk [tilespmem:v1+s1+$0x0], $0xffff  }
0x185: {  	v2 =	vand.u32 $0x380, v2;
	v0 =	vor.u32 v0, v3;
	v3 =	vld [tilespmem:s5+$0x1C010]  }
0x186: {  	v0 =	vor.u32 v2, v0;
	_ =	sdelay $0x3  }
0x187: {  	v2 =	vshll.u32 v3, $0x3;
	[tilespmem:s4+$0x1DC34] =	vst v1;
	s4 =	smov.u32 s5  }
0x188: {  	v0 =	vld.idx.msk [tilespmem:v0+s1+$0x0], $0xffff;
	v1 =	vand.u32 $0x400, v2;
	v2 =	vshrl.u32 v3, $0x1;
	v3 =	vand.u32 $0xFFFFF87F, v3  }
0x189: {  	v2 =	vand.u32 $0x380, v2;
	v1 =	vor.u32 v1, v3;
	v3 =	vld [tilespmem:s4+$0x1C020]  }
0x18a: {  	v1 =	vor.u32 v2, v1;
	_ =	sdelay $0x3  }
0x18b: {  	[tilespmem:s4+$0x1DC00] =	vst v0;
	v0 =	vshll.u32 v3, $0x3  }
0x18c: {  	v2 =	vshrl.u32 v3, $0x1;
	v3 =	vand.u32 $0xFFFFF87F, v3;
	v1 =	vld.idx.msk [tilespmem:v1+s1+$0x0], $0xffff;
	v0 =	vand.u32 $0x400, v0  }
0x18d: {  	v2 =	vand.u32 $0x380, v2;
	v0 =	vor.u32 v0, v3;
	v3 =	vld [tilespmem:s4+$0x1C030]  }
0x18e: {  	v0 =	vor.u32 v2, v0;
	_ =	sdelay $0x3  }
0x18f: {  	[tilespmem:s4+$0x1DC10] =	vst v1;
	v1 =	vshll.u32 v3, $0x3  }
0x190: {  	v2 =	vshrl.u32 v3, $0x1;
	v3 =	vand.u32 $0xFFFFF87F, v3;
	v0 =	vld.idx.msk [tilespmem:v0+s1+$0x0], $0xffff;
	v1 =	vand.u32 $0x400, v1  }
0x191: {  	v2 =	vand.u32 $0x380, v2;
	v1 =	vor.u32 v1, v3;
	v3 =	vld [tilespmem:s4+$0x1C034]  }
0x192: {  	v1 =	vor.u32 v2, v1  }
.Ltmp4:
0x193: {  	(pc) =	sbr.rel @p0 .LBB2_10-.Ltmp4, $3  }
0x194: {  	_ =	sdelay $0x1  }
0x195: {  	[tilespmem:s4+$0x1DC20] =	vst v0;
	v2 =	vshll.u32 v3, $0x3  }
0x196: {  	s5 =	sshra.s32 s6, $0x2;
	s6 =	sadd.s32 $0x200, s6;
	v0 =	vld.idx.msk [tilespmem:v1+s1+$0x0], $0xffff;
	v1 =	vand.u32 $0x400, v2;
	v2 =	vshrl.u32 v3, $0x1;
	v3 =	vand.u32 $0xFFFFF87F, v3  }
0x197: {  	v4 =	vld [tilespmem:s5+$0x1C000]  }
0x198: {  	v2 =	vand.u32 $0x380, v2;
	v1 =	vor.u32 v1, v3  }
0x199: {  	v1 =	vor.u32 v2, v1;
	_ =	sdelay $0x2  }
0x19a: {  	[tilespmem:s4+$0x1DC30] =	vst v0;
	v2 =	vshll.u32 v4, $0x3  }
0x19b: {  	v3 =	vand.u32 $0xFFFFF87F, v4;
	v0 =	vand.u32 $0x400, v2;
	v2 =	vshrl.u32 v4, $0x1;
	v4 =	vld [tilespmem:s5+$0x1C010]  }
0x19c: {  	v1 =	vld.idx.msk [tilespmem:v1+s1+$0x0], $0xffff;
	v2 =	vand.u32 $0x380, v2;
	v0 =	vor.u32 v0, v3  }
0x19d: {  	v0 =	vor.u32 v2, v0;
	_ =	sdelay $0x3  }
0x19e: {  	v2 =	vshll.u32 v4, $0x3;
	[tilespmem:s4+$0x1DC34] =	vst v1  }
0x19f: {  	v3 =	vand.u32 $0xFFFFF87F, v4;
	v1 =	vand.u32 $0x400, v2;
	v2 =	vshrl.u32 v4, $0x1;
	v0 =	vld.idx.msk [tilespmem:v0+s1+$0x0], $0xffff  }
0x1a0: {  	v2 =	vand.u32 $0x380, v2;
	v1 =	vor.u32 v1, v3;
	v3 =	vld [tilespmem:s5+$0x1C020]  }
0x1a1: {  	v1 =	vor.u32 v2, v1;
	_ =	sdelay $0x3  }
0x1a2: {  	v4 =	vld [tilespmem:s5+$0x1C030];
	[tilespmem:s5+$0x1DC00] =	vst v0;
	v0 =	vshll.u32 v3, $0x3  }
0x1a3: {  	v2 =	vshrl.u32 v3, $0x1;
	v3 =	vand.u32 $0xFFFFF87F, v3;
	v1 =	vld.idx.msk [tilespmem:v1+s1+$0x0], $0xffff;
	v0 =	vand.u32 $0x400, v0  }
0x1a4: {  	v2 =	vand.u32 $0x380, v2;
	v0 =	vor.u32 v0, v3  }
0x1a5: {  	v0 =	vor.u32 v2, v0;
	_ =	sdelay $0x2  }
0x1a6: {  	[tilespmem:s5+$0x1DC10] =	vst v1;
	v1 =	vshll.u32 v4, $0x3  }
0x1a7: {  	v3 =	vand.u32 $0xFFFFF87F, v4;
	v2 =	vshrl.u32 v4, $0x1;
	v4 =	vld [tilespmem:s5+$0x1C034];
	v1 =	vand.u32 $0x400, v1  }
0x1a8: {  	v2 =	vand.u32 $0x380, v2;
	v0 =	vld.idx.msk [tilespmem:v0+s1+$0x0], $0xffff;
	v1 =	vor.u32 v1, v3  }
0x1a9: {  	v1 =	vor.u32 v2, v1;
	_ =	sdelay $0x2  }
0x1aa: {  	v2 =	vshll.u32 v4, $0x3  }
0x1ab: {  	v3 =	vand.u32 $0xFFFFF87F, v4;
	[tilespmem:s5+$0x1DC20] =	vst v0;
	v0 =	vand.u32 $0x400, v2;
	v2 =	vshrl.u32 v4, $0x1  }
0x1ac: {  	v1 =	vld.idx.msk [tilespmem:v1+s1+$0x0], $0xffff;
	v2 =	vand.u32 $0x380, v2;
	v0 =	vor.u32 v0, v3  }
0x1ad: {  	v0 =	vor.u32 v2, v0;
	_ =	sdelay $0x3  }
0x1ae: {  	[tilespmem:s5+$0x1DC30] =	vst v1  }
0x1af: {  	v0 =	vld.idx.msk [tilespmem:v0+s1+$0x0], $0xffff;
	_ =	sdelay $0x4  }
0x1b0: {  	s6 =	simm.s32 $0x0;
	[tilespmem:s5+$0x1DC34] =	vst v0  }
0x1b1: {  	[hbm4b:s19+s6] =	stream.linear.scatter [tilespmem:s0], [sflag:$0x3], $0x1C00, $0x38;
	[tilespmem:$0x1F800] =	vst v63  }
0x1b2: {  	_ =	swait.ge [sflag:s31], $0x1C00  }
0x1b3: {  	[sflag:s31] =	ssyncset.done $0x0  }
0x1b4: {  	[sflag:s31] =	ssyncadd.s32 $0xFFFFE400  }
0x1b5: {  	[tilespmem:s6], [sflag:$0x1] =	stream.linear.gather [hbm4b:s16+s6], $0xE000, $0x38;
	[tilespmem:$0x1F800] =	vst v63  }
0x1b6: {  	_ = 	snop  }
0x1b7: {  	[tilespmem:s30], [sflag:$0x3] =	stream.linear.gather [hbm4b:s21+s6], $0x1C00, $0x38;
	[tilespmem:$0x1F800] =	vst v63  }
0x1b8: {  	_ =	swait.ge [sflag:s31], $0x1C00  }
0x1b9: {  	[sflag:s31] =	ssyncset.done $0x0  }
0x1ba: {  	[sflag:s31] =	ssyncadd.s32 $0xFFFFE400  }
0x1bb: {  	_ =	swait.ge [sflag:s2], $0xE000  }
0x1bc: {  	[sflag:s2] =	ssyncset.done $0x0  }
0x1bd: {  	s4 =	simm.s32 $0x0;
	[sflag:s2] =	ssyncadd.s32 $0xFFFF2000  }
0x1be: {  	v0 =	vld [tilespmem:s4+$0x1C000];
	_ =	sdelay $0x4  }
0x1bf: {  	v1 =	vshll.u32 v0, $0x3  }
0x1c0: {  	v2 =	vshrl.u32 v0, $0x1;
	v0 =	vand.u32 $0xFFFFF87F, v0;
	v1 =	vand.u32 $0x400, v1  }
0x1c1: {  	v2 =	vand.u32 $0x380, v2;
	v0 =	vor.u32 v1, v0;
	v1 =	vld [tilespmem:s4+$0x1C010]  }
0x1c2: {  	v0 =	vor.u32 v2, v0;
	_ =	sdelay $0x3  }
0x1c3: {  	v2 =	vshll.u32 v1, $0x3  }
0x1c4: {  	v3 =	vshrl.u32 v1, $0x1;
	v1 =	vand.u32 $0xFFFFF87F, v1;
	v0 =	vld.idx.msk [tilespmem:v0+s29+$0x0], $0xffff;
	v2 =	vand.u32 $0x400, v2  }
0x1c5: {  	v3 =	vand.u32 $0x380, v3;
	v1 =	vor.u32 v2, v1;
	v2 =	vld [tilespmem:s4+$0x1C020]  }
0x1c6: {  	v1 =	vor.u32 v3, v1;
	_ =	sdelay $0x3  }
0x1c7: {  	[tilespmem:s4+$0x1DC00] =	vst v0;
	v0 =	vshll.u32 v2, $0x3  }
0x1c8: {  	v3 =	vshrl.u32 v2, $0x1;
	v2 =	vand.u32 $0xFFFFF87F, v2;
	v1 =	vld.idx.msk [tilespmem:v1+s29+$0x0], $0xffff;
	v0 =	vand.u32 $0x400, v0  }
0x1c9: {  	v0 =	vor.u32 v0, v2;
	v2 =	vld [tilespmem:s4+$0x1C030]  }
0x1ca: {  	v3 =	vand.u32 $0x380, v3  }
0x1cb: {  	v0 =	vor.u32 v3, v0;
	_ =	sdelay $0x2  }
0x1cc: {  	[tilespmem:s4+$0x1DC10] =	vst v1;
	v1 =	vshll.u32 v2, $0x3  }
0x1cd: {  	v4 =	vld [tilespmem:s4+$0x1C034];
	v3 =	vshrl.u32 v2, $0x1;
	v2 =	vand.u32 $0xFFFFF87F, v2;
	v1 =	vand.u32 $0x400, v1  }
0x1ce: {  	v0 =	vld.idx.msk [tilespmem:v0+s29+$0x0], $0xffff;
	v3 =	vand.u32 $0x380, v3;
	v1 =	vor.u32 v1, v2  }
0x1cf: {  	v1 =	vor.u32 v3, v1;
	_ =	sdelay $0x3  }
0x1d0: {  	v2 =	vshll.u32 v4, $0x3;
	[tilespmem:s4+$0x1DC20] =	vst v0  }
0x1d1: {  	s5 =	simm.s32 $0x80;
	s6 =	simm.s32 $0x400;
	v3 =	vand.u32 $0xFFFFF87F, v4;
	v0 =	vld.idx.msk [tilespmem:v1+s29+$0x0], $0xffff;
	v1 =	vand.u32 $0x400, v2;
	v2 =	vshrl.u32 v4, $0x1  }
.LBB2_12:
0x1d2: {  	p0 =	sne.s32 s6, $0x6E00;
	v4 =	vld [tilespmem:s5+$0x1C000];
	v2 =	vand.u32 $0x380, v2;
	v1 =	vor.u32 v1, v3  }
0x1d3: {  	v1 =	vor.u32 v2, v1;
	_ =	sdelay $0x3  }
0x1d4: {  	v2 =	vshll.u32 v4, $0x3;
	[tilespmem:s4+$0x1DC30] =	vst v0  }
0x1d5: {  	v3 =	vand.u32 $0xFFFFF87F, v4;
	v0 =	vand.u32 $0x400, v2;
	v2 =	vshrl.u32 v4, $0x1;
	v1 =	vld.idx.msk [tilespmem:v1+s29+$0x0], $0xffff  }
0x1d6: {  	v2 =	vand.u32 $0x380, v2;
	v0 =	vor.u32 v0, v3;
	v3 =	vld [tilespmem:s5+$0x1C010]  }
0x1d7: {  	v0 =	vor.u32 v2, v0;
	_ =	sdelay $0x3  }
0x1d8: {  	v2 =	vshll.u32 v3, $0x3;
	[tilespmem:s4+$0x1DC34] =	vst v1;
	s4 =	smov.u32 s5  }
0x1d9: {  	v0 =	vld.idx.msk [tilespmem:v0+s29+$0x0], $0xffff;
	v1 =	vand.u32 $0x400, v2;
	v2 =	vshrl.u32 v3, $0x1;
	v3 =	vand.u32 $0xFFFFF87F, v3  }
0x1da: {  	v2 =	vand.u32 $0x380, v2;
	v1 =	vor.u32 v1, v3;
	v3 =	vld [tilespmem:s4+$0x1C020]  }
0x1db: {  	v1 =	vor.u32 v2, v1;
	_ =	sdelay $0x3  }
0x1dc: {  	[tilespmem:s4+$0x1DC00] =	vst v0;
	v0 =	vshll.u32 v3, $0x3  }
0x1dd: {  	v2 =	vshrl.u32 v3, $0x1;
	v3 =	vand.u32 $0xFFFFF87F, v3;
	v1 =	vld.idx.msk [tilespmem:v1+s29+$0x0], $0xffff;
	v0 =	vand.u32 $0x400, v0  }
0x1de: {  	v2 =	vand.u32 $0x380, v2;
	v0 =	vor.u32 v0, v3;
	v3 =	vld [tilespmem:s4+$0x1C030]  }
0x1df: {  	v0 =	vor.u32 v2, v0;
	_ =	sdelay $0x3  }
0x1e0: {  	[tilespmem:s4+$0x1DC10] =	vst v1;
	v1 =	vshll.u32 v3, $0x3  }
0x1e1: {  	v2 =	vshrl.u32 v3, $0x1;
	v3 =	vand.u32 $0xFFFFF87F, v3;
	v0 =	vld.idx.msk [tilespmem:v0+s29+$0x0], $0xffff;
	v1 =	vand.u32 $0x400, v1  }
0x1e2: {  	v2 =	vand.u32 $0x380, v2;
	v1 =	vor.u32 v1, v3;
	v3 =	vld [tilespmem:s4+$0x1C034]  }
0x1e3: {  	v1 =	vor.u32 v2, v1  }
.Ltmp5:
0x1e4: {  	(pc) =	sbr.rel @p0 .LBB2_12-.Ltmp5, $3  }
0x1e5: {  	_ =	sdelay $0x1  }
0x1e6: {  	[tilespmem:s4+$0x1DC20] =	vst v0;
	v2 =	vshll.u32 v3, $0x3  }
0x1e7: {  	s5 =	sshra.s32 s6, $0x2;
	s6 =	sadd.s32 $0x200, s6;
	v0 =	vld.idx.msk [tilespmem:v1+s29+$0x0], $0xffff;
	v1 =	vand.u32 $0x400, v2;
	v2 =	vshrl.u32 v3, $0x1;
	v3 =	vand.u32 $0xFFFFF87F, v3  }
0x1e8: {  	v4 =	vld [tilespmem:s5+$0x1C000]  }
0x1e9: {  	v2 =	vand.u32 $0x380, v2;
	v1 =	vor.u32 v1, v3  }
0x1ea: {  	v1 =	vor.u32 v2, v1;
	_ =	sdelay $0x2  }
0x1eb: {  	[tilespmem:s4+$0x1DC30] =	vst v0;
	v2 =	vshll.u32 v4, $0x3  }
0x1ec: {  	v3 =	vand.u32 $0xFFFFF87F, v4;
	v0 =	vand.u32 $0x400, v2;
	v2 =	vshrl.u32 v4, $0x1;
	v4 =	vld [tilespmem:s5+$0x1C010]  }
0x1ed: {  	v1 =	vld.idx.msk [tilespmem:v1+s29+$0x0], $0xffff;
	v2 =	vand.u32 $0x380, v2;
	v0 =	vor.u32 v0, v3  }
0x1ee: {  	v0 =	vor.u32 v2, v0;
	_ =	sdelay $0x3  }
0x1ef: {  	v2 =	vshll.u32 v4, $0x3;
	[tilespmem:s4+$0x1DC34] =	vst v1  }
0x1f0: {  	v3 =	vand.u32 $0xFFFFF87F, v4;
	v1 =	vand.u32 $0x400, v2;
	v2 =	vshrl.u32 v4, $0x1;
	v0 =	vld.idx.msk [tilespmem:v0+s29+$0x0], $0xffff  }
0x1f1: {  	v2 =	vand.u32 $0x380, v2;
	v1 =	vor.u32 v1, v3;
	v3 =	vld [tilespmem:s5+$0x1C020]  }
0x1f2: {  	v1 =	vor.u32 v2, v1;
	_ =	sdelay $0x3  }
0x1f3: {  	v4 =	vld [tilespmem:s5+$0x1C030];
	[tilespmem:s5+$0x1DC00] =	vst v0;
	v0 =	vshll.u32 v3, $0x3  }
0x1f4: {  	v2 =	vshrl.u32 v3, $0x1;
	v3 =	vand.u32 $0xFFFFF87F, v3;
	v1 =	vld.idx.msk [tilespmem:v1+s29+$0x0], $0xffff;
	v0 =	vand.u32 $0x400, v0  }
0x1f5: {  	v2 =	vand.u32 $0x380, v2;
	v0 =	vor.u32 v0, v3  }
0x1f6: {  	v0 =	vor.u32 v2, v0;
	_ =	sdelay $0x2  }
0x1f7: {  	[tilespmem:s5+$0x1DC10] =	vst v1;
	v1 =	vshll.u32 v4, $0x3  }
0x1f8: {  	v3 =	vand.u32 $0xFFFFF87F, v4;
	v2 =	vshrl.u32 v4, $0x1;
	v4 =	vld [tilespmem:s5+$0x1C034];
	v1 =	vand.u32 $0x400, v1  }
0x1f9: {  	v2 =	vand.u32 $0x380, v2;
	v0 =	vld.idx.msk [tilespmem:v0+s29+$0x0], $0xffff;
	v1 =	vor.u32 v1, v3  }
0x1fa: {  	v1 =	vor.u32 v2, v1;
	_ =	sdelay $0x2  }
0x1fb: {  	v2 =	vshll.u32 v4, $0x3  }
0x1fc: {  	v3 =	vand.u32 $0xFFFFF87F, v4;
	[tilespmem:s5+$0x1DC20] =	vst v0;
	v0 =	vand.u32 $0x400, v2;
	v2 =	vshrl.u32 v4, $0x1  }
0x1fd: {  	v1 =	vld.idx.msk [tilespmem:v1+s29+$0x0], $0xffff;
	v2 =	vand.u32 $0x380, v2;
	v0 =	vor.u32 v0, v3  }
0x1fe: {  	v0 =	vor.u32 v2, v0;
	_ =	sdelay $0x3  }
0x1ff: {  	[tilespmem:s5+$0x1DC30] =	vst v1  }
0x200: {  	v0 =	vld.idx.msk [tilespmem:v0+s29+$0x0], $0xffff;
	_ =	sdelay $0x4  }
0x201: {  	s6 =	simm.s32 $0x0;
	[tilespmem:s5+$0x1DC34] =	vst v0  }
0x202: {  	[hbm4b:s22+s6] =	stream.linear.scatter [tilespmem:s0], [sflag:$0x3], $0x1C00, $0x38;
	[tilespmem:$0x1F800] =	vst v63  }
0x203: {  	_ =	swait.ge [sflag:s31], $0x1C00  }
0x204: {  	[sflag:s31] =	ssyncset.done $0x0  }
0x205: {  	[sflag:s31] =	ssyncadd.s32 $0xFFFFE400  }
0x206: {  	[tilespmem:s29], [sflag:$0x2] =	stream.linear.gather [hbm4b:s17+s6], $0xE000, $0x38;
	[tilespmem:$0x1F800] =	vst v63  }
0x207: {  	_ = 	snop  }
0x208: {  	[tilespmem:s30], [sflag:$0x3] =	stream.linear.gather [hbm4b:s23+s6], $0x1C00, $0x38;
	[tilespmem:$0x1F800] =	vst v63  }
0x209: {  	_ =	swait.ge [sflag:s31], $0x1C00  }
0x20a: {  	[sflag:s31] =	ssyncset.done $0x0  }
0x20b: {  	[sflag:s31] =	ssyncadd.s32 $0xFFFFE400  }
0x20c: {  	_ =	swait.ge [sflag:s20], $0xE000  }
0x20d: {  	[sflag:s20] =	ssyncset.done $0x0  }
0x20e: {  	s4 =	simm.s32 $0x0;
	[sflag:s20] =	ssyncadd.s32 $0xFFFF2000  }
0x20f: {  	v0 =	vld [tilespmem:s4+$0x1C000];
	_ =	sdelay $0x4  }
0x210: {  	v1 =	vshll.u32 v0, $0x3  }
0x211: {  	v2 =	vshrl.u32 v0, $0x1;
	v0 =	vand.u32 $0xFFFFF87F, v0;
	v1 =	vand.u32 $0x400, v1  }
0x212: {  	v2 =	vand.u32 $0x380, v2;
	v0 =	vor.u32 v1, v0;
	v1 =	vld [tilespmem:s4+$0x1C010]  }
0x213: {  	v0 =	vor.u32 v2, v0;
	_ =	sdelay $0x3  }
0x214: {  	v2 =	vshll.u32 v1, $0x3  }
0x215: {  	v3 =	vshrl.u32 v1, $0x1;
	v1 =	vand.u32 $0xFFFFF87F, v1;
	v0 =	vld.idx.msk [tilespmem:v0+s1+$0x0], $0xffff;
	v2 =	vand.u32 $0x400, v2  }
0x216: {  	v3 =	vand.u32 $0x380, v3;
	v1 =	vor.u32 v2, v1;
	v2 =	vld [tilespmem:s4+$0x1C020]  }
0x217: {  	v1 =	vor.u32 v3, v1;
	_ =	sdelay $0x3  }
0x218: {  	[tilespmem:s4+$0x1DC00] =	vst v0;
	v0 =	vshll.u32 v2, $0x3  }
0x219: {  	v3 =	vshrl.u32 v2, $0x1;
	v2 =	vand.u32 $0xFFFFF87F, v2;
	v1 =	vld.idx.msk [tilespmem:v1+s1+$0x0], $0xffff;
	v0 =	vand.u32 $0x400, v0  }
0x21a: {  	v0 =	vor.u32 v0, v2;
	v2 =	vld [tilespmem:s4+$0x1C030]  }
0x21b: {  	v3 =	vand.u32 $0x380, v3  }
0x21c: {  	v0 =	vor.u32 v3, v0;
	_ =	sdelay $0x2  }
0x21d: {  	[tilespmem:s4+$0x1DC10] =	vst v1;
	v1 =	vshll.u32 v2, $0x3  }
0x21e: {  	v4 =	vld [tilespmem:s4+$0x1C034];
	v3 =	vshrl.u32 v2, $0x1;
	v2 =	vand.u32 $0xFFFFF87F, v2;
	v1 =	vand.u32 $0x400, v1  }
0x21f: {  	v0 =	vld.idx.msk [tilespmem:v0+s1+$0x0], $0xffff;
	v3 =	vand.u32 $0x380, v3;
	v1 =	vor.u32 v1, v2  }
0x220: {  	v1 =	vor.u32 v3, v1;
	_ =	sdelay $0x3  }
0x221: {  	v2 =	vshll.u32 v4, $0x3;
	[tilespmem:s4+$0x1DC20] =	vst v0  }
0x222: {  	s5 =	simm.s32 $0x80;
	s6 =	simm.s32 $0x400;
	v3 =	vand.u32 $0xFFFFF87F, v4;
	v0 =	vld.idx.msk [tilespmem:v1+s1+$0x0], $0xffff;
	v1 =	vand.u32 $0x400, v2;
	v2 =	vshrl.u32 v4, $0x1  }
.LBB2_14:
0x223: {  	p0 =	sne.s32 s6, $0x6E00;
	v4 =	vld [tilespmem:s5+$0x1C000];
	v2 =	vand.u32 $0x380, v2;
	v1 =	vor.u32 v1, v3  }
0x224: {  	v1 =	vor.u32 v2, v1;
	_ =	sdelay $0x3  }
0x225: {  	v2 =	vshll.u32 v4, $0x3;
	[tilespmem:s4+$0x1DC30] =	vst v0  }
0x226: {  	v3 =	vand.u32 $0xFFFFF87F, v4;
	v0 =	vand.u32 $0x400, v2;
	v2 =	vshrl.u32 v4, $0x1;
	v1 =	vld.idx.msk [tilespmem:v1+s1+$0x0], $0xffff  }
0x227: {  	v2 =	vand.u32 $0x380, v2;
	v0 =	vor.u32 v0, v3;
	v3 =	vld [tilespmem:s5+$0x1C010]  }
0x228: {  	v0 =	vor.u32 v2, v0;
	_ =	sdelay $0x3  }
0x229: {  	v2 =	vshll.u32 v3, $0x3;
	[tilespmem:s4+$0x1DC34] =	vst v1;
	s4 =	smov.u32 s5  }
0x22a: {  	v0 =	vld.idx.msk [tilespmem:v0+s1+$0x0], $0xffff;
	v1 =	vand.u32 $0x400, v2;
	v2 =	vshrl.u32 v3, $0x1;
	v3 =	vand.u32 $0xFFFFF87F, v3  }
0x22b: {  	v2 =	vand.u32 $0x380, v2;
	v1 =	vor.u32 v1, v3;
	v3 =	vld [tilespmem:s4+$0x1C020]  }
0x22c: {  	v1 =	vor.u32 v2, v1;
	_ =	sdelay $0x3  }
0x22d: {  	[tilespmem:s4+$0x1DC00] =	vst v0;
	v0 =	vshll.u32 v3, $0x3  }
0x22e: {  	v2 =	vshrl.u32 v3, $0x1;
	v3 =	vand.u32 $0xFFFFF87F, v3;
	v1 =	vld.idx.msk [tilespmem:v1+s1+$0x0], $0xffff;
	v0 =	vand.u32 $0x400, v0  }
0x22f: {  	v2 =	vand.u32 $0x380, v2;
	v0 =	vor.u32 v0, v3;
	v3 =	vld [tilespmem:s4+$0x1C030]  }
0x230: {  	v0 =	vor.u32 v2, v0;
	_ =	sdelay $0x3  }
0x231: {  	[tilespmem:s4+$0x1DC10] =	vst v1;
	v1 =	vshll.u32 v3, $0x3  }
0x232: {  	v2 =	vshrl.u32 v3, $0x1;
	v3 =	vand.u32 $0xFFFFF87F, v3;
	v0 =	vld.idx.msk [tilespmem:v0+s1+$0x0], $0xffff;
	v1 =	vand.u32 $0x400, v1  }
0x233: {  	v2 =	vand.u32 $0x380, v2;
	v1 =	vor.u32 v1, v3;
	v3 =	vld [tilespmem:s4+$0x1C034]  }
0x234: {  	v1 =	vor.u32 v2, v1  }
.Ltmp6:
0x235: {  	(pc) =	sbr.rel @p0 .LBB2_14-.Ltmp6, $3  }
0x236: {  	_ =	sdelay $0x1  }
0x237: {  	[tilespmem:s4+$0x1DC20] =	vst v0;
	v2 =	vshll.u32 v3, $0x3  }
0x238: {  	s5 =	sshra.s32 s6, $0x2;
	s6 =	sadd.s32 $0x200, s6;
	v0 =	vld.idx.msk [tilespmem:v1+s1+$0x0], $0xffff;
	v1 =	vand.u32 $0x400, v2;
	v2 =	vshrl.u32 v3, $0x1;
	v3 =	vand.u32 $0xFFFFF87F, v3  }
0x239: {  	v4 =	vld [tilespmem:s5+$0x1C000]  }
0x23a: {  	v2 =	vand.u32 $0x380, v2;
	v1 =	vor.u32 v1, v3  }
0x23b: {  	v1 =	vor.u32 v2, v1;
	_ =	sdelay $0x2  }
0x23c: {  	[tilespmem:s4+$0x1DC30] =	vst v0;
	v2 =	vshll.u32 v4, $0x3  }
0x23d: {  	v3 =	vand.u32 $0xFFFFF87F, v4;
	v0 =	vand.u32 $0x400, v2;
	v2 =	vshrl.u32 v4, $0x1;
	v4 =	vld [tilespmem:s5+$0x1C010]  }
0x23e: {  	v1 =	vld.idx.msk [tilespmem:v1+s1+$0x0], $0xffff;
	v2 =	vand.u32 $0x380, v2;
	v0 =	vor.u32 v0, v3  }
0x23f: {  	v0 =	vor.u32 v2, v0;
	_ =	sdelay $0x3  }
0x240: {  	v2 =	vshll.u32 v4, $0x3;
	[tilespmem:s4+$0x1DC34] =	vst v1  }
0x241: {  	v3 =	vand.u32 $0xFFFFF87F, v4;
	v1 =	vand.u32 $0x400, v2;
	v2 =	vshrl.u32 v4, $0x1;
	v0 =	vld.idx.msk [tilespmem:v0+s1+$0x0], $0xffff  }
0x242: {  	v2 =	vand.u32 $0x380, v2;
	v1 =	vor.u32 v1, v3;
	v3 =	vld [tilespmem:s5+$0x1C020]  }
0x243: {  	v1 =	vor.u32 v2, v1;
	_ =	sdelay $0x3  }
0x244: {  	v4 =	vld [tilespmem:s5+$0x1C030];
	[tilespmem:s5+$0x1DC00] =	vst v0;
	v0 =	vshll.u32 v3, $0x3  }
0x245: {  	v2 =	vshrl.u32 v3, $0x1;
	v3 =	vand.u32 $0xFFFFF87F, v3;
	v1 =	vld.idx.msk [tilespmem:v1+s1+$0x0], $0xffff;
	v0 =	vand.u32 $0x400, v0  }
0x246: {  	v2 =	vand.u32 $0x380, v2;
	v0 =	vor.u32 v0, v3  }
0x247: {  	v0 =	vor.u32 v2, v0;
	_ =	sdelay $0x2  }
0x248: {  	[tilespmem:s5+$0x1DC10] =	vst v1;
	v1 =	vshll.u32 v4, $0x3  }
0x249: {  	v3 =	vand.u32 $0xFFFFF87F, v4;
	v2 =	vshrl.u32 v4, $0x1;
	v4 =	vld [tilespmem:s5+$0x1C034];
	v1 =	vand.u32 $0x400, v1  }
0x24a: {  	v2 =	vand.u32 $0x380, v2;
	v0 =	vld.idx.msk [tilespmem:v0+s1+$0x0], $0xffff;
	v1 =	vor.u32 v1, v3  }
0x24b: {  	v1 =	vor.u32 v2, v1;
	_ =	sdelay $0x2  }
0x24c: {  	v2 =	vshll.u32 v4, $0x3  }
0x24d: {  	v3 =	vand.u32 $0xFFFFF87F, v4;
	[tilespmem:s5+$0x1DC20] =	vst v0;
	v0 =	vand.u32 $0x400, v2;
	v2 =	vshrl.u32 v4, $0x1  }
0x24e: {  	v1 =	vld.idx.msk [tilespmem:v1+s1+$0x0], $0xffff;
	v2 =	vand.u32 $0x380, v2;
	v0 =	vor.u32 v0, v3  }
0x24f: {  	v0 =	vor.u32 v2, v0;
	_ =	sdelay $0x3  }
0x250: {  	[tilespmem:s5+$0x1DC30] =	vst v1  }
0x251: {  	v0 =	vld.idx.msk [tilespmem:v0+s1+$0x0], $0xffff;
	_ =	sdelay $0x4  }
0x252: {  	s6 =	simm.s32 $0x0;
	[tilespmem:s5+$0x1DC34] =	vst v0  }
0x253: {  	[hbm4b:s24+s6] =	stream.linear.scatter [tilespmem:s0], [sflag:$0x3], $0x1C00, $0x38;
	[tilespmem:$0x1F800] =	vst v63  }
0x254: {  	_ =	swait.ge [sflag:s31], $0x1C00  }
0x255: {  	[sflag:s31] =	ssyncset.done $0x0  }
0x256: {  	[sflag:s31] =	ssyncadd.s32 $0xFFFFE400  }
0x257: {  	[tilespmem:s30], [sflag:$0x3] =	stream.linear.gather [hbm4b:s25+s6], $0x1C00, $0x38;
	[tilespmem:$0x1F800] =	vst v63  }
0x258: {  	_ =	swait.ge [sflag:s31], $0x1C00  }
0x259: {  	[sflag:s31] =	ssyncset.done $0x0  }
0x25a: {  	[sflag:s31] =	ssyncadd.s32 $0xFFFFE400  }
0x25b: {  	_ =	swait.ge [sflag:s2], $0xE000  }
0x25c: {  	[sflag:s2] =	ssyncset.done $0x0  }
0x25d: {  	s4 =	simm.s32 $0x0;
	[sflag:s2] =	ssyncadd.s32 $0xFFFF2000  }
0x25e: {  	v0 =	vld [tilespmem:s4+$0x1C000];
	_ =	sdelay $0x4  }
0x25f: {  	v1 =	vshll.u32 v0, $0x3  }
0x260: {  	v2 =	vshrl.u32 v0, $0x1;
	v0 =	vand.u32 $0xFFFFF87F, v0;
	v1 =	vand.u32 $0x400, v1  }
0x261: {  	v2 =	vand.u32 $0x380, v2;
	v0 =	vor.u32 v1, v0;
	v1 =	vld [tilespmem:s4+$0x1C010]  }
0x262: {  	v0 =	vor.u32 v2, v0;
	_ =	sdelay $0x3  }
0x263: {  	v2 =	vshll.u32 v1, $0x3  }
0x264: {  	v3 =	vshrl.u32 v1, $0x1;
	v1 =	vand.u32 $0xFFFFF87F, v1;
	v0 =	vld.idx.msk [tilespmem:v0+s29+$0x0], $0xffff;
	v2 =	vand.u32 $0x400, v2  }
0x265: {  	v3 =	vand.u32 $0x380, v3;
	v1 =	vor.u32 v2, v1;
	v2 =	vld [tilespmem:s4+$0x1C020]  }
0x266: {  	v1 =	vor.u32 v3, v1;
	_ =	sdelay $0x3  }
0x267: {  	[tilespmem:s4+$0x1DC00] =	vst v0;
	v0 =	vshll.u32 v2, $0x3  }
0x268: {  	v3 =	vshrl.u32 v2, $0x1;
	v2 =	vand.u32 $0xFFFFF87F, v2;
	v1 =	vld.idx.msk [tilespmem:v1+s29+$0x0], $0xffff;
	v0 =	vand.u32 $0x400, v0  }
0x269: {  	v0 =	vor.u32 v0, v2;
	v2 =	vld [tilespmem:s4+$0x1C030]  }
0x26a: {  	v3 =	vand.u32 $0x380, v3  }
0x26b: {  	v0 =	vor.u32 v3, v0;
	_ =	sdelay $0x2  }
0x26c: {  	[tilespmem:s4+$0x1DC10] =	vst v1;
	v1 =	vshll.u32 v2, $0x3  }
0x26d: {  	v4 =	vld [tilespmem:s4+$0x1C034];
	v3 =	vshrl.u32 v2, $0x1;
	v2 =	vand.u32 $0xFFFFF87F, v2;
	v1 =	vand.u32 $0x400, v1  }
0x26e: {  	v0 =	vld.idx.msk [tilespmem:v0+s29+$0x0], $0xffff;
	v3 =	vand.u32 $0x380, v3;
	v1 =	vor.u32 v1, v2  }
0x26f: {  	v1 =	vor.u32 v3, v1;
	_ =	sdelay $0x3  }
0x270: {  	v2 =	vshll.u32 v4, $0x3;
	[tilespmem:s4+$0x1DC20] =	vst v0  }
0x271: {  	s5 =	simm.s32 $0x80;
	s6 =	simm.s32 $0x400;
	v3 =	vand.u32 $0xFFFFF87F, v4;
	v0 =	vld.idx.msk [tilespmem:v1+s29+$0x0], $0xffff;
	v1 =	vand.u32 $0x400, v2;
	v2 =	vshrl.u32 v4, $0x1  }
.LBB2_16:
0x272: {  	p0 =	sne.s32 s6, $0x6E00;
	v4 =	vld [tilespmem:s5+$0x1C000];
	v2 =	vand.u32 $0x380, v2;
	v1 =	vor.u32 v1, v3  }
0x273: {  	v1 =	vor.u32 v2, v1;
	_ =	sdelay $0x3  }
0x274: {  	v2 =	vshll.u32 v4, $0x3;
	[tilespmem:s4+$0x1DC30] =	vst v0  }
0x275: {  	v3 =	vand.u32 $0xFFFFF87F, v4;
	v0 =	vand.u32 $0x400, v2;
	v2 =	vshrl.u32 v4, $0x1;
	v1 =	vld.idx.msk [tilespmem:v1+s29+$0x0], $0xffff  }
0x276: {  	v2 =	vand.u32 $0x380, v2;
	v0 =	vor.u32 v0, v3;
	v3 =	vld [tilespmem:s5+$0x1C010]  }
0x277: {  	v0 =	vor.u32 v2, v0;
	_ =	sdelay $0x3  }
0x278: {  	v2 =	vshll.u32 v3, $0x3;
	[tilespmem:s4+$0x1DC34] =	vst v1;
	s4 =	smov.u32 s5  }
0x279: {  	v0 =	vld.idx.msk [tilespmem:v0+s29+$0x0], $0xffff;
	v1 =	vand.u32 $0x400, v2;
	v2 =	vshrl.u32 v3, $0x1;
	v3 =	vand.u32 $0xFFFFF87F, v3  }
0x27a: {  	v2 =	vand.u32 $0x380, v2;
	v1 =	vor.u32 v1, v3;
	v3 =	vld [tilespmem:s4+$0x1C020]  }
0x27b: {  	v1 =	vor.u32 v2, v1;
	_ =	sdelay $0x3  }
0x27c: {  	[tilespmem:s4+$0x1DC00] =	vst v0;
	v0 =	vshll.u32 v3, $0x3  }
0x27d: {  	v2 =	vshrl.u32 v3, $0x1;
	v3 =	vand.u32 $0xFFFFF87F, v3;
	v1 =	vld.idx.msk [tilespmem:v1+s29+$0x0], $0xffff;
	v0 =	vand.u32 $0x400, v0  }
0x27e: {  	v2 =	vand.u32 $0x380, v2;
	v0 =	vor.u32 v0, v3;
	v3 =	vld [tilespmem:s4+$0x1C030]  }
0x27f: {  	v0 =	vor.u32 v2, v0;
	_ =	sdelay $0x3  }
0x280: {  	[tilespmem:s4+$0x1DC10] =	vst v1;
	v1 =	vshll.u32 v3, $0x3  }
0x281: {  	v2 =	vshrl.u32 v3, $0x1;
	v3 =	vand.u32 $0xFFFFF87F, v3;
	v0 =	vld.idx.msk [tilespmem:v0+s29+$0x0], $0xffff;
	v1 =	vand.u32 $0x400, v1  }
0x282: {  	v2 =	vand.u32 $0x380, v2;
	v1 =	vor.u32 v1, v3;
	v3 =	vld [tilespmem:s4+$0x1C034]  }
0x283: {  	v1 =	vor.u32 v2, v1  }
.Ltmp7:
0x284: {  	(pc) =	sbr.rel @p0 .LBB2_16-.Ltmp7, $3  }
0x285: {  	_ =	sdelay $0x1  }
0x286: {  	[tilespmem:s4+$0x1DC20] =	vst v0;
	v2 =	vshll.u32 v3, $0x3  }
0x287: {  	s5 =	sshra.s32 s6, $0x2;
	s6 =	sadd.s32 $0x200, s6;
	v0 =	vld.idx.msk [tilespmem:v1+s29+$0x0], $0xffff;
	v1 =	vand.u32 $0x400, v2;
	v2 =	vshrl.u32 v3, $0x1;
	v3 =	vand.u32 $0xFFFFF87F, v3  }
0x288: {  	v4 =	vld [tilespmem:s5+$0x1C000];
	v2 =	vand.u32 $0x380, v2;
	v1 =	vor.u32 v1, v3  }
0x289: {  	v1 =	vor.u32 v2, v1;
	_ =	sdelay $0x2  }
0x28a: {  	[tilespmem:s4+$0x1DC30] =	vst v0  }
0x28b: {  	v43 =	vshll.u32 v4, $0x3;
	v47 =	vld [tilespmem:s5+$0x1C010]  }
0x28c: {  	v45 =	vshrl.u32 v4, $0x1;
	v46 =	vand.u32 $0xFFFFF87F, v4;
	v44 =	vand.u32 $0x400, v43;
	v1 =	vld.idx.msk [tilespmem:v1+s29+$0x0], $0xffff  }
0x28d: {  	v2 =	vand.u32 $0x380, v45;
	v0 =	vor.u32 v44, v46  }
0x28e: {  	v0 =	vor.u32 v2, v0;
	_ =	sdelay $0x2  }
0x28f: {  	v48 =	vshll.u32 v47, $0x3;
	[tilespmem:s4+$0x1DC34] =	vst v1  }
0x290: {  	v50 =	vshrl.u32 v47, $0x1;
	v51 =	vand.u32 $0xFFFFF87F, v47;
	v49 =	vand.u32 $0x400, v48;
	v52 =	vld [tilespmem:s5+$0x1C020]  }
0x291: {  	v2 =	vand.u32 $0x380, v50;
	v1 =	vor.u32 v49, v51;
	v0 =	vld.idx.msk [tilespmem:v0+s29+$0x0], $0xffff  }
0x292: {  	v1 =	vor.u32 v2, v1;
	_ =	sdelay $0x2  }
0x293: {  	v53 =	vshll.u32 v52, $0x3  }
0x294: {  	v55 =	vld [tilespmem:s5+$0x1C030];
	v54 =	vshrl.u32 v52, $0x1;
	v3 =	vand.u32 $0xFFFFF87F, v52;
	[tilespmem:s5+$0x1DC00] =	vst v0;
	v0 =	vand.u32 $0x400, v53  }
0x295: {  	v2 =	vand.u32 $0x380, v54;
	v1 =	vld.idx.msk [tilespmem:v1+s29+$0x0], $0xffff;
	v0 =	vor.u32 v0, v3  }
0x296: {  	v0 =	vor.u32 v2, v0;
	_ =	sdelay $0x2  }
0x297: {  	v56 =	vshll.u32 v55, $0x3  }
0x298: {  	v59 =	vld [tilespmem:s5+$0x1C034];
	v57 =	vshrl.u32 v55, $0x1;
	v58 =	vand.u32 $0xFFFFF87F, v55;
	[tilespmem:s5+$0x1DC10] =	vst v1;
	v1 =	vand.u32 $0x400, v56  }
0x299: {  	v2 =	vand.u32 $0x380, v57;
	v0 =	vld.idx.msk [tilespmem:v0+s29+$0x0], $0xffff;
	v1 =	vor.u32 v1, v58  }
0x29a: {  	v1 =	vor.u32 v2, v1;
	_ =	sdelay $0x2  }
0x29b: {  	v60 =	vshll.u32 v59, $0x3  }
0x29c: {  	v62 =	vshrl.u32 v59, $0x1;
	v63 =	vand.u32 $0xFFFFF87F, v59;
	v61 =	vand.u32 $0x400, v60;
	[tilespmem:s5+$0x1DC20] =	vst v0  }
0x29d: {  	v2 =	vand.u32 $0x380, v62;
	v0 =	vor.u32 v61, v63;
	v1 =	vld.idx.msk [tilespmem:v1+s29+$0x0], $0xffff  }
0x29e: {  	v0 =	vor.u32 v2, v0;
	_ =	sdelay $0x3  }
0x29f: {  	[tilespmem:s5+$0x1DC30] =	vst v1  }
0x2a0: {  	v0 =	vld.idx.msk [tilespmem:v0+s29+$0x0], $0xffff;
	_ =	sdelay $0x2  }
0x2a1: {  	s3 =	sadd.s32 $0x1, s3  }
0x2a2: {  	p0 =	sne.s32 s3, s28  }
.Ltmp8:
0x2a3: {  	[tilespmem:s5+$0x1DC34] =	vst v0;
	(pc) =	sbr.rel @p0 .LBB2_1-.Ltmp8, $4  }
0x2a4: {  	[hbm4b:s26+s1] =	stream.linear.scatter [tilespmem:s0], [sflag:$0x3], $0x1C00, $0x38;
	[tilespmem:$0x1F800] =	vst v63  }
0x2a5: {  	_ =	swait.ge [sflag:s31], $0x1C00  }
0x2a6: {  	[sflag:s31] =	ssyncset.done $0x0  }
0x2a7: {  	[sflag:s31] =	ssyncadd.s32 $0xFFFFE400  }
0x2a8: {  	_ =	sfence.sel $0x180000  }
0x2a9: {  	[bflag:$0x0] =	sbarrier.arrive $0xFFFF  }
0x2aa: {  	_ =	strace $0x90000047  }
0x2ab: {  	s0 =	stileid.u32;
	[bflag:$0x2] =	sbarrier.arrive $0xFFFF  }
0x2ac: {  	p0 =	sne.s32 s0, $0x0;
	s0 =	rddreg [dreg:$0x1]  }
0x2ad: {  	s0 =	sadd.s32 @!p0 $0x100000, s0  }
0x2ae: {  	[sflag:s0] =	ssyncadd.tile.s32 @!p0 $0x1;
	_ =	shalt  }
.Lfunc_end2:
_tile_overlayer_lowered:
.L_overlay_start_2:
0x2af: {  	(tag) =	ssettag $0x2  }
0x2b0: {  	s0 =	rddreg [dreg:$0x0];
	s2 =	stileid.u32  }
0x2b1: {  	s1 =	rddreg [dreg:$0x1];
	p0 =	sne.s32 s2, $0x0  }
0x2b2: {  	s3 =	rddreg [dreg:$0x2];
	[bflag:$0x3] =	sbarrier.arrive $0xFFFF;
	s2 =	simm.s32 @!p0 $0x1C03  }
0x2b3: {  	[timem:s3], [sflag:s2] =	dma.local @!p0 [hbm:s0], s1  }
0x2b4: {  	s0 =	simm.s32 @!p0 $0x3  }
0x2b5: {  	_ =	swait.ge @!p0 [sflag:s0], s1  }
0x2b6: {  	s1 =	ssub.s32 @!p0 $0x0, s1;
	[sflag:s0] =	ssyncset.done @!p0 $0x0  }
0x2b7: {  	[sflag:s0] =	ssyncadd.s32 @!p0 s1  }
0x2b8: {  	[bflag:$0x3] =	sbarrier.arrive $0xFFFF  }
0x2b9: {  	_ =	shalt  }

</sc_bundles>
